<compile_context>
chip_gen: v7x
topology: tpu7x:2x2x1
jax: 0.10.2.dev20260603
libtpu: 0.0.44.dev20260713+nightly
codegen_flags: <defaults>
</compile_context>

<pallas_src>
import functools

import jax
import jax.numpy as jnp
from jax import lax
from jax.experimental import pallas as pl
from jax.experimental.pallas import tpu as pltpu
from jax.experimental.pallas import tpu_sc as plsc

_VOCAB = 64
_HID = 8

_NC = 2
_NS = 16
_NW = _NC * _NS

_C = 512
_L = 16


def _sc_body(n_chunks, seq, wt_hbm, ids_hbm, lg_hbm, hid_hbm,
             wt_v, ctab_v, ids_v, blk0, blk1, hblk0, hblk1,
             sl0, sl1, sh0, sh1):
    b = lax.axis_index("s") * _NC + lax.axis_index("c")

    cp_w = pltpu.async_copy(wt_hbm, wt_v, sl0)
    cp_i = pltpu.async_copy(ids_hbm.at[b, :], ids_v, sh0)
    cp_w.wait()

    z16 = jnp.zeros((_L,), jnp.float32)
    for c in range(0, _VOCAB, _L):
        ctab_v[2, pl.ds(c, _L)] = z16
        for h in range(_HID):
            ctab_v[3 + h, pl.ds(c, _L)] = wt_v[h, pl.ds(c, _L)]
        t = wt_v[0, pl.ds(c, _L)] * 10.0 + 0.5
        ti = jnp.maximum(t.astype(jnp.int32), 0) % _VOCAB
        ctab_v[0, pl.ds(c, _L)] = ti.astype(jnp.float32)

    def zrow(row, carry):
        z = jnp.zeros((_L,), jnp.float32)
        for col in range(0, _C, _L):
            blk0[row, pl.ds(col, _L)] = z
            blk1[row, pl.ds(col, _L)] = z
        return carry
    lax.fori_loop(0, _VOCAB, zrow, 0)
    cp_i.wait()

    lane = lax.iota(jnp.int32, _L)
    bufs = ((blk0, hblk0, sl0, sh0), (blk1, hblk1, sl1, sh1))

    def scatter(blk, base, zero):
        @plsc.parallel_loop(0, _C, _L, unroll=4)
        def _(off):
            ids16 = ids_v[pl.ds(base + off, _L)]
            r0 = jnp.zeros((_L,), jnp.int32)
            idx_f = plsc.load_gather(ctab_v, [r0, ids16])
            idx16 = idx_f.astype(jnp.int32)
            if zero:
                val16 = jnp.zeros((_L,), jnp.float32)
            else:
                val16 = idx_f / 10.0
            plsc.store_scatter(blk, [idx16, lane + off], val16)

    def hfill(hblk, base):
        @plsc.parallel_loop(0, _C, _L, unroll=2)
        def _(off):
            ids16 = ids_v[pl.ds(base + off, _L)]
            r0 = jnp.zeros((_L,), jnp.int32)
            for h in range(_HID):
                vh = plsc.load_gather(ctab_v, [r0 + (3 + h), ids16])
                hblk[h, pl.ds(off, _L)] = vh

    def step(g, carry):
        for buf, (blk, hblk, sl, sh) in enumerate(bufs):
            i = g * 2 + buf
            s0 = i * _C

            @pl.when(g > 0)
            def _recycle():
                pltpu.make_async_copy(blk, lg_hbm.at[b, :, pl.ds(s0, _C)],
                                      sl).wait()
                pltpu.make_async_copy(hblk, hid_hbm.at[b, :, pl.ds(s0, _C)],
                                      sh).wait()
                scatter(blk, (i - 2) * _C, zero=True)

            scatter(blk, s0, zero=False)
            pltpu.async_copy(blk, lg_hbm.at[b, :, pl.ds(s0, _C)], sl)
            hfill(hblk, s0)
            pltpu.async_copy(hblk, hid_hbm.at[b, :, pl.ds(s0, _C)], sh)
        return carry

    lax.fori_loop(0, n_chunks // 2, step, 0)

    for blk, hblk, sl, sh in bufs:
        pltpu.make_async_copy(blk, lg_hbm.at[b, :, pl.ds(0, _C)], sl).wait()
        pltpu.make_async_copy(hblk, hid_hbm.at[b, :, pl.ds(0, _C)], sh).wait()


def _sc_run(wt, ids2d, bsz, seq):
    assert bsz == _NW and seq % (2 * _C) == 0
    n_chunks = seq // _C
    mesh = plsc.VectorSubcoreMesh(core_axis_name="c", subcore_axis_name="s")
    k = functools.partial(
        pl.kernel,
        out_type=[
            jax.ShapeDtypeStruct((bsz, _VOCAB, seq), jnp.float32),
            jax.ShapeDtypeStruct((bsz, _HID, seq), jnp.float32),
        ],
        mesh=mesh,
        compiler_params=pltpu.CompilerParams(needs_layout_passes=False),
        scratch_types=[
            pltpu.VMEM((_HID, _VOCAB), jnp.float32),
            pltpu.VMEM((16, 128), jnp.float32),
            pltpu.VMEM((seq,), jnp.int32),
            pltpu.VMEM((_VOCAB, _C), jnp.float32),
            pltpu.VMEM((_VOCAB, _C), jnp.float32),
            pltpu.VMEM((_HID, _C), jnp.float32),
            pltpu.VMEM((_HID, _C), jnp.float32),
            pltpu.SemaphoreType.DMA,
            pltpu.SemaphoreType.DMA,
            pltpu.SemaphoreType.DMA,
            pltpu.SemaphoreType.DMA,
        ],
    )(functools.partial(_sc_body, n_chunks, seq))
    return k(wt, ids2d)


def kernel(input_ids, embedding_weight):
    bsz, seq = input_ids.shape
    ids2d = input_ids.astype(jnp.int32)
    wt = jnp.swapaxes(embedding_weight, 0, 1)
    lg_t, hid_t = _sc_run(wt, ids2d, bsz, seq)
    logits = jnp.swapaxes(lg_t, 1, 2)
    hidden = jnp.swapaxes(hid_t, 1, 2)
    return logits, hidden

# --- scband reference (transcript-rebuilt; emitter-appended) ---
"""Pipeline reference for scband-fake-model-12257836663262 (READ-ONLY COPY).

The authoritative reference and input builder live on the scoring server;
editing this copy changes nothing except your own understanding.
"""

import jax, jax.numpy as jnp
import numpy as np

VOCAB = 64
HIDDEN = 8
BATCH = 32
SEQ = 8192


def setup_inputs(seed: int = 0) -> dict:
    key = jax.random.key(seed)
    input_ids = jax.random.randint(key, (BATCH, SEQ), 0, VOCAB)
    # embedding weight exactly as set in the torch module's __init__
    embedding_weight = (jnp.arange(VOCAB * HIDDEN, dtype=jnp.float32).reshape(VOCAB, HIDDEN) / 100.0)
    return {"input_ids": input_ids, "embedding_weight": embedding_weight}


def reference(input_ids, embedding_weight):
    # hidden = self.embedding(input_ids).float()
    hidden = jnp.take(embedding_weight, input_ids, axis=0).astype(jnp.float32)
    B, S, _ = hidden.shape
    # token_basis = (hidden[..., 0] * 10).round().long().clamp(min=0)
    token_basis = jnp.round(hidden[..., 0] * 10.0).astype(jnp.int32)
    token_basis = jnp.clip(token_basis, 0, None)
    idx = token_basis % VOCAB
    vals = idx.astype(jnp.float32) / 10.0
    # logits.scatter_(-1, idx.unsqueeze(-1), vals.unsqueeze(-1))  -> scatter-overwrite
    logits = jnp.zeros((B, S, VOCAB), dtype=jnp.float32)
    b = jnp.arange(B)[:, None]
    s = jnp.arange(S)[None, :]
    logits = logits.at[b, s, idx].set(vals)
    # model returns SimpleNamespace(logits=..., hidden_states=[hidden, hidden], attentions=None)
    return logits, hidden

if __name__ == "__main__":
    import jax
    _d = setup_inputs()
    print(jax.jit(kernel)(*tuple(_d.values())))

</pallas_src>

<mosaic_0001>
#map = affine_map<(d0, d1) -> (0, 0)>
#map1 = affine_map<(d0, d1) -> (0, 0, 0)>
module attributes {stable_mosaic.version = 14 : i64} {
  func.func @_sc_body(%arg0: i32, %arg1: i32, %arg2: memref<8x64xf32, #tpu.memory_space<hbm>>, %arg3: memref<32x8192xi32, #tpu.memory_space<hbm>>, %arg4: memref<32x64x8192xf32, #tpu.memory_space<hbm>>, %arg5: memref<32x8x8192xf32, #tpu.memory_space<hbm>>, %arg6: memref<8x64xf32, #tpu.memory_space<vmem>>, %arg7: memref<16x128xf32, #tpu.memory_space<vmem>>, %arg8: memref<8192xi32, #tpu.memory_space<vmem>>, %arg9: memref<64x512xf32, #tpu.memory_space<vmem>>, %arg10: memref<64x512xf32, #tpu.memory_space<vmem>>, %arg11: memref<8x512xf32, #tpu.memory_space<vmem>>, %arg12: memref<8x512xf32, #tpu.memory_space<vmem>>, %arg13: memref<!tpu.dma_semaphore, #tpu.memory_space<semaphore_mem>>, %arg14: memref<!tpu.dma_semaphore, #tpu.memory_space<semaphore_mem>>, %arg15: memref<!tpu.dma_semaphore, #tpu.memory_space<semaphore_mem>>, %arg16: memref<!tpu.dma_semaphore, #tpu.memory_space<semaphore_mem>>) attributes {dimension_semantics = [#tpu.dimension_semantics<core_parallel>, #tpu.dimension_semantics<subcore_parallel>], iteration_bounds = array<i64: 2, 16>, scalar_prefetch = 0 : i64, scratch_operands = 11 : i64, tpu.core_type = #tpu.core_type<sc_vector_subcore>, window_params = [{transform_indices = #map}, {transform_indices = #map}, {transform_indices = #map1}, {transform_indices = #map1}]} {
    %mul3A = arith.constant 2 : i32
    %mul3A_0 = arith.muli %arg1, %mul3A : i32
    %add3A = arith.addi %mul3A_0, %arg0 : i32
    tpu.enqueue_dma source(%arg2 : memref<8x64xf32, #tpu.memory_space<hbm>>) target(%arg6 : memref<8x64xf32, #tpu.memory_space<vmem>>) target_semaphore(%arg13 : memref<!tpu.dma_semaphore, #tpu.memory_space<semaphore_mem>>)
    %dma_start3A = arith.constant 0 : i32
    %dma_start3A_1 = tpu.memref_slice %arg3[%add3A, %dma_start3A] : memref<32x8192xi32, #tpu.memory_space<hbm>> -> memref<1x8192xi32, #tpu.memory_space<hbm>>
    %dma_start3A_2 = tpu.memref_squeeze %dma_start3A_1 : memref<1x8192xi32, #tpu.memory_space<hbm>> -> memref<8192xi32, #tpu.memory_space<hbm>>
    %dma_start3A_3 = arith.constant 0 : i32
    %dma_start3A_4 = tpu.memref_slice %arg3[%add3A, %dma_start3A_3] : memref<32x8192xi32, #tpu.memory_space<hbm>> -> memref<1x8192xi32, #tpu.memory_space<hbm>>
    %dma_start3A_5 = tpu.memref_squeeze %dma_start3A_4 : memref<1x8192xi32, #tpu.memory_space<hbm>> -> memref<8192xi32, #tpu.memory_space<hbm>>
    tpu.enqueue_dma source(%dma_start3A_5 : memref<8192xi32, #tpu.memory_space<hbm>>) target(%arg8 : memref<8192xi32, #tpu.memory_space<vmem>>) target_semaphore(%arg15 : memref<!tpu.dma_semaphore, #tpu.memory_space<semaphore_mem>>)
    tpu.wait_dma2 semaphore(%arg13 : memref<!tpu.dma_semaphore, #tpu.memory_space<semaphore_mem>>) src(%arg2 : memref<8x64xf32, #tpu.memory_space<hbm>>) dst(%arg6 : memref<8x64xf32, #tpu.memory_space<vmem>>)
    %broadcast_in_dim3A = arith.constant 0.000000e+00 : f32
    %broadcast_in_dim3A_6 = vector.broadcast %broadcast_in_dim3A : f32 to vector<16xf32>
    %swap3A = arith.constant 2 : i32
    %swap3A_7 = arith.index_cast %swap3A : i32 to index
    %swap3A_8 = arith.constant 0 : index
    %swap3A_9 = tpu.vector_load %arg7[%swap3A_7, %swap3A_8] {strides = array<i32>} : memref<16x128xf32, #tpu.memory_space<vmem>>, vector<16xf32>,
    tpu.vector_store %arg7[%swap3A_7, %swap3A_8], %broadcast_in_dim3A_6 {strides = array<i32>} : memref<16x128xf32, #tpu.memory_space<vmem>>, vector<16xf32>,
    %get3A = arith.constant 0 : i32
    %get3A_10 = arith.index_cast %get3A : i32 to index
    %get3A_11 = arith.constant 0 : index
    %get3A_12 = tpu.vector_load %arg6[%get3A_10, %get3A_11] {strides = array<i32>} : memref<8x64xf32, #tpu.memory_space<vmem>>, vector<16xf32>,
    %swap3A_13 = arith.constant 3 : i32
    %swap3A_14 = arith.index_cast %swap3A_13 : i32 to index
    %swap3A_15 = arith.constant 0 : index
    %swap3A_16 = tpu.vector_load %arg7[%swap3A_14, %swap3A_15] {strides = array<i32>} : memref<16x128xf32, #tpu.memory_space<vmem>>, vector<16xf32>,
    tpu.vector_store %arg7[%swap3A_14, %swap3A_15], %get3A_12 {strides = array<i32>} : memref<16x128xf32, #tpu.memory_space<vmem>>, vector<16xf32>,
    %get3A_17 = arith.constant 1 : i32
    %get3A_18 = arith.index_cast %get3A_17 : i32 to index
    %get3A_19 = arith.constant 0 : index
    %get3A_20 = tpu.vector_load %arg6[%get3A_18, %get3A_19] {strides = array<i32>} : memref<8x64xf32, #tpu.memory_space<vmem>>, vector<16xf32>,
    %swap3A_21 = arith.constant 4 : i32
    %swap3A_22 = arith.index_cast %swap3A_21 : i32 to index
    %swap3A_23 = arith.constant 0 : index
    %swap3A_24 = tpu.vector_load %arg7[%swap3A_22, %swap3A_23] {strides = array<i32>} : memref<16x128xf32, #tpu.memory_space<vmem>>, vector<16xf32>,
    tpu.vector_store %arg7[%swap3A_22, %swap3A_23], %get3A_20 {strides = array<i32>} : memref<16x128xf32, #tpu.memory_space<vmem>>, vector<16xf32>,
    %get3A_25 = arith.constant 2 : i32
    %get3A_26 = arith.index_cast %get3A_25 : i32 to index
    %get3A_27 = arith.constant 0 : index
    %get3A_28 = tpu.vector_load %arg6[%get3A_26, %get3A_27] {strides = array<i32>} : memref<8x64xf32, #tpu.memory_space<vmem>>, vector<16xf32>,
    %swap3A_29 = arith.constant 5 : i32
    %swap3A_30 = arith.index_cast %swap3A_29 : i32 to index
    %swap3A_31 = arith.constant 0 : index
    %swap3A_32 = tpu.vector_load %arg7[%swap3A_30, %swap3A_31] {strides = array<i32>} : memref<16x128xf32, #tpu.memory_space<vmem>>, vector<16xf32>,
    tpu.vector_store %arg7[%swap3A_30, %swap3A_31], %get3A_28 {strides = array<i32>} : memref<16x128xf32, #tpu.memory_space<vmem>>, vector<16xf32>,
    %get3A_33 = arith.constant 3 : i32
    %get3A_34 = arith.index_cast %get3A_33 : i32 to index
    %get3A_35 = arith.constant 0 : index
    %get3A_36 = tpu.vector_load %arg6[%get3A_34, %get3A_35] {strides = array<i32>} : memref<8x64xf32, #tpu.memory_space<vmem>>, vector<16xf32>,
    %swap3A_37 = arith.constant 6 : i32
    %swap3A_38 = arith.index_cast %swap3A_37 : i32 to index
    %swap3A_39 = arith.constant 0 : index
    %swap3A_40 = tpu.vector_load %arg7[%swap3A_38, %swap3A_39] {strides = array<i32>} : memref<16x128xf32, #tpu.memory_space<vmem>>, vector<16xf32>,
    tpu.vector_store %arg7[%swap3A_38, %swap3A_39], %get3A_36 {strides = array<i32>} : memref<16x128xf32, #tpu.memory_space<vmem>>, vector<16xf32>,
    %get3A_41 = arith.constant 4 : i32
    %get3A_42 = arith.index_cast %get3A_41 : i32 to index
    %get3A_43 = arith.constant 0 : index
    %get3A_44 = tpu.vector_load %arg6[%get3A_42, %get3A_43] {strides = array<i32>} : memref<8x64xf32, #tpu.memory_space<vmem>>, vector<16xf32>,
    %swap3A_45 = arith.constant 7 : i32
    %swap3A_46 = arith.index_cast %swap3A_45 : i32 to index
    %swap3A_47 = arith.constant 0 : index
    %swap3A_48 = tpu.vector_load %arg7[%swap3A_46, %swap3A_47] {strides = array<i32>} : memref<16x128xf32, #tpu.memory_space<vmem>>, vector<16xf32>,
    tpu.vector_store %arg7[%swap3A_46, %swap3A_47], %get3A_44 {strides = array<i32>} : memref<16x128xf32, #tpu.memory_space<vmem>>, vector<16xf32>,
    %get3A_49 = arith.constant 5 : i32
    %get3A_50 = arith.index_cast %get3A_49 : i32 to index
    %get3A_51 = arith.constant 0 : index
    %get3A_52 = tpu.vector_load %arg6[%get3A_50, %get3A_51] {strides = array<i32>} : memref<8x64xf32, #tpu.memory_space<vmem>>, vector<16xf32>,
    %swap3A_53 = arith.constant 8 : i32
    %swap3A_54 = arith.index_cast %swap3A_53 : i32 to index
    %swap3A_55 = arith.constant 0 : index
    %swap3A_56 = tpu.vector_load %arg7[%swap3A_54, %swap3A_55] {strides = array<i32>} : memref<16x128xf32, #tpu.memory_space<vmem>>, vector<16xf32>,
    tpu.vector_store %arg7[%swap3A_54, %swap3A_55], %get3A_52 {strides = array<i32>} : memref<16x128xf32, #tpu.memory_space<vmem>>, vector<16xf32>,
    %get3A_57 = arith.constant 6 : i32
    %get3A_58 = arith.index_cast %get3A_57 : i32 to index
    %get3A_59 = arith.constant 0 : index
    %get3A_60 = tpu.vector_load %arg6[%get3A_58, %get3A_59] {strides = array<i32>} : memref<8x64xf32, #tpu.memory_space<vmem>>, vector<16xf32>,
    %swap3A_61 = arith.constant 9 : i32
    %swap3A_62 = arith.index_cast %swap3A_61 : i32 to index
    %swap3A_63 = arith.constant 0 : index
    %swap3A_64 = tpu.vector_load %arg7[%swap3A_62, %swap3A_63] {strides = array<i32>} : memref<16x128xf32, #tpu.memory_space<vmem>>, vector<16xf32>,
    tpu.vector_store %arg7[%swap3A_62, %swap3A_63], %get3A_60 {strides = array<i32>} : memref<16x128xf32, #tpu.memory_space<vmem>>, vector<16xf32>,
    %get3A_65 = arith.constant 7 : i32
    %get3A_66 = arith.index_cast %get3A_65 : i32 to index
    %get3A_67 = arith.constant 0 : index
    %get3A_68 = tpu.vector_load %arg6[%get3A_66, %get3A_67] {strides = array<i32>} : memref<8x64xf32, #tpu.memory_space<vmem>>, vector<16xf32>,
    %swap3A_69 = arith.constant 10 : i32
    %swap3A_70 = arith.index_cast %swap3A_69 : i32 to index
    %swap3A_71 = arith.constant 0 : index
    %swap3A_72 = tpu.vector_load %arg7[%swap3A_70, %swap3A_71] {strides = array<i32>} : memref<16x128xf32, #tpu.memory_space<vmem>>, vector<16xf32>,
    tpu.vector_store %arg7[%swap3A_70, %swap3A_71], %get3A_68 {strides = array<i32>} : memref<16x128xf32, #tpu.memory_space<vmem>>, vector<16xf32>,
    %get3A_73 = arith.constant 0 : i32
    %get3A_74 = arith.index_cast %get3A_73 : i32 to index
    %get3A_75 = arith.constant 0 : index
    %get3A_76 = tpu.vector_load %arg6[%get3A_74, %get3A_75] {strides = array<i32>} : memref<8x64xf32, #tpu.memory_space<vmem>>, vector<16xf32>,
    %mul3A_77 = arith.constant 1.000000e+01 : f32
    %mul3A_78 = vector.broadcast %mul3A_77 : f32 to vector<16xf32>
    %mul3A_79 = arith.mulf %get3A_76, %mul3A_78 : vector<16xf32>
    %add3A_80 = arith.constant 5.000000e-01 : f32
    %add3A_81 = vector.broadcast %add3A_80 : f32 to vector<16xf32>
    %add3A_82 = arith.addf %mul3A_79, %add3A_81 : vector<16xf32>
    %convert_element_type3A = arith.fptosi %add3A_82 : vector<16xf32> to vector<16xi32>
    %max3A = arith.constant 0 : i32
    %max3A_83 = vector.broadcast %max3A : i32 to vector<16xi32>
    %max3A_84 = arith.maxsi %convert_element_type3A, %max3A_83 : vector<16xi32>
    %jit3A = arith.constant 64 : i32
    %eq3A = arith.constant 0 : i32
    %eq3A_85 = arith.cmpi eq, %jit3A, %eq3A : i32
    %jit3A_86 = arith.constant 1 : i32
    %select_n3A = arith.select %eq3A_85, %jit3A_86, %jit3A : i32
    %rem3A = vector.broadcast %select_n3A : i32 to vector<16xi32>
    %rem3A_87 = arith.remsi %max3A_84, %rem3A : vector<16xi32>
    %ne3A = arith.constant 0 : i32
    %ne3A_88 = vector.broadcast %ne3A : i32 to vector<16xi32>
    %ne3A_89 = arith.cmpi ne, %rem3A_87, %ne3A_88 : vector<16xi32>
    %lt3A = arith.constant 0 : i32
    %lt3A_90 = vector.broadcast %lt3A : i32 to vector<16xi32>
    %lt3A_91 = arith.cmpi slt, %rem3A_87, %lt3A_90 : vector<16xi32>
    %lt3A_92 = arith.constant 0 : i32
    %lt3A_93 = arith.cmpi slt, %select_n3A, %lt3A_92 : i32
    %ne3A_94 = vector.broadcast %lt3A_93 : i1 to vector<16xi1>
    %ne3A_95 = vector.broadcast %ne3A_94 : vector<16xi1> to vector<16xi1>
    %ne3A_96 = arith.xori %lt3A_91, %ne3A_95 : vector<16xi1>
    %and3A = arith.andi %ne3A_96, %ne3A_89 : vector<16xi1>
    %add3A_97 = vector.broadcast %select_n3A : i32 to vector<16xi32>
    %add3A_98 = arith.addi %rem3A_87, %add3A_97 : vector<16xi32>
    %select_n3A_99 = arith.select %and3A, %add3A_98, %rem3A_87 : vector<16xi1>, vector<16xi32>
    %convert_element_type3A_100 = arith.sitofp %select_n3A_99 : vector<16xi32> to vector<16xf32>
    %swap3A_101 = arith.constant 0 : i32
    %swap3A_102 = arith.index_cast %swap3A_101 : i32 to index
    %swap3A_103 = arith.constant 0 : index
    %swap3A_104 = tpu.vector_load %arg7[%swap3A_102, %swap3A_103] {strides = array<i32>} : memref<16x128xf32, #tpu.memory_space<vmem>>, vector<16xf32>,
    tpu.vector_store %arg7[%swap3A_102, %swap3A_103], %convert_element_type3A_100 {strides = array<i32>} : memref<16x128xf32, #tpu.memory_space<vmem>>, vector<16xf32>,
    %swap3A_105 = arith.constant 2 : i32
    %swap3A_106 = arith.index_cast %swap3A_105 : i32 to index
    %swap3A_107 = arith.constant 16 : index
    %swap3A_108 = tpu.vector_load %arg7[%swap3A_106, %swap3A_107] {strides = array<i32>} : memref<16x128xf32, #tpu.memory_space<vmem>>, vector<16xf32>,
    tpu.vector_store %arg7[%swap3A_106, %swap3A_107], %broadcast_in_dim3A_6 {strides = array<i32>} : memref<16x128xf32, #tpu.memory_space<vmem>>, vector<16xf32>,
    %get3A_109 = arith.constant 0 : i32
    %get3A_110 = arith.index_cast %get3A_109 : i32 to index
    %get3A_111 = arith.constant 16 : index
    %get3A_112 = tpu.vector_load %arg6[%get3A_110, %get3A_111] {strides = array<i32>} : memref<8x64xf32, #tpu.memory_space<vmem>>, vector<16xf32>,
    %swap3A_113 = arith.constant 3 : i32
    %swap3A_114 = arith.index_cast %swap3A_113 : i32 to index
    %swap3A_115 = arith.constant 16 : index
    %swap3A_116 = tpu.vector_load %arg7[%swap3A_114, %swap3A_115] {strides = array<i32>} : memref<16x128xf32, #tpu.memory_space<vmem>>, vector<16xf32>,
    tpu.vector_store %arg7[%swap3A_114, %swap3A_115], %get3A_112 {strides = array<i32>} : memref<16x128xf32, #tpu.memory_space<vmem>>, vector<16xf32>,
    %get3A_117 = arith.constant 1 : i32
    %get3A_118 = arith.index_cast %get3A_117 : i32 to index
    %get3A_119 = arith.constant 16 : index
    %get3A_120 = tpu.vector_load %arg6[%get3A_118, %get3A_119] {strides = array<i32>} : memref<8x64xf32, #tpu.memory_space<vmem>>, vector<16xf32>,
    %swap3A_121 = arith.constant 4 : i32
    %swap3A_122 = arith.index_cast %swap3A_121 : i32 to index
    %swap3A_123 = arith.constant 16 : index
    %swap3A_124 = tpu.vector_load %arg7[%swap3A_122, %swap3A_123] {strides = array<i32>} : memref<16x128xf32, #tpu.memory_space<vmem>>, vector<16xf32>,
    tpu.vector_store %arg7[%swap3A_122, %swap3A_123], %get3A_120 {strides = array<i32>} : memref<16x128xf32, #tpu.memory_space<vmem>>, vector<16xf32>,
    %get3A_125 = arith.constant 2 : i32
    %get3A_126 = arith.index_cast %get3A_125 : i32 to index
    %get3A_127 = arith.constant 16 : index
    %get3A_128 = tpu.vector_load %arg6[%get3A_126, %get3A_127] {strides = array<i32>} : memref<8x64xf32, #tpu.memory_space<vmem>>, vector<16xf32>,
    %swap3A_129 = arith.constant 5 : i32
    %swap3A_130 = arith.index_cast %swap3A_129 : i32 to index
    %swap3A_131 = arith.constant 16 : index
    %swap3A_132 = tpu.vector_load %arg7[%swap3A_130, %swap3A_131] {strides = array<i32>} : memref<16x128xf32, #tpu.memory_space<vmem>>, vector<16xf32>,
    tpu.vector_store %arg7[%swap3A_130, %swap3A_131], %get3A_128 {strides = array<i32>} : memref<16x128xf32, #tpu.memory_space<vmem>>, vector<16xf32>,
    %get3A_133 = arith.constant 3 : i32
    %get3A_134 = arith.index_cast %get3A_133 : i32 to index
    %get3A_135 = arith.constant 16 : index
    %get3A_136 = tpu.vector_load %arg6[%get3A_134, %get3A_135] {strides = array<i32>} : memref<8x64xf32, #tpu.memory_space<vmem>>, vector<16xf32>,
    %swap3A_137 = arith.constant 6 : i32
    %swap3A_138 = arith.index_cast %swap3A_137 : i32 to index
    %swap3A_139 = arith.constant 16 : index
    %swap3A_140 = tpu.vector_load %arg7[%swap3A_138, %swap3A_139] {strides = array<i32>} : memref<16x128xf32, #tpu.memory_space<vmem>>, vector<16xf32>,
    tpu.vector_store %arg7[%swap3A_138, %swap3A_139], %get3A_136 {strides = array<i32>} : memref<16x128xf32, #tpu.memory_space<vmem>>, vector<16xf32>,
    %get3A_141 = arith.constant 4 : i32
    %get3A_142 = arith.index_cast %get3A_141 : i32 to index
    %get3A_143 = arith.constant 16 : index
    %get3A_144 = tpu.vector_load %arg6[%get3A_142, %get3A_143] {strides = array<i32>} : memref<8x64xf32, #tpu.memory_space<vmem>>, vector<16xf32>,
    %swap3A_145 = arith.constant 7 : i32
    %swap3A_146 = arith.index_cast %swap3A_145 : i32 to index
    %swap3A_147 = arith.constant 16 : index
    %swap3A_148 = tpu.vector_load %arg7[%swap3A_146, %swap3A_147] {strides = array<i32>} : memref<16x128xf32, #tpu.memory_space<vmem>>, vector<16xf32>,
    tpu.vector_store %arg7[%swap3A_146, %swap3A_147], %get3A_144 {strides = array<i32>} : memref<16x128xf32, #tpu.memory_space<vmem>>, vector<16xf32>,
    %get3A_149 = arith.constant 5 : i32
    %get3A_150 = arith.index_cast %get3A_149 : i32 to index
    %get3A_151 = arith.constant 16 : index
    %get3A_152 = tpu.vector_load %arg6[%get3A_150, %get3A_151] {strides = array<i32>} : memref<8x64xf32, #tpu.memory_space<vmem>>, vector<16xf32>,
    %swap3A_153 = arith.constant 8 : i32
    %swap3A_154 = arith.index_cast %swap3A_153 : i32 to index
    %swap3A_155 = arith.constant 16 : index
    %swap3A_156 = tpu.vector_load %arg7[%swap3A_154, %swap3A_155] {strides = array<i32>} : memref<16x128xf32, #tpu.memory_space<vmem>>, vector<16xf32>,
    tpu.vector_store %arg7[%swap3A_154, %swap3A_155], %get3A_152 {strides = array<i32>} : memref<16x128xf32, #tpu.memory_space<vmem>>, vector<16xf32>,
    %get3A_157 = arith.constant 6 : i32
    %get3A_158 = arith.index_cast %get3A_157 : i32 to index
    %get3A_159 = arith.constant 16 : index
    %get3A_160 = tpu.vector_load %arg6[%get3A_158, %get3A_159] {strides = array<i32>} : memref<8x64xf32, #tpu.memory_space<vmem>>, vector<16xf32>,
    %swap3A_161 = arith.constant 9 : i32
    %swap3A_162 = arith.index_cast %swap3A_161 : i32 to index
    %swap3A_163 = arith.constant 16 : index
    %swap3A_164 = tpu.vector_load %arg7[%swap3A_162, %swap3A_163] {strides = array<i32>} : memref<16x128xf32, #tpu.memory_space<vmem>>, vector<16xf32>,
    tpu.vector_store %arg7[%swap3A_162, %swap3A_163], %get3A_160 {strides = array<i32>} : memref<16x128xf32, #tpu.memory_space<vmem>>, vector<16xf32>,
    %get3A_165 = arith.constant 7 : i32
    %get3A_166 = arith.index_cast %get3A_165 : i32 to index
    %get3A_167 = arith.constant 16 : index
    %get3A_168 = tpu.vector_load %arg6[%get3A_166, %get3A_167] {strides = array<i32>} : memref<8x64xf32, #tpu.memory_space<vmem>>, vector<16xf32>,
    %swap3A_169 = arith.constant 10 : i32
    %swap3A_170 = arith.index_cast %swap3A_169 : i32 to index
    %swap3A_171 = arith.constant 16 : index
    %swap3A_172 = tpu.vector_load %arg7[%swap3A_170, %swap3A_171] {strides = array<i32>} : memref<16x128xf32, #tpu.memory_space<vmem>>, vector<16xf32>,
    tpu.vector_store %arg7[%swap3A_170, %swap3A_171], %get3A_168 {strides = array<i32>} : memref<16x128xf32, #tpu.memory_space<vmem>>, vector<16xf32>,
    %get3A_173 = arith.constant 0 : i32
    %get3A_174 = arith.index_cast %get3A_173 : i32 to index
    %get3A_175 = arith.constant 16 : index
    %get3A_176 = tpu.vector_load %arg6[%get3A_174, %get3A_175] {strides = array<i32>} : memref<8x64xf32, #tpu.memory_space<vmem>>, vector<16xf32>,
    %mul3A_177 = arith.constant 1.000000e+01 : f32
    %mul3A_178 = vector.broadcast %mul3A_177 : f32 to vector<16xf32>
    %mul3A_179 = arith.mulf %get3A_176, %mul3A_178 : vector<16xf32>
    %add3A_180 = arith.constant 5.000000e-01 : f32
    %add3A_181 = vector.broadcast %add3A_180 : f32 to vector<16xf32>
    %add3A_182 = arith.addf %mul3A_179, %add3A_181 : vector<16xf32>
    %convert_element_type3A_183 = arith.fptosi %add3A_182 : vector<16xf32> to vector<16xi32>
    %max3A_184 = arith.constant 0 : i32
    %max3A_185 = vector.broadcast %max3A_184 : i32 to vector<16xi32>
    %max3A_186 = arith.maxsi %convert_element_type3A_183, %max3A_185 : vector<16xi32>
    %jit3A_187 = arith.constant 64 : i32
    %eq3A_188 = arith.constant 0 : i32
    %eq3A_189 = arith.cmpi eq, %jit3A_187, %eq3A_188 : i32
    %jit3A_190 = arith.constant 1 : i32
    %select_n3A_191 = arith.select %eq3A_189, %jit3A_190, %jit3A_187 : i32
    %rem3A_192 = vector.broadcast %select_n3A_191 : i32 to vector<16xi32>
    %rem3A_193 = arith.remsi %max3A_186, %rem3A_192 : vector<16xi32>
    %ne3A_194 = arith.constant 0 : i32
    %ne3A_195 = vector.broadcast %ne3A_194 : i32 to vector<16xi32>
    %ne3A_196 = arith.cmpi ne, %rem3A_193, %ne3A_195 : vector<16xi32>
    %lt3A_197 = arith.constant 0 : i32
    %lt3A_198 = vector.broadcast %lt3A_197 : i32 to vector<16xi32>
    %lt3A_199 = arith.cmpi slt, %rem3A_193, %lt3A_198 : vector<16xi32>
    %lt3A_200 = arith.constant 0 : i32
    %lt3A_201 = arith.cmpi slt, %select_n3A_191, %lt3A_200 : i32
    %ne3A_202 = vector.broadcast %lt3A_201 : i1 to vector<16xi1>
    %ne3A_203 = vector.broadcast %ne3A_202 : vector<16xi1> to vector<16xi1>
    %ne3A_204 = arith.xori %lt3A_199, %ne3A_203 : vector<16xi1>
    %and3A_205 = arith.andi %ne3A_204, %ne3A_196 : vector<16xi1>
    %add3A_206 = vector.broadcast %select_n3A_191 : i32 to vector<16xi32>
    %add3A_207 = arith.addi %rem3A_193, %add3A_206 : vector<16xi32>
    %select_n3A_208 = arith.select %and3A_205, %add3A_207, %rem3A_193 : vector<16xi1>, vector<16xi32>
    %convert_element_type3A_209 = arith.sitofp %select_n3A_208 : vector<16xi32> to vector<16xf32>
    %swap3A_210 = arith.constant 0 : i32
    %swap3A_211 = arith.index_cast %swap3A_210 : i32 to index
    %swap3A_212 = arith.constant 16 : index
    %swap3A_213 = tpu.vector_load %arg7[%swap3A_211, %swap3A_212] {strides = array<i32>} : memref<16x128xf32, #tpu.memory_space<vmem>>, vector<16xf32>,
    tpu.vector_store %arg7[%swap3A_211, %swap3A_212], %convert_element_type3A_209 {strides = array<i32>} : memref<16x128xf32, #tpu.memory_space<vmem>>, vector<16xf32>,
    %swap3A_214 = arith.constant 2 : i32
    %swap3A_215 = arith.index_cast %swap3A_214 : i32 to index
    %swap3A_216 = arith.constant 32 : index
    %swap3A_217 = tpu.vector_load %arg7[%swap3A_215, %swap3A_216] {strides = array<i32>} : memref<16x128xf32, #tpu.memory_space<vmem>>, vector<16xf32>,
    tpu.vector_store %arg7[%swap3A_215, %swap3A_216], %broadcast_in_dim3A_6 {strides = array<i32>} : memref<16x128xf32, #tpu.memory_space<vmem>>, vector<16xf32>,
    %get3A_218 = arith.constant 0 : i32
    %get3A_219 = arith.index_cast %get3A_218 : i32 to index
    %get3A_220 = arith.constant 32 : index
    %get3A_221 = tpu.vector_load %arg6[%get3A_219, %get3A_220] {strides = array<i32>} : memref<8x64xf32, #tpu.memory_space<vmem>>, vector<16xf32>,
    %swap3A_222 = arith.constant 3 : i32
    %swap3A_223 = arith.index_cast %swap3A_222 : i32 to index
    %swap3A_224 = arith.constant 32 : index
    %swap3A_225 = tpu.vector_load %arg7[%swap3A_223, %swap3A_224] {strides = array<i32>} : memref<16x128xf32, #tpu.memory_space<vmem>>, vector<16xf32>,
    tpu.vector_store %arg7[%swap3A_223, %swap3A_224], %get3A_221 {strides = array<i32>} : memref<16x128xf32, #tpu.memory_space<vmem>>, vector<16xf32>,
    %get3A_226 = arith.constant 1 : i32
    %get3A_227 = arith.index_cast %get3A_226 : i32 to index
    %get3A_228 = arith.constant 32 : index
    %get3A_229 = tpu.vector_load %arg6[%get3A_227, %get3A_228] {strides = array<i32>} : memref<8x64xf32, #tpu.memory_space<vmem>>, vector<16xf32>,
    %swap3A_230 = arith.constant 4 : i32
    %swap3A_231 = arith.index_cast %swap3A_230 : i32 to index
    %swap3A_232 = arith.constant 32 : index
    %swap3A_233 = tpu.vector_load %arg7[%swap3A_231, %swap3A_232] {strides = array<i32>} : memref<16x128xf32, #tpu.memory_space<vmem>>, vector<16xf32>,
    tpu.vector_store %arg7[%swap3A_231, %swap3A_232], %get3A_229 {strides = array<i32>} : memref<16x128xf32, #tpu.memory_space<vmem>>, vector<16xf32>,
    %get3A_234 = arith.constant 2 : i32
    %get3A_235 = arith.index_cast %get3A_234 : i32 to index
    %get3A_236 = arith.constant 32 : index
    %get3A_237 = tpu.vector_load %arg6[%get3A_235, %get3A_236] {strides = array<i32>} : memref<8x64xf32, #tpu.memory_space<vmem>>, vector<16xf32>,
    %swap3A_238 = arith.constant 5 : i32
    %swap3A_239 = arith.index_cast %swap3A_238 : i32 to index
    %swap3A_240 = arith.constant 32 : index
    %swap3A_241 = tpu.vector_load %arg7[%swap3A_239, %swap3A_240] {strides = array<i32>} : memref<16x128xf32, #tpu.memory_space<vmem>>, vector<16xf32>,
    tpu.vector_store %arg7[%swap3A_239, %swap3A_240], %get3A_237 {strides = array<i32>} : memref<16x128xf32, #tpu.memory_space<vmem>>, vector<16xf32>,
    %get3A_242 = arith.constant 3 : i32
    %get3A_243 = arith.index_cast %get3A_242 : i32 to index
    %get3A_244 = arith.constant 32 : index
    %get3A_245 = tpu.vector_load %arg6[%get3A_243, %get3A_244] {strides = array<i32>} : memref<8x64xf32, #tpu.memory_space<vmem>>, vector<16xf32>,
    %swap3A_246 = arith.constant 6 : i32
    %swap3A_247 = arith.index_cast %swap3A_246 : i32 to index
    %swap3A_248 = arith.constant 32 : index
    %swap3A_249 = tpu.vector_load %arg7[%swap3A_247, %swap3A_248] {strides = array<i32>} : memref<16x128xf32, #tpu.memory_space<vmem>>, vector<16xf32>,
    tpu.vector_store %arg7[%swap3A_247, %swap3A_248], %get3A_245 {strides = array<i32>} : memref<16x128xf32, #tpu.memory_space<vmem>>, vector<16xf32>,
    %get3A_250 = arith.constant 4 : i32
    %get3A_251 = arith.index_cast %get3A_250 : i32 to index
    %get3A_252 = arith.constant 32 : index
    %get3A_253 = tpu.vector_load %arg6[%get3A_251, %get3A_252] {strides = array<i32>} : memref<8x64xf32, #tpu.memory_space<vmem>>, vector<16xf32>,
    %swap3A_254 = arith.constant 7 : i32
    %swap3A_255 = arith.index_cast %swap3A_254 : i32 to index
    %swap3A_256 = arith.constant 32 : index
    %swap3A_257 = tpu.vector_load %arg7[%swap3A_255, %swap3A_256] {strides = array<i32>} : memref<16x128xf32, #tpu.memory_space<vmem>>, vector<16xf32>,
    tpu.vector_store %arg7[%swap3A_255, %swap3A_256], %get3A_253 {strides = array<i32>} : memref<16x128xf32, #tpu.memory_space<vmem>>, vector<16xf32>,
    %get3A_258 = arith.constant 5 : i32
    %get3A_259 = arith.index_cast %get3A_258 : i32 to index
    %get3A_260 = arith.constant 32 : index
    %get3A_261 = tpu.vector_load %arg6[%get3A_259, %get3A_260] {strides = array<i32>} : memref<8x64xf32, #tpu.memory_space<vmem>>, vector<16xf32>,
    %swap3A_262 = arith.constant 8 : i32
    %swap3A_263 = arith.index_cast %swap3A_262 : i32 to index
    %swap3A_264 = arith.constant 32 : index
    %swap3A_265 = tpu.vector_load %arg7[%swap3A_263, %swap3A_264] {strides = array<i32>} : memref<16x128xf32, #tpu.memory_space<vmem>>, vector<16xf32>,
    tpu.vector_store %arg7[%swap3A_263, %swap3A_264], %get3A_261 {strides = array<i32>} : memref<16x128xf32, #tpu.memory_space<vmem>>, vector<16xf32>,
    %get3A_266 = arith.constant 6 : i32
    %get3A_267 = arith.index_cast %get3A_266 : i32 to index
    %get3A_268 = arith.constant 32 : index
    %get3A_269 = tpu.vector_load %arg6[%get3A_267, %get3A_268] {strides = array<i32>} : memref<8x64xf32, #tpu.memory_space<vmem>>, vector<16xf32>,
    %swap3A_270 = arith.constant 9 : i32
    %swap3A_271 = arith.index_cast %swap3A_270 : i32 to index
    %swap3A_272 = arith.constant 32 : index
    %swap3A_273 = tpu.vector_load %arg7[%swap3A_271, %swap3A_272] {strides = array<i32>} : memref<16x128xf32, #tpu.memory_space<vmem>>, vector<16xf32>,
    tpu.vector_store %arg7[%swap3A_271, %swap3A_272], %get3A_269 {strides = array<i32>} : memref<16x128xf32, #tpu.memory_space<vmem>>, vector<16xf32>,
    %get3A_274 = arith.constant 7 : i32
    %get3A_275 = arith.index_cast %get3A_274 : i32 to index
    %get3A_276 = arith.constant 32 : index
    %get3A_277 = tpu.vector_load %arg6[%get3A_275, %get3A_276] {strides = array<i32>} : memref<8x64xf32, #tpu.memory_space<vmem>>, vector<16xf32>,
    %swap3A_278 = arith.constant 10 : i32
    %swap3A_279 = arith.index_cast %swap3A_278 : i32 to index
    %swap3A_280 = arith.constant 32 : index
    %swap3A_281 = tpu.vector_load %arg7[%swap3A_279, %swap3A_280] {strides = array<i32>} : memref<16x128xf32, #tpu.memory_space<vmem>>, vector<16xf32>,
    tpu.vector_store %arg7[%swap3A_279, %swap3A_280], %get3A_277 {strides = array<i32>} : memref<16x128xf32, #tpu.memory_space<vmem>>, vector<16xf32>,
    %get3A_282 = arith.constant 0 : i32
    %get3A_283 = arith.index_cast %get3A_282 : i32 to index
    %get3A_284 = arith.constant 32 : index
    %get3A_285 = tpu.vector_load %arg6[%get3A_283, %get3A_284] {strides = array<i32>} : memref<8x64xf32, #tpu.memory_space<vmem>>, vector<16xf32>,
    %mul3A_286 = arith.constant 1.000000e+01 : f32
    %mul3A_287 = vector.broadcast %mul3A_286 : f32 to vector<16xf32>
    %mul3A_288 = arith.mulf %get3A_285, %mul3A_287 : vector<16xf32>
    %add3A_289 = arith.constant 5.000000e-01 : f32
    %add3A_290 = vector.broadcast %add3A_289 : f32 to vector<16xf32>
    %add3A_291 = arith.addf %mul3A_288, %add3A_290 : vector<16xf32>
    %convert_element_type3A_292 = arith.fptosi %add3A_291 : vector<16xf32> to vector<16xi32>
    %max3A_293 = arith.constant 0 : i32
    %max3A_294 = vector.broadcast %max3A_293 : i32 to vector<16xi32>
    %max3A_295 = arith.maxsi %convert_element_type3A_292, %max3A_294 : vector<16xi32>
    %jit3A_296 = arith.constant 64 : i32
    %eq3A_297 = arith.constant 0 : i32
    %eq3A_298 = arith.cmpi eq, %jit3A_296, %eq3A_297 : i32
    %jit3A_299 = arith.constant 1 : i32
    %select_n3A_300 = arith.select %eq3A_298, %jit3A_299, %jit3A_296 : i32
    %rem3A_301 = vector.broadcast %select_n3A_300 : i32 to vector<16xi32>
    %rem3A_302 = arith.remsi %max3A_295, %rem3A_301 : vector<16xi32>
    %ne3A_303 = arith.constant 0 : i32
    %ne3A_304 = vector.broadcast %ne3A_303 : i32 to vector<16xi32>
    %ne3A_305 = arith.cmpi ne, %rem3A_302, %ne3A_304 : vector<16xi32>
    %lt3A_306 = arith.constant 0 : i32
    %lt3A_307 = vector.broadcast %lt3A_306 : i32 to vector<16xi32>
    %lt3A_308 = arith.cmpi slt, %rem3A_302, %lt3A_307 : vector<16xi32>
    %lt3A_309 = arith.constant 0 : i32
    %lt3A_310 = arith.cmpi slt, %select_n3A_300, %lt3A_309 : i32
    %ne3A_311 = vector.broadcast %lt3A_310 : i1 to vector<16xi1>
    %ne3A_312 = vector.broadcast %ne3A_311 : vector<16xi1> to vector<16xi1>
    %ne3A_313 = arith.xori %lt3A_308, %ne3A_312 : vector<16xi1>
    %and3A_314 = arith.andi %ne3A_313, %ne3A_305 : vector<16xi1>
    %add3A_315 = vector.broadcast %select_n3A_300 : i32 to vector<16xi32>
    %add3A_316 = arith.addi %rem3A_302, %add3A_315 : vector<16xi32>
    %select_n3A_317 = arith.select %and3A_314, %add3A_316, %rem3A_302 : vector<16xi1>, vector<16xi32>
    %convert_element_type3A_318 = arith.sitofp %select_n3A_317 : vector<16xi32> to vector<16xf32>
    %swap3A_319 = arith.constant 0 : i32
    %swap3A_320 = arith.index_cast %swap3A_319 : i32 to index
    %swap3A_321 = arith.constant 32 : index
    %swap3A_322 = tpu.vector_load %arg7[%swap3A_320, %swap3A_321] {strides = array<i32>} : memref<16x128xf32, #tpu.memory_space<vmem>>, vector<16xf32>,
    tpu.vector_store %arg7[%swap3A_320, %swap3A_321], %convert_element_type3A_318 {strides = array<i32>} : memref<16x128xf32, #tpu.memory_space<vmem>>, vector<16xf32>,
    %swap3A_323 = arith.constant 2 : i32
    %swap3A_324 = arith.index_cast %swap3A_323 : i32 to index
    %swap3A_325 = arith.constant 48 : index
    %swap3A_326 = tpu.vector_load %arg7[%swap3A_324, %swap3A_325] {strides = array<i32>} : memref<16x128xf32, #tpu.memory_space<vmem>>, vector<16xf32>,
    tpu.vector_store %arg7[%swap3A_324, %swap3A_325], %broadcast_in_dim3A_6 {strides = array<i32>} : memref<16x128xf32, #tpu.memory_space<vmem>>, vector<16xf32>,
    %get3A_327 = arith.constant 0 : i32
    %get3A_328 = arith.index_cast %get3A_327 : i32 to index
    %get3A_329 = arith.constant 48 : index
    %get3A_330 = tpu.vector_load %arg6[%get3A_328, %get3A_329] {strides = array<i32>} : memref<8x64xf32, #tpu.memory_space<vmem>>, vector<16xf32>,
    %swap3A_331 = arith.constant 3 : i32
    %swap3A_332 = arith.index_cast %swap3A_331 : i32 to index
    %swap3A_333 = arith.constant 48 : index
    %swap3A_334 = tpu.vector_load %arg7[%swap3A_332, %swap3A_333] {strides = array<i32>} : memref<16x128xf32, #tpu.memory_space<vmem>>, vector<16xf32>,
    tpu.vector_store %arg7[%swap3A_332, %swap3A_333], %get3A_330 {strides = array<i32>} : memref<16x128xf32, #tpu.memory_space<vmem>>, vector<16xf32>,
    %get3A_335 = arith.constant 1 : i32
    %get3A_336 = arith.index_cast %get3A_335 : i32 to index
    %get3A_337 = arith.constant 48 : index
    %get3A_338 = tpu.vector_load %arg6[%get3A_336, %get3A_337] {strides = array<i32>} : memref<8x64xf32, #tpu.memory_space<vmem>>, vector<16xf32>,
    %swap3A_339 = arith.constant 4 : i32
    %swap3A_340 = arith.index_cast %swap3A_339 : i32 to index
    %swap3A_341 = arith.constant 48 : index
    %swap3A_342 = tpu.vector_load %arg7[%swap3A_340, %swap3A_341] {strides = array<i32>} : memref<16x128xf32, #tpu.memory_space<vmem>>, vector<16xf32>,
    tpu.vector_store %arg7[%swap3A_340, %swap3A_341], %get3A_338 {strides = array<i32>} : memref<16x128xf32, #tpu.memory_space<vmem>>, vector<16xf32>,
    %get3A_343 = arith.constant 2 : i32
    %get3A_344 = arith.index_cast %get3A_343 : i32 to index
    %get3A_345 = arith.constant 48 : index
    %get3A_346 = tpu.vector_load %arg6[%get3A_344, %get3A_345] {strides = array<i32>} : memref<8x64xf32, #tpu.memory_space<vmem>>, vector<16xf32>,
    %swap3A_347 = arith.constant 5 : i32
    %swap3A_348 = arith.index_cast %swap3A_347 : i32 to index
    %swap3A_349 = arith.constant 48 : index
    %swap3A_350 = tpu.vector_load %arg7[%swap3A_348, %swap3A_349] {strides = array<i32>} : memref<16x128xf32, #tpu.memory_space<vmem>>, vector<16xf32>,
    tpu.vector_store %arg7[%swap3A_348, %swap3A_349], %get3A_346 {strides = array<i32>} : memref<16x128xf32, #tpu.memory_space<vmem>>, vector<16xf32>,
    %get3A_351 = arith.constant 3 : i32
    %get3A_352 = arith.index_cast %get3A_351 : i32 to index
    %get3A_353 = arith.constant 48 : index
    %get3A_354 = tpu.vector_load %arg6[%get3A_352, %get3A_353] {strides = array<i32>} : memref<8x64xf32, #tpu.memory_space<vmem>>, vector<16xf32>,
    %swap3A_355 = arith.constant 6 : i32
    %swap3A_356 = arith.index_cast %swap3A_355 : i32 to index
    %swap3A_357 = arith.constant 48 : index
    %swap3A_358 = tpu.vector_load %arg7[%swap3A_356, %swap3A_357] {strides = array<i32>} : memref<16x128xf32, #tpu.memory_space<vmem>>, vector<16xf32>,
    tpu.vector_store %arg7[%swap3A_356, %swap3A_357], %get3A_354 {strides = array<i32>} : memref<16x128xf32, #tpu.memory_space<vmem>>, vector<16xf32>,
    %get3A_359 = arith.constant 4 : i32
    %get3A_360 = arith.index_cast %get3A_359 : i32 to index
    %get3A_361 = arith.constant 48 : index
    %get3A_362 = tpu.vector_load %arg6[%get3A_360, %get3A_361] {strides = array<i32>} : memref<8x64xf32, #tpu.memory_space<vmem>>, vector<16xf32>,
    %swap3A_363 = arith.constant 7 : i32
    %swap3A_364 = arith.index_cast %swap3A_363 : i32 to index
    %swap3A_365 = arith.constant 48 : index
    %swap3A_366 = tpu.vector_load %arg7[%swap3A_364, %swap3A_365] {strides = array<i32>} : memref<16x128xf32, #tpu.memory_space<vmem>>, vector<16xf32>,
    tpu.vector_store %arg7[%swap3A_364, %swap3A_365], %get3A_362 {strides = array<i32>} : memref<16x128xf32, #tpu.memory_space<vmem>>, vector<16xf32>,
    %get3A_367 = arith.constant 5 : i32
    %get3A_368 = arith.index_cast %get3A_367 : i32 to index
    %get3A_369 = arith.constant 48 : index
    %get3A_370 = tpu.vector_load %arg6[%get3A_368, %get3A_369] {strides = array<i32>} : memref<8x64xf32, #tpu.memory_space<vmem>>, vector<16xf32>,
    %swap3A_371 = arith.constant 8 : i32
    %swap3A_372 = arith.index_cast %swap3A_371 : i32 to index
    %swap3A_373 = arith.constant 48 : index
    %swap3A_374 = tpu.vector_load %arg7[%swap3A_372, %swap3A_373] {strides = array<i32>} : memref<16x128xf32, #tpu.memory_space<vmem>>, vector<16xf32>,
    tpu.vector_store %arg7[%swap3A_372, %swap3A_373], %get3A_370 {strides = array<i32>} : memref<16x128xf32, #tpu.memory_space<vmem>>, vector<16xf32>,
    %get3A_375 = arith.constant 6 : i32
    %get3A_376 = arith.index_cast %get3A_375 : i32 to index
    %get3A_377 = arith.constant 48 : index
    %get3A_378 = tpu.vector_load %arg6[%get3A_376, %get3A_377] {strides = array<i32>} : memref<8x64xf32, #tpu.memory_space<vmem>>, vector<16xf32>,
    %swap3A_379 = arith.constant 9 : i32
    %swap3A_380 = arith.index_cast %swap3A_379 : i32 to index
    %swap3A_381 = arith.constant 48 : index
    %swap3A_382 = tpu.vector_load %arg7[%swap3A_380, %swap3A_381] {strides = array<i32>} : memref<16x128xf32, #tpu.memory_space<vmem>>, vector<16xf32>,
    tpu.vector_store %arg7[%swap3A_380, %swap3A_381], %get3A_378 {strides = array<i32>} : memref<16x128xf32, #tpu.memory_space<vmem>>, vector<16xf32>,
    %get3A_383 = arith.constant 7 : i32
    %get3A_384 = arith.index_cast %get3A_383 : i32 to index
    %get3A_385 = arith.constant 48 : index
    %get3A_386 = tpu.vector_load %arg6[%get3A_384, %get3A_385] {strides = array<i32>} : memref<8x64xf32, #tpu.memory_space<vmem>>, vector<16xf32>,
    %swap3A_387 = arith.constant 10 : i32
    %swap3A_388 = arith.index_cast %swap3A_387 : i32 to index
    %swap3A_389 = arith.constant 48 : index
    %swap3A_390 = tpu.vector_load %arg7[%swap3A_388, %swap3A_389] {strides = array<i32>} : memref<16x128xf32, #tpu.memory_space<vmem>>, vector<16xf32>,
    tpu.vector_store %arg7[%swap3A_388, %swap3A_389], %get3A_386 {strides = array<i32>} : memref<16x128xf32, #tpu.memory_space<vmem>>, vector<16xf32>,
    %get3A_391 = arith.constant 0 : i32
    %get3A_392 = arith.index_cast %get3A_391 : i32 to index
    %get3A_393 = arith.constant 48 : index
    %get3A_394 = tpu.vector_load %arg6[%get3A_392, %get3A_393] {strides = array<i32>} : memref<8x64xf32, #tpu.memory_space<vmem>>, vector<16xf32>,
    %mul3A_395 = arith.constant 1.000000e+01 : f32
    %mul3A_396 = vector.broadcast %mul3A_395 : f32 to vector<16xf32>
    %mul3A_397 = arith.mulf %get3A_394, %mul3A_396 : vector<16xf32>
    %add3A_398 = arith.constant 5.000000e-01 : f32
    %add3A_399 = vector.broadcast %add3A_398 : f32 to vector<16xf32>
    %add3A_400 = arith.addf %mul3A_397, %add3A_399 : vector<16xf32>
    %convert_element_type3A_401 = arith.fptosi %add3A_400 : vector<16xf32> to vector<16xi32>
    %max3A_402 = arith.constant 0 : i32
    %max3A_403 = vector.broadcast %max3A_402 : i32 to vector<16xi32>
    %max3A_404 = arith.maxsi %convert_element_type3A_401, %max3A_403 : vector<16xi32>
    %jit3A_405 = arith.constant 64 : i32
    %eq3A_406 = arith.constant 0 : i32
    %eq3A_407 = arith.cmpi eq, %jit3A_405, %eq3A_406 : i32
    %jit3A_408 = arith.constant 1 : i32
    %select_n3A_409 = arith.select %eq3A_407, %jit3A_408, %jit3A_405 : i32
    %rem3A_410 = vector.broadcast %select_n3A_409 : i32 to vector<16xi32>
    %rem3A_411 = arith.remsi %max3A_404, %rem3A_410 : vector<16xi32>
    %ne3A_412 = arith.constant 0 : i32
    %ne3A_413 = vector.broadcast %ne3A_412 : i32 to vector<16xi32>
    %ne3A_414 = arith.cmpi ne, %rem3A_411, %ne3A_413 : vector<16xi32>
    %lt3A_415 = arith.constant 0 : i32
    %lt3A_416 = vector.broadcast %lt3A_415 : i32 to vector<16xi32>
    %lt3A_417 = arith.cmpi slt, %rem3A_411, %lt3A_416 : vector<16xi32>
    %lt3A_418 = arith.constant 0 : i32
    %lt3A_419 = arith.cmpi slt, %select_n3A_409, %lt3A_418 : i32
    %ne3A_420 = vector.broadcast %lt3A_419 : i1 to vector<16xi1>
    %ne3A_421 = vector.broadcast %ne3A_420 : vector<16xi1> to vector<16xi1>
    %ne3A_422 = arith.xori %lt3A_417, %ne3A_421 : vector<16xi1>
    %and3A_423 = arith.andi %ne3A_422, %ne3A_414 : vector<16xi1>
    %add3A_424 = vector.broadcast %select_n3A_409 : i32 to vector<16xi32>
    %add3A_425 = arith.addi %rem3A_411, %add3A_424 : vector<16xi32>
    %select_n3A_426 = arith.select %and3A_423, %add3A_425, %rem3A_411 : vector<16xi1>, vector<16xi32>
    %convert_element_type3A_427 = arith.sitofp %select_n3A_426 : vector<16xi32> to vector<16xf32>
    %swap3A_428 = arith.constant 0 : i32
    %swap3A_429 = arith.index_cast %swap3A_428 : i32 to index
    %swap3A_430 = arith.constant 48 : index
    %swap3A_431 = tpu.vector_load %arg7[%swap3A_429, %swap3A_430] {strides = array<i32>} : memref<16x128xf32, #tpu.memory_space<vmem>>, vector<16xf32>,
    tpu.vector_store %arg7[%swap3A_429, %swap3A_430], %convert_element_type3A_427 {strides = array<i32>} : memref<16x128xf32, #tpu.memory_space<vmem>>, vector<16xf32>,
    %scan3A = arith.constant 0 : i32
    %scan3A_432 = arith.constant 0 : i32
    %scan3A_433 = arith.constant 64 : i32
    %scan3A_434 = arith.addi %scan3A_432, %scan3A_433 : i32
    %scan3A_435 = arith.constant 1 : i32
    scf.for %scan3A_480 = %scan3A_432 to %scan3A_434 step %scan3A_435  : i32 {
      %broadcast_in_dim3A_481 = arith.constant 0.000000e+00 : f32
      %broadcast_in_dim3A_482 = vector.broadcast %broadcast_in_dim3A_481 : f32 to vector<16xf32>
      %swap3A_483 = arith.index_cast %scan3A_480 : i32 to index
      %swap3A_484 = arith.constant 0 : index
      %swap3A_485 = tpu.vector_load %arg9[%swap3A_483, %swap3A_484] {strides = array<i32>} : memref<64x512xf32, #tpu.memory_space<vmem>>, vector<16xf32>,
      tpu.vector_store %arg9[%swap3A_483, %swap3A_484], %broadcast_in_dim3A_482 {strides = array<i32>} : memref<64x512xf32, #tpu.memory_space<vmem>>, vector<16xf32>,
      %swap3A_486 = arith.index_cast %scan3A_480 : i32 to index
      %swap3A_487 = arith.constant 0 : index
      %swap3A_488 = tpu.vector_load %arg10[%swap3A_486, %swap3A_487] {strides = array<i32>} : memref<64x512xf32, #tpu.memory_space<vmem>>, vector<16xf32>,
      tpu.vector_store %arg10[%swap3A_486, %swap3A_487], %broadcast_in_dim3A_482 {strides = array<i32>} : memref<64x512xf32, #tpu.memory_space<vmem>>, vector<16xf32>,
      %swap3A_489 = arith.index_cast %scan3A_480 : i32 to index
      %swap3A_490 = arith.constant 16 : index
      %swap3A_491 = tpu.vector_load %arg9[%swap3A_489, %swap3A_490] {strides = array<i32>} : memref<64x512xf32, #tpu.memory_space<vmem>>, vector<16xf32>,
      tpu.vector_store %arg9[%swap3A_489, %swap3A_490], %broadcast_in_dim3A_482 {strides = array<i32>} : memref<64x512xf32, #tpu.memory_space<vmem>>, vector<16xf32>,
      %swap3A_492 = arith.index_cast %scan3A_480 : i32 to index
      %swap3A_493 = arith.constant 16 : index
      %swap3A_494 = tpu.vector_load %arg10[%swap3A_492, %swap3A_493] {strides = array<i32>} : memref<64x512xf32, #tpu.memory_space<vmem>>, vector<16xf32>,
      tpu.vector_store %arg10[%swap3A_492, %swap3A_493], %broadcast_in_dim3A_482 {strides = array<i32>} : memref<64x512xf32, #tpu.memory_space<vmem>>, vector<16xf32>,
      %swap3A_495 = arith.index_cast %scan3A_480 : i32 to index
      %swap3A_496 = arith.constant 32 : index
      %swap3A_497 = tpu.vector_load %arg9[%swap3A_495, %swap3A_496] {strides = array<i32>} : memref<64x512xf32, #tpu.memory_space<vmem>>, vector<16xf32>,
      tpu.vector_store %arg9[%swap3A_495, %swap3A_496], %broadcast_in_dim3A_482 {strides = array<i32>} : memref<64x512xf32, #tpu.memory_space<vmem>>, vector<16xf32>,
      %swap3A_498 = arith.index_cast %scan3A_480 : i32 to index
      %swap3A_499 = arith.constant 32 : index
      %swap3A_500 = tpu.vector_load %arg10[%swap3A_498, %swap3A_499] {strides = array<i32>} : memref<64x512xf32, #tpu.memory_space<vmem>>, vector<16xf32>,
      tpu.vector_store %arg10[%swap3A_498, %swap3A_499], %broadcast_in_dim3A_482 {strides = array<i32>} : memref<64x512xf32, #tpu.memory_space<vmem>>, vector<16xf32>,
      %swap3A_501 = arith.index_cast %scan3A_480 : i32 to index
      %swap3A_502 = arith.constant 48 : index
      %swap3A_503 = tpu.vector_load %arg9[%swap3A_501, %swap3A_502] {strides = array<i32>} : memref<64x512xf32, #tpu.memory_space<vmem>>, vector<16xf32>,
      tpu.vector_store %arg9[%swap3A_501, %swap3A_502], %broadcast_in_dim3A_482 {strides = array<i32>} : memref<64x512xf32, #tpu.memory_space<vmem>>, vector<16xf32>,
      %swap3A_504 = arith.index_cast %scan3A_480 : i32 to index
      %swap3A_505 = arith.constant 48 : index
      %swap3A_506 = tpu.vector_load %arg10[%swap3A_504, %swap3A_505] {strides = array<i32>} : memref<64x512xf32, #tpu.memory_space<vmem>>, vector<16xf32>,
      tpu.vector_store %arg10[%swap3A_504, %swap3A_505], %broadcast_in_dim3A_482 {strides = array<i32>} : memref<64x512xf32, #tpu.memory_space<vmem>>, vector<16xf32>,
      %swap3A_507 = arith.index_cast %scan3A_480 : i32 to index
      %swap3A_508 = arith.constant 64 : index
      %swap3A_509 = tpu.vector_load %arg9[%swap3A_507, %swap3A_508] {strides = array<i32>} : memref<64x512xf32, #tpu.memory_space<vmem>>, vector<16xf32>,
      tpu.vector_store %arg9[%swap3A_507, %swap3A_508], %broadcast_in_dim3A_482 {strides = array<i32>} : memref<64x512xf32, #tpu.memory_space<vmem>>, vector<16xf32>,
      %swap3A_510 = arith.index_cast %scan3A_480 : i32 to index
      %swap3A_511 = arith.constant 64 : index
      %swap3A_512 = tpu.vector_load %arg10[%swap3A_510, %swap3A_511] {strides = array<i32>} : memref<64x512xf32, #tpu.memory_space<vmem>>, vector<16xf32>,
      tpu.vector_store %arg10[%swap3A_510, %swap3A_511], %broadcast_in_dim3A_482 {strides = array<i32>} : memref<64x512xf32, #tpu.memory_space<vmem>>, vector<16xf32>,
      %swap3A_513 = arith.index_cast %scan3A_480 : i32 to index
      %swap3A_514 = arith.constant 80 : index
      %swap3A_515 = tpu.vector_load %arg9[%swap3A_513, %swap3A_514] {strides = array<i32>} : memref<64x512xf32, #tpu.memory_space<vmem>>, vector<16xf32>,
      tpu.vector_store %arg9[%swap3A_513, %swap3A_514], %broadcast_in_dim3A_482 {strides = array<i32>} : memref<64x512xf32, #tpu.memory_space<vmem>>, vector<16xf32>,
      %swap3A_516 = arith.index_cast %scan3A_480 : i32 to index
      %swap3A_517 = arith.constant 80 : index
      %swap3A_518 = tpu.vector_load %arg10[%swap3A_516, %swap3A_517] {strides = array<i32>} : memref<64x512xf32, #tpu.memory_space<vmem>>, vector<16xf32>,
      tpu.vector_store %arg10[%swap3A_516, %swap3A_517], %broadcast_in_dim3A_482 {strides = array<i32>} : memref<64x512xf32, #tpu.memory_space<vmem>>, vector<16xf32>,
      %swap3A_519 = arith.index_cast %scan3A_480 : i32 to index
      %swap3A_520 = arith.constant 96 : index
      %swap3A_521 = tpu.vector_load %arg9[%swap3A_519, %swap3A_520] {strides = array<i32>} : memref<64x512xf32, #tpu.memory_space<vmem>>, vector<16xf32>,
      tpu.vector_store %arg9[%swap3A_519, %swap3A_520], %broadcast_in_dim3A_482 {strides = array<i32>} : memref<64x512xf32, #tpu.memory_space<vmem>>, vector<16xf32>,
      %swap3A_522 = arith.index_cast %scan3A_480 : i32 to index
      %swap3A_523 = arith.constant 96 : index
      %swap3A_524 = tpu.vector_load %arg10[%swap3A_522, %swap3A_523] {strides = array<i32>} : memref<64x512xf32, #tpu.memory_space<vmem>>, vector<16xf32>,
      tpu.vector_store %arg10[%swap3A_522, %swap3A_523], %broadcast_in_dim3A_482 {strides = array<i32>} : memref<64x512xf32, #tpu.memory_space<vmem>>, vector<16xf32>,
      %swap3A_525 = arith.index_cast %scan3A_480 : i32 to index
      %swap3A_526 = arith.constant 112 : index
      %swap3A_527 = tpu.vector_load %arg9[%swap3A_525, %swap3A_526] {strides = array<i32>} : memref<64x512xf32, #tpu.memory_space<vmem>>, vector<16xf32>,
      tpu.vector_store %arg9[%swap3A_525, %swap3A_526], %broadcast_in_dim3A_482 {strides = array<i32>} : memref<64x512xf32, #tpu.memory_space<vmem>>, vector<16xf32>,
      %swap3A_528 = arith.index_cast %scan3A_480 : i32 to index
      %swap3A_529 = arith.constant 112 : index
      %swap3A_530 = tpu.vector_load %arg10[%swap3A_528, %swap3A_529] {strides = array<i32>} : memref<64x512xf32, #tpu.memory_space<vmem>>, vector<16xf32>,
      tpu.vector_store %arg10[%swap3A_528, %swap3A_529], %broadcast_in_dim3A_482 {strides = array<i32>} : memref<64x512xf32, #tpu.memory_space<vmem>>, vector<16xf32>,
      %swap3A_531 = arith.index_cast %scan3A_480 : i32 to index
      %swap3A_532 = arith.constant 128 : index
      %swap3A_533 = tpu.vector_load %arg9[%swap3A_531, %swap3A_532] {strides = array<i32>} : memref<64x512xf32, #tpu.memory_space<vmem>>, vector<16xf32>,
      tpu.vector_store %arg9[%swap3A_531, %swap3A_532], %broadcast_in_dim3A_482 {strides = array<i32>} : memref<64x512xf32, #tpu.memory_space<vmem>>, vector<16xf32>,
      %swap3A_534 = arith.index_cast %scan3A_480 : i32 to index
      %swap3A_535 = arith.constant 128 : index
      %swap3A_536 = tpu.vector_load %arg10[%swap3A_534, %swap3A_535] {strides = array<i32>} : memref<64x512xf32, #tpu.memory_space<vmem>>, vector<16xf32>,
      tpu.vector_store %arg10[%swap3A_534, %swap3A_535], %broadcast_in_dim3A_482 {strides = array<i32>} : memref<64x512xf32, #tpu.memory_space<vmem>>, vector<16xf32>,
      %swap3A_537 = arith.index_cast %scan3A_480 : i32 to index
      %swap3A_538 = arith.constant 144 : index
      %swap3A_539 = tpu.vector_load %arg9[%swap3A_537, %swap3A_538] {strides = array<i32>} : memref<64x512xf32, #tpu.memory_space<vmem>>, vector<16xf32>,
      tpu.vector_store %arg9[%swap3A_537, %swap3A_538], %broadcast_in_dim3A_482 {strides = array<i32>} : memref<64x512xf32, #tpu.memory_space<vmem>>, vector<16xf32>,
      %swap3A_540 = arith.index_cast %scan3A_480 : i32 to index
      %swap3A_541 = arith.constant 144 : index
      %swap3A_542 = tpu.vector_load %arg10[%swap3A_540, %swap3A_541] {strides = array<i32>} : memref<64x512xf32, #tpu.memory_space<vmem>>, vector<16xf32>,
      tpu.vector_store %arg10[%swap3A_540, %swap3A_541], %broadcast_in_dim3A_482 {strides = array<i32>} : memref<64x512xf32, #tpu.memory_space<vmem>>, vector<16xf32>,
      %swap3A_543 = arith.index_cast %scan3A_480 : i32 to index
      %swap3A_544 = arith.constant 160 : index
      %swap3A_545 = tpu.vector_load %arg9[%swap3A_543, %swap3A_544] {strides = array<i32>} : memref<64x512xf32, #tpu.memory_space<vmem>>, vector<16xf32>,
      tpu.vector_store %arg9[%swap3A_543, %swap3A_544], %broadcast_in_dim3A_482 {strides = array<i32>} : memref<64x512xf32, #tpu.memory_space<vmem>>, vector<16xf32>,
      %swap3A_546 = arith.index_cast %scan3A_480 : i32 to index
      %swap3A_547 = arith.constant 160 : index
      %swap3A_548 = tpu.vector_load %arg10[%swap3A_546, %swap3A_547] {strides = array<i32>} : memref<64x512xf32, #tpu.memory_space<vmem>>, vector<16xf32>,
      tpu.vector_store %arg10[%swap3A_546, %swap3A_547], %broadcast_in_dim3A_482 {strides = array<i32>} : memref<64x512xf32, #tpu.memory_space<vmem>>, vector<16xf32>,
      %swap3A_549 = arith.index_cast %scan3A_480 : i32 to index
      %swap3A_550 = arith.constant 176 : index
      %swap3A_551 = tpu.vector_load %arg9[%swap3A_549, %swap3A_550] {strides = array<i32>} : memref<64x512xf32, #tpu.memory_space<vmem>>, vector<16xf32>,
      tpu.vector_store %arg9[%swap3A_549, %swap3A_550], %broadcast_in_dim3A_482 {strides = array<i32>} : memref<64x512xf32, #tpu.memory_space<vmem>>, vector<16xf32>,
      %swap3A_552 = arith.index_cast %scan3A_480 : i32 to index
      %swap3A_553 = arith.constant 176 : index
      %swap3A_554 = tpu.vector_load %arg10[%swap3A_552, %swap3A_553] {strides = array<i32>} : memref<64x512xf32, #tpu.memory_space<vmem>>, vector<16xf32>,
      tpu.vector_store %arg10[%swap3A_552, %swap3A_553], %broadcast_in_dim3A_482 {strides = array<i32>} : memref<64x512xf32, #tpu.memory_space<vmem>>, vector<16xf32>,
      %swap3A_555 = arith.index_cast %scan3A_480 : i32 to index
      %swap3A_556 = arith.constant 192 : index
      %swap3A_557 = tpu.vector_load %arg9[%swap3A_555, %swap3A_556] {strides = array<i32>} : memref<64x512xf32, #tpu.memory_space<vmem>>, vector<16xf32>,
      tpu.vector_store %arg9[%swap3A_555, %swap3A_556], %broadcast_in_dim3A_482 {strides = array<i32>} : memref<64x512xf32, #tpu.memory_space<vmem>>, vector<16xf32>,
      %swap3A_558 = arith.index_cast %scan3A_480 : i32 to index
      %swap3A_559 = arith.constant 192 : index
      %swap3A_560 = tpu.vector_load %arg10[%swap3A_558, %swap3A_559] {strides = array<i32>} : memref<64x512xf32, #tpu.memory_space<vmem>>, vector<16xf32>,
      tpu.vector_store %arg10[%swap3A_558, %swap3A_559], %broadcast_in_dim3A_482 {strides = array<i32>} : memref<64x512xf32, #tpu.memory_space<vmem>>, vector<16xf32>,
      %swap3A_561 = arith.index_cast %scan3A_480 : i32 to index
      %swap3A_562 = arith.constant 208 : index
      %swap3A_563 = tpu.vector_load %arg9[%swap3A_561, %swap3A_562] {strides = array<i32>} : memref<64x512xf32, #tpu.memory_space<vmem>>, vector<16xf32>,
      tpu.vector_store %arg9[%swap3A_561, %swap3A_562], %broadcast_in_dim3A_482 {strides = array<i32>} : memref<64x512xf32, #tpu.memory_space<vmem>>, vector<16xf32>,
      %swap3A_564 = arith.index_cast %scan3A_480 : i32 to index
      %swap3A_565 = arith.constant 208 : index
      %swap3A_566 = tpu.vector_load %arg10[%swap3A_564, %swap3A_565] {strides = array<i32>} : memref<64x512xf32, #tpu.memory_space<vmem>>, vector<16xf32>,
      tpu.vector_store %arg10[%swap3A_564, %swap3A_565], %broadcast_in_dim3A_482 {strides = array<i32>} : memref<64x512xf32, #tpu.memory_space<vmem>>, vector<16xf32>,
      %swap3A_567 = arith.index_cast %scan3A_480 : i32 to index
      %swap3A_568 = arith.constant 224 : index
      %swap3A_569 = tpu.vector_load %arg9[%swap3A_567, %swap3A_568] {strides = array<i32>} : memref<64x512xf32, #tpu.memory_space<vmem>>, vector<16xf32>,
      tpu.vector_store %arg9[%swap3A_567, %swap3A_568], %broadcast_in_dim3A_482 {strides = array<i32>} : memref<64x512xf32, #tpu.memory_space<vmem>>, vector<16xf32>,
      %swap3A_570 = arith.index_cast %scan3A_480 : i32 to index
      %swap3A_571 = arith.constant 224 : index
      %swap3A_572 = tpu.vector_load %arg10[%swap3A_570, %swap3A_571] {strides = array<i32>} : memref<64x512xf32, #tpu.memory_space<vmem>>, vector<16xf32>,
      tpu.vector_store %arg10[%swap3A_570, %swap3A_571], %broadcast_in_dim3A_482 {strides = array<i32>} : memref<64x512xf32, #tpu.memory_space<vmem>>, vector<16xf32>,
      %swap3A_573 = arith.index_cast %scan3A_480 : i32 to index
      %swap3A_574 = arith.constant 240 : index
      %swap3A_575 = tpu.vector_load %arg9[%swap3A_573, %swap3A_574] {strides = array<i32>} : memref<64x512xf32, #tpu.memory_space<vmem>>, vector<16xf32>,
      tpu.vector_store %arg9[%swap3A_573, %swap3A_574], %broadcast_in_dim3A_482 {strides = array<i32>} : memref<64x512xf32, #tpu.memory_space<vmem>>, vector<16xf32>,
      %swap3A_576 = arith.index_cast %scan3A_480 : i32 to index
      %swap3A_577 = arith.constant 240 : index
      %swap3A_578 = tpu.vector_load %arg10[%swap3A_576, %swap3A_577] {strides = array<i32>} : memref<64x512xf32, #tpu.memory_space<vmem>>, vector<16xf32>,
      tpu.vector_store %arg10[%swap3A_576, %swap3A_577], %broadcast_in_dim3A_482 {strides = array<i32>} : memref<64x512xf32, #tpu.memory_space<vmem>>, vector<16xf32>,
      %swap3A_579 = arith.index_cast %scan3A_480 : i32 to index
      %swap3A_580 = arith.constant 256 : index
      %swap3A_581 = tpu.vector_load %arg9[%swap3A_579, %swap3A_580] {strides = array<i32>} : memref<64x512xf32, #tpu.memory_space<vmem>>, vector<16xf32>,
      tpu.vector_store %arg9[%swap3A_579, %swap3A_580], %broadcast_in_dim3A_482 {strides = array<i32>} : memref<64x512xf32, #tpu.memory_space<vmem>>, vector<16xf32>,
      %swap3A_582 = arith.index_cast %scan3A_480 : i32 to index
      %swap3A_583 = arith.constant 256 : index
      %swap3A_584 = tpu.vector_load %arg10[%swap3A_582, %swap3A_583] {strides = array<i32>} : memref<64x512xf32, #tpu.memory_space<vmem>>, vector<16xf32>,
      tpu.vector_store %arg10[%swap3A_582, %swap3A_583], %broadcast_in_dim3A_482 {strides = array<i32>} : memref<64x512xf32, #tpu.memory_space<vmem>>, vector<16xf32>,
      %swap3A_585 = arith.index_cast %scan3A_480 : i32 to index
      %swap3A_586 = arith.constant 272 : index
      %swap3A_587 = tpu.vector_load %arg9[%swap3A_585, %swap3A_586] {strides = array<i32>} : memref<64x512xf32, #tpu.memory_space<vmem>>, vector<16xf32>,
      tpu.vector_store %arg9[%swap3A_585, %swap3A_586], %broadcast_in_dim3A_482 {strides = array<i32>} : memref<64x512xf32, #tpu.memory_space<vmem>>, vector<16xf32>,
      %swap3A_588 = arith.index_cast %scan3A_480 : i32 to index
      %swap3A_589 = arith.constant 272 : index
      %swap3A_590 = tpu.vector_load %arg10[%swap3A_588, %swap3A_589] {strides = array<i32>} : memref<64x512xf32, #tpu.memory_space<vmem>>, vector<16xf32>,
      tpu.vector_store %arg10[%swap3A_588, %swap3A_589], %broadcast_in_dim3A_482 {strides = array<i32>} : memref<64x512xf32, #tpu.memory_space<vmem>>, vector<16xf32>,
      %swap3A_591 = arith.index_cast %scan3A_480 : i32 to index
      %swap3A_592 = arith.constant 288 : index
      %swap3A_593 = tpu.vector_load %arg9[%swap3A_591, %swap3A_592] {strides = array<i32>} : memref<64x512xf32, #tpu.memory_space<vmem>>, vector<16xf32>,
      tpu.vector_store %arg9[%swap3A_591, %swap3A_592], %broadcast_in_dim3A_482 {strides = array<i32>} : memref<64x512xf32, #tpu.memory_space<vmem>>, vector<16xf32>,
      %swap3A_594 = arith.index_cast %scan3A_480 : i32 to index
      %swap3A_595 = arith.constant 288 : index
      %swap3A_596 = tpu.vector_load %arg10[%swap3A_594, %swap3A_595] {strides = array<i32>} : memref<64x512xf32, #tpu.memory_space<vmem>>, vector<16xf32>,
      tpu.vector_store %arg10[%swap3A_594, %swap3A_595], %broadcast_in_dim3A_482 {strides = array<i32>} : memref<64x512xf32, #tpu.memory_space<vmem>>, vector<16xf32>,
      %swap3A_597 = arith.index_cast %scan3A_480 : i32 to index
      %swap3A_598 = arith.constant 304 : index
      %swap3A_599 = tpu.vector_load %arg9[%swap3A_597, %swap3A_598] {strides = array<i32>} : memref<64x512xf32, #tpu.memory_space<vmem>>, vector<16xf32>,
      tpu.vector_store %arg9[%swap3A_597, %swap3A_598], %broadcast_in_dim3A_482 {strides = array<i32>} : memref<64x512xf32, #tpu.memory_space<vmem>>, vector<16xf32>,
      %swap3A_600 = arith.index_cast %scan3A_480 : i32 to index
      %swap3A_601 = arith.constant 304 : index
      %swap3A_602 = tpu.vector_load %arg10[%swap3A_600, %swap3A_601] {strides = array<i32>} : memref<64x512xf32, #tpu.memory_space<vmem>>, vector<16xf32>,
      tpu.vector_store %arg10[%swap3A_600, %swap3A_601], %broadcast_in_dim3A_482 {strides = array<i32>} : memref<64x512xf32, #tpu.memory_space<vmem>>, vector<16xf32>,
      %swap3A_603 = arith.index_cast %scan3A_480 : i32 to index
      %swap3A_604 = arith.constant 320 : index
      %swap3A_605 = tpu.vector_load %arg9[%swap3A_603, %swap3A_604] {strides = array<i32>} : memref<64x512xf32, #tpu.memory_space<vmem>>, vector<16xf32>,
      tpu.vector_store %arg9[%swap3A_603, %swap3A_604], %broadcast_in_dim3A_482 {strides = array<i32>} : memref<64x512xf32, #tpu.memory_space<vmem>>, vector<16xf32>,
      %swap3A_606 = arith.index_cast %scan3A_480 : i32 to index
      %swap3A_607 = arith.constant 320 : index
      %swap3A_608 = tpu.vector_load %arg10[%swap3A_606, %swap3A_607] {strides = array<i32>} : memref<64x512xf32, #tpu.memory_space<vmem>>, vector<16xf32>,
      tpu.vector_store %arg10[%swap3A_606, %swap3A_607], %broadcast_in_dim3A_482 {strides = array<i32>} : memref<64x512xf32, #tpu.memory_space<vmem>>, vector<16xf32>,
      %swap3A_609 = arith.index_cast %scan3A_480 : i32 to index
      %swap3A_610 = arith.constant 336 : index
      %swap3A_611 = tpu.vector_load %arg9[%swap3A_609, %swap3A_610] {strides = array<i32>} : memref<64x512xf32, #tpu.memory_space<vmem>>, vector<16xf32>,
      tpu.vector_store %arg9[%swap3A_609, %swap3A_610], %broadcast_in_dim3A_482 {strides = array<i32>} : memref<64x512xf32, #tpu.memory_space<vmem>>, vector<16xf32>,
      %swap3A_612 = arith.index_cast %scan3A_480 : i32 to index
      %swap3A_613 = arith.constant 336 : index
      %swap3A_614 = tpu.vector_load %arg10[%swap3A_612, %swap3A_613] {strides = array<i32>} : memref<64x512xf32, #tpu.memory_space<vmem>>, vector<16xf32>,
      tpu.vector_store %arg10[%swap3A_612, %swap3A_613], %broadcast_in_dim3A_482 {strides = array<i32>} : memref<64x512xf32, #tpu.memory_space<vmem>>, vector<16xf32>,
      %swap3A_615 = arith.index_cast %scan3A_480 : i32 to index
      %swap3A_616 = arith.constant 352 : index
      %swap3A_617 = tpu.vector_load %arg9[%swap3A_615, %swap3A_616] {strides = array<i32>} : memref<64x512xf32, #tpu.memory_space<vmem>>, vector<16xf32>,
      tpu.vector_store %arg9[%swap3A_615, %swap3A_616], %broadcast_in_dim3A_482 {strides = array<i32>} : memref<64x512xf32, #tpu.memory_space<vmem>>, vector<16xf32>,
      %swap3A_618 = arith.index_cast %scan3A_480 : i32 to index
      %swap3A_619 = arith.constant 352 : index
      %swap3A_620 = tpu.vector_load %arg10[%swap3A_618, %swap3A_619] {strides = array<i32>} : memref<64x512xf32, #tpu.memory_space<vmem>>, vector<16xf32>,
      tpu.vector_store %arg10[%swap3A_618, %swap3A_619], %broadcast_in_dim3A_482 {strides = array<i32>} : memref<64x512xf32, #tpu.memory_space<vmem>>, vector<16xf32>,
      %swap3A_621 = arith.index_cast %scan3A_480 : i32 to index
      %swap3A_622 = arith.constant 368 : index
      %swap3A_623 = tpu.vector_load %arg9[%swap3A_621, %swap3A_622] {strides = array<i32>} : memref<64x512xf32, #tpu.memory_space<vmem>>, vector<16xf32>,
      tpu.vector_store %arg9[%swap3A_621, %swap3A_622], %broadcast_in_dim3A_482 {strides = array<i32>} : memref<64x512xf32, #tpu.memory_space<vmem>>, vector<16xf32>,
      %swap3A_624 = arith.index_cast %scan3A_480 : i32 to index
      %swap3A_625 = arith.constant 368 : index
      %swap3A_626 = tpu.vector_load %arg10[%swap3A_624, %swap3A_625] {strides = array<i32>} : memref<64x512xf32, #tpu.memory_space<vmem>>, vector<16xf32>,
      tpu.vector_store %arg10[%swap3A_624, %swap3A_625], %broadcast_in_dim3A_482 {strides = array<i32>} : memref<64x512xf32, #tpu.memory_space<vmem>>, vector<16xf32>,
      %swap3A_627 = arith.index_cast %scan3A_480 : i32 to index
      %swap3A_628 = arith.constant 384 : index
      %swap3A_629 = tpu.vector_load %arg9[%swap3A_627, %swap3A_628] {strides = array<i32>} : memref<64x512xf32, #tpu.memory_space<vmem>>, vector<16xf32>,
      tpu.vector_store %arg9[%swap3A_627, %swap3A_628], %broadcast_in_dim3A_482 {strides = array<i32>} : memref<64x512xf32, #tpu.memory_space<vmem>>, vector<16xf32>,
      %swap3A_630 = arith.index_cast %scan3A_480 : i32 to index
      %swap3A_631 = arith.constant 384 : index
      %swap3A_632 = tpu.vector_load %arg10[%swap3A_630, %swap3A_631] {strides = array<i32>} : memref<64x512xf32, #tpu.memory_space<vmem>>, vector<16xf32>,
      tpu.vector_store %arg10[%swap3A_630, %swap3A_631], %broadcast_in_dim3A_482 {strides = array<i32>} : memref<64x512xf32, #tpu.memory_space<vmem>>, vector<16xf32>,
      %swap3A_633 = arith.index_cast %scan3A_480 : i32 to index
      %swap3A_634 = arith.constant 400 : index
      %swap3A_635 = tpu.vector_load %arg9[%swap3A_633, %swap3A_634] {strides = array<i32>} : memref<64x512xf32, #tpu.memory_space<vmem>>, vector<16xf32>,
      tpu.vector_store %arg9[%swap3A_633, %swap3A_634], %broadcast_in_dim3A_482 {strides = array<i32>} : memref<64x512xf32, #tpu.memory_space<vmem>>, vector<16xf32>,
      %swap3A_636 = arith.index_cast %scan3A_480 : i32 to index
      %swap3A_637 = arith.constant 400 : index
      %swap3A_638 = tpu.vector_load %arg10[%swap3A_636, %swap3A_637] {strides = array<i32>} : memref<64x512xf32, #tpu.memory_space<vmem>>, vector<16xf32>,
      tpu.vector_store %arg10[%swap3A_636, %swap3A_637], %broadcast_in_dim3A_482 {strides = array<i32>} : memref<64x512xf32, #tpu.memory_space<vmem>>, vector<16xf32>,
      %swap3A_639 = arith.index_cast %scan3A_480 : i32 to index
      %swap3A_640 = arith.constant 416 : index
      %swap3A_641 = tpu.vector_load %arg9[%swap3A_639, %swap3A_640] {strides = array<i32>} : memref<64x512xf32, #tpu.memory_space<vmem>>, vector<16xf32>,
      tpu.vector_store %arg9[%swap3A_639, %swap3A_640], %broadcast_in_dim3A_482 {strides = array<i32>} : memref<64x512xf32, #tpu.memory_space<vmem>>, vector<16xf32>,
      %swap3A_642 = arith.index_cast %scan3A_480 : i32 to index
      %swap3A_643 = arith.constant 416 : index
      %swap3A_644 = tpu.vector_load %arg10[%swap3A_642, %swap3A_643] {strides = array<i32>} : memref<64x512xf32, #tpu.memory_space<vmem>>, vector<16xf32>,
      tpu.vector_store %arg10[%swap3A_642, %swap3A_643], %broadcast_in_dim3A_482 {strides = array<i32>} : memref<64x512xf32, #tpu.memory_space<vmem>>, vector<16xf32>,
      %swap3A_645 = arith.index_cast %scan3A_480 : i32 to index
      %swap3A_646 = arith.constant 432 : index
      %swap3A_647 = tpu.vector_load %arg9[%swap3A_645, %swap3A_646] {strides = array<i32>} : memref<64x512xf32, #tpu.memory_space<vmem>>, vector<16xf32>,
      tpu.vector_store %arg9[%swap3A_645, %swap3A_646], %broadcast_in_dim3A_482 {strides = array<i32>} : memref<64x512xf32, #tpu.memory_space<vmem>>, vector<16xf32>,
      %swap3A_648 = arith.index_cast %scan3A_480 : i32 to index
      %swap3A_649 = arith.constant 432 : index
      %swap3A_650 = tpu.vector_load %arg10[%swap3A_648, %swap3A_649] {strides = array<i32>} : memref<64x512xf32, #tpu.memory_space<vmem>>, vector<16xf32>,
      tpu.vector_store %arg10[%swap3A_648, %swap3A_649], %broadcast_in_dim3A_482 {strides = array<i32>} : memref<64x512xf32, #tpu.memory_space<vmem>>, vector<16xf32>,
      %swap3A_651 = arith.index_cast %scan3A_480 : i32 to index
      %swap3A_652 = arith.constant 448 : index
      %swap3A_653 = tpu.vector_load %arg9[%swap3A_651, %swap3A_652] {strides = array<i32>} : memref<64x512xf32, #tpu.memory_space<vmem>>, vector<16xf32>,
      tpu.vector_store %arg9[%swap3A_651, %swap3A_652], %broadcast_in_dim3A_482 {strides = array<i32>} : memref<64x512xf32, #tpu.memory_space<vmem>>, vector<16xf32>,
      %swap3A_654 = arith.index_cast %scan3A_480 : i32 to index
      %swap3A_655 = arith.constant 448 : index
      %swap3A_656 = tpu.vector_load %arg10[%swap3A_654, %swap3A_655] {strides = array<i32>} : memref<64x512xf32, #tpu.memory_space<vmem>>, vector<16xf32>,
      tpu.vector_store %arg10[%swap3A_654, %swap3A_655], %broadcast_in_dim3A_482 {strides = array<i32>} : memref<64x512xf32, #tpu.memory_space<vmem>>, vector<16xf32>,
      %swap3A_657 = arith.index_cast %scan3A_480 : i32 to index
      %swap3A_658 = arith.constant 464 : index
      %swap3A_659 = tpu.vector_load %arg9[%swap3A_657, %swap3A_658] {strides = array<i32>} : memref<64x512xf32, #tpu.memory_space<vmem>>, vector<16xf32>,
      tpu.vector_store %arg9[%swap3A_657, %swap3A_658], %broadcast_in_dim3A_482 {strides = array<i32>} : memref<64x512xf32, #tpu.memory_space<vmem>>, vector<16xf32>,
      %swap3A_660 = arith.index_cast %scan3A_480 : i32 to index
      %swap3A_661 = arith.constant 464 : index
      %swap3A_662 = tpu.vector_load %arg10[%swap3A_660, %swap3A_661] {strides = array<i32>} : memref<64x512xf32, #tpu.memory_space<vmem>>, vector<16xf32>,
      tpu.vector_store %arg10[%swap3A_660, %swap3A_661], %broadcast_in_dim3A_482 {strides = array<i32>} : memref<64x512xf32, #tpu.memory_space<vmem>>, vector<16xf32>,
      %swap3A_663 = arith.index_cast %scan3A_480 : i32 to index
      %swap3A_664 = arith.constant 480 : index
      %swap3A_665 = tpu.vector_load %arg9[%swap3A_663, %swap3A_664] {strides = array<i32>} : memref<64x512xf32, #tpu.memory_space<vmem>>, vector<16xf32>,
      tpu.vector_store %arg9[%swap3A_663, %swap3A_664], %broadcast_in_dim3A_482 {strides = array<i32>} : memref<64x512xf32, #tpu.memory_space<vmem>>, vector<16xf32>,
      %swap3A_666 = arith.index_cast %scan3A_480 : i32 to index
      %swap3A_667 = arith.constant 480 : index
      %swap3A_668 = tpu.vector_load %arg10[%swap3A_666, %swap3A_667] {strides = array<i32>} : memref<64x512xf32, #tpu.memory_space<vmem>>, vector<16xf32>,
      tpu.vector_store %arg10[%swap3A_666, %swap3A_667], %broadcast_in_dim3A_482 {strides = array<i32>} : memref<64x512xf32, #tpu.memory_space<vmem>>, vector<16xf32>,
      %swap3A_669 = arith.index_cast %scan3A_480 : i32 to index
      %swap3A_670 = arith.constant 496 : index
      %swap3A_671 = tpu.vector_load %arg9[%swap3A_669, %swap3A_670] {strides = array<i32>} : memref<64x512xf32, #tpu.memory_space<vmem>>, vector<16xf32>,
      tpu.vector_store %arg9[%swap3A_669, %swap3A_670], %broadcast_in_dim3A_482 {strides = array<i32>} : memref<64x512xf32, #tpu.memory_space<vmem>>, vector<16xf32>,
      %swap3A_672 = arith.index_cast %scan3A_480 : i32 to index
      %swap3A_673 = arith.constant 496 : index
      %swap3A_674 = tpu.vector_load %arg10[%swap3A_672, %swap3A_673] {strides = array<i32>} : memref<64x512xf32, #tpu.memory_space<vmem>>, vector<16xf32>,
      tpu.vector_store %arg10[%swap3A_672, %swap3A_673], %broadcast_in_dim3A_482 {strides = array<i32>} : memref<64x512xf32, #tpu.memory_space<vmem>>, vector<16xf32>,
    }
    %scan3A_436 = arith.constant 64 : i32
    %dma_wait3A = arith.constant 0 : i32
    %dma_wait3A_437 = tpu.memref_slice %arg3[%add3A, %dma_wait3A] : memref<32x8192xi32, #tpu.memory_space<hbm>> -> memref<1x8192xi32, #tpu.memory_space<hbm>>
    %dma_wait3A_438 = tpu.memref_squeeze %dma_wait3A_437 : memref<1x8192xi32, #tpu.memory_space<hbm>> -> memref<8192xi32, #tpu.memory_space<hbm>>
    %dma_wait3A_439 = arith.constant 0 : i32
    %dma_wait3A_440 = tpu.memref_slice %arg3[%add3A, %dma_wait3A_439] : memref<32x8192xi32, #tpu.memory_space<hbm>> -> memref<1x8192xi32, #tpu.memory_space<hbm>>
    %dma_wait3A_441 = tpu.memref_squeeze %dma_wait3A_440 : memref<1x8192xi32, #tpu.memory_space<hbm>> -> memref<8192xi32, #tpu.memory_space<hbm>>
    tpu.wait_dma2 semaphore(%arg15 : memref<!tpu.dma_semaphore, #tpu.memory_space<semaphore_mem>>) src(%dma_wait3A_441 : memref<8192xi32, #tpu.memory_space<hbm>>) dst(%arg8 : memref<8192xi32, #tpu.memory_space<vmem>>)
    %iota3A = tpu.iota {dimensions = array<i32: 0>} : vector<16xi32>
    %scan3A_442 = arith.constant 0 : i32
    %scan3A_443 = arith.constant 0 : i32
    %scan3A_444 = arith.constant 8 : i32
    %scan3A_445 = arith.addi %scan3A_443, %scan3A_444 : i32
    %scan3A_446 = arith.constant 1 : i32
    scf.for %scan3A_480 = %scan3A_443 to %scan3A_445 step %scan3A_446  : i32 {
      %mul3A_481 = arith.constant 2 : i32
      %mul3A_482 = arith.muli %scan3A_480, %mul3A_481 : i32
      %add3A_483 = arith.constant 0 : i32
      %add3A_484 = arith.addi %mul3A_482, %add3A_483 : i32
      %mul3A_485 = arith.constant 512 : i32
      %mul3A_486 = arith.muli %add3A_484, %mul3A_485 : i32
      %gt3A = arith.constant 0 : i32
      %gt3A_487 = arith.cmpi sgt, %scan3A_480, %gt3A : i32
      %convert_element_type3A_488 = arith.extui %gt3A_487 : i1 to i32
      %cond3A = arith.constant 0 : i32
      %cond3A_489 = arith.cmpi ne, %convert_element_type3A_488, %cond3A : i32
      scf.if %cond3A_489 {
        %dma_wait3A_536 = arith.constant 0 : i32
        %dma_wait3A_537 = tpu.memref_slice %arg4[%add3A, %dma_wait3A_536, %mul3A_486] : memref<32x64x8192xf32, #tpu.memory_space<hbm>> -> memref<1x64x512xf32, #tpu.memory_space<hbm>>
        %dma_wait3A_538 = tpu.memref_squeeze %dma_wait3A_537 : memref<1x64x512xf32, #tpu.memory_space<hbm>> -> memref<64x512xf32, #tpu.memory_space<hbm>>
        %dma_wait3A_539 = arith.constant 0 : i32
        %dma_wait3A_540 = tpu.memref_slice %arg4[%add3A, %dma_wait3A_539, %mul3A_486] : memref<32x64x8192xf32, #tpu.memory_space<hbm>> -> memref<1x64x512xf32, #tpu.memory_space<hbm>>
        %dma_wait3A_541 = tpu.memref_squeeze %dma_wait3A_540 : memref<1x64x512xf32, #tpu.memory_space<hbm>> -> memref<64x512xf32, #tpu.memory_space<hbm>>
        tpu.wait_dma2 semaphore(%arg13 : memref<!tpu.dma_semaphore, #tpu.memory_space<semaphore_mem>>) src(%arg9 : memref<64x512xf32, #tpu.memory_space<vmem>>) dst(%dma_wait3A_541 : memref<64x512xf32, #tpu.memory_space<hbm>>)
        %dma_wait3A_542 = arith.constant 0 : i32
        %dma_wait3A_543 = tpu.memref_slice %arg5[%add3A, %dma_wait3A_542, %mul3A_486] : memref<32x8x8192xf32, #tpu.memory_space<hbm>> -> memref<1x8x512xf32, #tpu.memory_space<hbm>>
        %dma_wait3A_544 = tpu.memref_squeeze %dma_wait3A_543 : memref<1x8x512xf32, #tpu.memory_space<hbm>> -> memref<8x512xf32, #tpu.memory_space<hbm>>
        %dma_wait3A_545 = arith.constant 0 : i32
        %dma_wait3A_546 = tpu.memref_slice %arg5[%add3A, %dma_wait3A_545, %mul3A_486] : memref<32x8x8192xf32, #tpu.memory_space<hbm>> -> memref<1x8x512xf32, #tpu.memory_space<hbm>>
        %dma_wait3A_547 = tpu.memref_squeeze %dma_wait3A_546 : memref<1x8x512xf32, #tpu.memory_space<hbm>> -> memref<8x512xf32, #tpu.memory_space<hbm>>
        tpu.wait_dma2 semaphore(%arg15 : memref<!tpu.dma_semaphore, #tpu.memory_space<semaphore_mem>>) src(%arg11 : memref<8x512xf32, #tpu.memory_space<vmem>>) dst(%dma_wait3A_547 : memref<8x512xf32, #tpu.memory_space<hbm>>)
        %sub3A = arith.constant 2 : i32
        %sub3A_548 = arith.subi %add3A_484, %sub3A : i32
        %mul3A_549 = arith.constant 512 : i32
        %mul3A_550 = arith.muli %sub3A_548, %mul3A_549 : i32
        %parallel_loop3A_551 = arith.constant 0 : i32
        %parallel_loop3A_552 = arith.constant 512 : i32
        %parallel_loop3A_553 = arith.constant 16 : i32
        scf.for %parallel_loop3A_554 = %parallel_loop3A_551 to %parallel_loop3A_552 step %parallel_loop3A_553  : i32 {
          %parallel_loop3A_555 = arith.addi %mul3A_550, %parallel_loop3A_554 : i32
          %parallel_loop3A_556 = arith.index_cast %parallel_loop3A_555 : i32 to index
          %parallel_loop3A_557 = tpu.vector_load %arg8[%parallel_loop3A_556] {strides = array<i32>} : memref<8192xi32, #tpu.memory_space<vmem>>, vector<16xi32>,
          %parallel_loop3A_558 = arith.constant 0 : i32
          %parallel_loop3A_559 = vector.broadcast %parallel_loop3A_558 : i32 to vector<16xi32>
          %parallel_loop3A_560 = tpu.vector_load_idx %arg7[%parallel_loop3A_559, %parallel_loop3A_557] : memref<16x128xf32, #tpu.memory_space<vmem>>[vector<16xi32>, vector<16xi32>], vector<16xf32>,
          %parallel_loop3A_561 = arith.fptosi %parallel_loop3A_560 : vector<16xf32> to vector<16xi32>
          %parallel_loop3A_562 = arith.constant 0.000000e+00 : f32
          %parallel_loop3A_563 = vector.broadcast %parallel_loop3A_562 : f32 to vector<16xf32>
          %parallel_loop3A_564 = vector.broadcast %parallel_loop3A_554 : i32 to vector<16xi32>
          %parallel_loop3A_565 = arith.addi %iota3A, %parallel_loop3A_564 : vector<16xi32>
          tpu.vector_store_idx %arg9[%parallel_loop3A_561, %parallel_loop3A_565], %parallel_loop3A_563 : memref<64x512xf32, #tpu.memory_space<vmem>>[vector<16xi32>, vector<16xi32>], vector<16xf32>,
        } {sc.loop_unroll_factor = 4 : i64, sc.parallel_access}
      } else {
      }
      %parallel_loop3A = arith.constant 0 : i32
      %parallel_loop3A_490 = arith.constant 512 : i32
      %parallel_loop3A_491 = arith.constant 16 : i32
      scf.for %parallel_loop3A_536 = %parallel_loop3A to %parallel_loop3A_490 step %parallel_loop3A_491  : i32 {
        %parallel_loop3A_537 = arith.addi %mul3A_486, %parallel_loop3A_536 : i32
        %parallel_loop3A_538 = arith.index_cast %parallel_loop3A_537 : i32 to index
        %parallel_loop3A_539 = tpu.vector_load %arg8[%parallel_loop3A_538] {strides = array<i32>} : memref<8192xi32, #tpu.memory_space<vmem>>, vector<16xi32>,
        %parallel_loop3A_540 = arith.constant 0 : i32
        %parallel_loop3A_541 = vector.broadcast %parallel_loop3A_540 : i32 to vector<16xi32>
        %parallel_loop3A_542 = tpu.vector_load_idx %arg7[%parallel_loop3A_541, %parallel_loop3A_539] : memref<16x128xf32, #tpu.memory_space<vmem>>[vector<16xi32>, vector<16xi32>], vector<16xf32>,
        %parallel_loop3A_543 = arith.fptosi %parallel_loop3A_542 : vector<16xf32> to vector<16xi32>
        %parallel_loop3A_544 = arith.constant 1.000000e+01 : f32
        %parallel_loop3A_545 = vector.broadcast %parallel_loop3A_544 : f32 to vector<16xf32>
        %parallel_loop3A_546 = arith.divf %parallel_loop3A_542, %parallel_loop3A_545 : vector<16xf32>
        %parallel_loop3A_547 = vector.broadcast %parallel_loop3A_536 : i32 to vector<16xi32>
        %parallel_loop3A_548 = arith.addi %iota3A, %parallel_loop3A_547 : vector<16xi32>
        tpu.vector_store_idx %arg9[%parallel_loop3A_543, %parallel_loop3A_548], %parallel_loop3A_546 : memref<64x512xf32, #tpu.memory_space<vmem>>[vector<16xi32>, vector<16xi32>], vector<16xf32>,
      } {sc.loop_unroll_factor = 4 : i64, sc.parallel_access}
      %dma_start3A_492 = arith.constant 0 : i32
      %dma_start3A_493 = tpu.memref_slice %arg4[%add3A, %dma_start3A_492, %mul3A_486] : memref<32x64x8192xf32, #tpu.memory_space<hbm>> -> memref<1x64x512xf32, #tpu.memory_space<hbm>>
      %dma_start3A_494 = tpu.memref_squeeze %dma_start3A_493 : memref<1x64x512xf32, #tpu.memory_space<hbm>> -> memref<64x512xf32, #tpu.memory_space<hbm>>
      %dma_start3A_495 = arith.constant 0 : i32
      %dma_start3A_496 = tpu.memref_slice %arg4[%add3A, %dma_start3A_495, %mul3A_486] : memref<32x64x8192xf32, #tpu.memory_space<hbm>> -> memref<1x64x512xf32, #tpu.memory_space<hbm>>
      %dma_start3A_497 = tpu.memref_squeeze %dma_start3A_496 : memref<1x64x512xf32, #tpu.memory_space<hbm>> -> memref<64x512xf32, #tpu.memory_space<hbm>>
      tpu.enqueue_dma source(%arg9 : memref<64x512xf32, #tpu.memory_space<vmem>>) target(%dma_start3A_497 : memref<64x512xf32, #tpu.memory_space<hbm>>) target_semaphore(%arg13 : memref<!tpu.dma_semaphore, #tpu.memory_space<semaphore_mem>>)
      %parallel_loop3A_498 = arith.constant 0 : i32
      %parallel_loop3A_499 = arith.constant 512 : i32
      %parallel_loop3A_500 = arith.constant 16 : i32
      scf.for %parallel_loop3A_536 = %parallel_loop3A_498 to %parallel_loop3A_499 step %parallel_loop3A_500  : i32 {
        %parallel_loop3A_537 = arith.addi %mul3A_486, %parallel_loop3A_536 : i32
        %parallel_loop3A_538 = arith.index_cast %parallel_loop3A_537 : i32 to index
        %parallel_loop3A_539 = tpu.vector_load %arg8[%parallel_loop3A_538] {strides = array<i32>} : memref<8192xi32, #tpu.memory_space<vmem>>, vector<16xi32>,
        %parallel_loop3A_540 = arith.constant 0 : i32
        %parallel_loop3A_541 = vector.broadcast %parallel_loop3A_540 : i32 to vector<16xi32>
        %parallel_loop3A_542 = arith.constant 3 : i32
        %parallel_loop3A_543 = vector.broadcast %parallel_loop3A_542 : i32 to vector<16xi32>
        %parallel_loop3A_544 = arith.addi %parallel_loop3A_541, %parallel_loop3A_543 : vector<16xi32>
        %parallel_loop3A_545 = tpu.vector_load_idx %arg7[%parallel_loop3A_544, %parallel_loop3A_539] : memref<16x128xf32, #tpu.memory_space<vmem>>[vector<16xi32>, vector<16xi32>], vector<16xf32>,
        %parallel_loop3A_546 = arith.constant 0 : i32
        %parallel_loop3A_547 = arith.index_cast %parallel_loop3A_546 : i32 to index
        %parallel_loop3A_548 = arith.index_cast %parallel_loop3A_536 : i32 to index
        %parallel_loop3A_549 = tpu.vector_load %arg11[%parallel_loop3A_547, %parallel_loop3A_548] {strides = array<i32>} : memref<8x512xf32, #tpu.memory_space<vmem>>, vector<16xf32>,
        tpu.vector_store %arg11[%parallel_loop3A_547, %parallel_loop3A_548], %parallel_loop3A_545 {strides = array<i32>} : memref<8x512xf32, #tpu.memory_space<vmem>>, vector<16xf32>,
        %parallel_loop3A_550 = arith.constant 4 : i32
        %parallel_loop3A_551 = vector.broadcast %parallel_loop3A_550 : i32 to vector<16xi32>
        %parallel_loop3A_552 = arith.addi %parallel_loop3A_541, %parallel_loop3A_551 : vector<16xi32>
        %parallel_loop3A_553 = tpu.vector_load_idx %arg7[%parallel_loop3A_552, %parallel_loop3A_539] : memref<16x128xf32, #tpu.memory_space<vmem>>[vector<16xi32>, vector<16xi32>], vector<16xf32>,
        %parallel_loop3A_554 = arith.constant 1 : i32
        %parallel_loop3A_555 = arith.index_cast %parallel_loop3A_554 : i32 to index
        %parallel_loop3A_556 = arith.index_cast %parallel_loop3A_536 : i32 to index
        %parallel_loop3A_557 = tpu.vector_load %arg11[%parallel_loop3A_555, %parallel_loop3A_556] {strides = array<i32>} : memref<8x512xf32, #tpu.memory_space<vmem>>, vector<16xf32>,
        tpu.vector_store %arg11[%parallel_loop3A_555, %parallel_loop3A_556], %parallel_loop3A_553 {strides = array<i32>} : memref<8x512xf32, #tpu.memory_space<vmem>>, vector<16xf32>,
        %parallel_loop3A_558 = arith.constant 5 : i32
        %parallel_loop3A_559 = vector.broadcast %parallel_loop3A_558 : i32 to vector<16xi32>
        %parallel_loop3A_560 = arith.addi %parallel_loop3A_541, %parallel_loop3A_559 : vector<16xi32>
        %parallel_loop3A_561 = tpu.vector_load_idx %arg7[%parallel_loop3A_560, %parallel_loop3A_539] : memref<16x128xf32, #tpu.memory_space<vmem>>[vector<16xi32>, vector<16xi32>], vector<16xf32>,
        %parallel_loop3A_562 = arith.constant 2 : i32
        %parallel_loop3A_563 = arith.index_cast %parallel_loop3A_562 : i32 to index
        %parallel_loop3A_564 = arith.index_cast %parallel_loop3A_536 : i32 to index
        %parallel_loop3A_565 = tpu.vector_load %arg11[%parallel_loop3A_563, %parallel_loop3A_564] {strides = array<i32>} : memref<8x512xf32, #tpu.memory_space<vmem>>, vector<16xf32>,
        tpu.vector_store %arg11[%parallel_loop3A_563, %parallel_loop3A_564], %parallel_loop3A_561 {strides = array<i32>} : memref<8x512xf32, #tpu.memory_space<vmem>>, vector<16xf32>,
        %parallel_loop3A_566 = arith.constant 6 : i32
        %parallel_loop3A_567 = vector.broadcast %parallel_loop3A_566 : i32 to vector<16xi32>
        %parallel_loop3A_568 = arith.addi %parallel_loop3A_541, %parallel_loop3A_567 : vector<16xi32>
        %parallel_loop3A_569 = tpu.vector_load_idx %arg7[%parallel_loop3A_568, %parallel_loop3A_539] : memref<16x128xf32, #tpu.memory_space<vmem>>[vector<16xi32>, vector<16xi32>], vector<16xf32>,
        %parallel_loop3A_570 = arith.constant 3 : i32
        %parallel_loop3A_571 = arith.index_cast %parallel_loop3A_570 : i32 to index
        %parallel_loop3A_572 = arith.index_cast %parallel_loop3A_536 : i32 to index
        %parallel_loop3A_573 = tpu.vector_load %arg11[%parallel_loop3A_571, %parallel_loop3A_572] {strides = array<i32>} : memref<8x512xf32, #tpu.memory_space<vmem>>, vector<16xf32>,
        tpu.vector_store %arg11[%parallel_loop3A_571, %parallel_loop3A_572], %parallel_loop3A_569 {strides = array<i32>} : memref<8x512xf32, #tpu.memory_space<vmem>>, vector<16xf32>,
        %parallel_loop3A_574 = arith.constant 7 : i32
        %parallel_loop3A_575 = vector.broadcast %parallel_loop3A_574 : i32 to vector<16xi32>
        %parallel_loop3A_576 = arith.addi %parallel_loop3A_541, %parallel_loop3A_575 : vector<16xi32>
        %parallel_loop3A_577 = tpu.vector_load_idx %arg7[%parallel_loop3A_576, %parallel_loop3A_539] : memref<16x128xf32, #tpu.memory_space<vmem>>[vector<16xi32>, vector<16xi32>], vector<16xf32>,
        %parallel_loop3A_578 = arith.constant 4 : i32
        %parallel_loop3A_579 = arith.index_cast %parallel_loop3A_578 : i32 to index
        %parallel_loop3A_580 = arith.index_cast %parallel_loop3A_536 : i32 to index
        %parallel_loop3A_581 = tpu.vector_load %arg11[%parallel_loop3A_579, %parallel_loop3A_580] {strides = array<i32>} : memref<8x512xf32, #tpu.memory_space<vmem>>, vector<16xf32>,
        tpu.vector_store %arg11[%parallel_loop3A_579, %parallel_loop3A_580], %parallel_loop3A_577 {strides = array<i32>} : memref<8x512xf32, #tpu.memory_space<vmem>>, vector<16xf32>,
        %parallel_loop3A_582 = arith.constant 8 : i32
        %parallel_loop3A_583 = vector.broadcast %parallel_loop3A_582 : i32 to vector<16xi32>
        %parallel_loop3A_584 = arith.addi %parallel_loop3A_541, %parallel_loop3A_583 : vector<16xi32>
        %parallel_loop3A_585 = tpu.vector_load_idx %arg7[%parallel_loop3A_584, %parallel_loop3A_539] : memref<16x128xf32, #tpu.memory_space<vmem>>[vector<16xi32>, vector<16xi32>], vector<16xf32>,
        %parallel_loop3A_586 = arith.constant 5 : i32
        %parallel_loop3A_587 = arith.index_cast %parallel_loop3A_586 : i32 to index
        %parallel_loop3A_588 = arith.index_cast %parallel_loop3A_536 : i32 to index
        %parallel_loop3A_589 = tpu.vector_load %arg11[%parallel_loop3A_587, %parallel_loop3A_588] {strides = array<i32>} : memref<8x512xf32, #tpu.memory_space<vmem>>, vector<16xf32>,
        tpu.vector_store %arg11[%parallel_loop3A_587, %parallel_loop3A_588], %parallel_loop3A_585 {strides = array<i32>} : memref<8x512xf32, #tpu.memory_space<vmem>>, vector<16xf32>,
        %parallel_loop3A_590 = arith.constant 9 : i32
        %parallel_loop3A_591 = vector.broadcast %parallel_loop3A_590 : i32 to vector<16xi32>
        %parallel_loop3A_592 = arith.addi %parallel_loop3A_541, %parallel_loop3A_591 : vector<16xi32>
        %parallel_loop3A_593 = tpu.vector_load_idx %arg7[%parallel_loop3A_592, %parallel_loop3A_539] : memref<16x128xf32, #tpu.memory_space<vmem>>[vector<16xi32>, vector<16xi32>], vector<16xf32>,
        %parallel_loop3A_594 = arith.constant 6 : i32
        %parallel_loop3A_595 = arith.index_cast %parallel_loop3A_594 : i32 to index
        %parallel_loop3A_596 = arith.index_cast %parallel_loop3A_536 : i32 to index
        %parallel_loop3A_597 = tpu.vector_load %arg11[%parallel_loop3A_595, %parallel_loop3A_596] {strides = array<i32>} : memref<8x512xf32, #tpu.memory_space<vmem>>, vector<16xf32>,
        tpu.vector_store %arg11[%parallel_loop3A_595, %parallel_loop3A_596], %parallel_loop3A_593 {strides = array<i32>} : memref<8x512xf32, #tpu.memory_space<vmem>>, vector<16xf32>,
        %parallel_loop3A_598 = arith.constant 10 : i32
        %parallel_loop3A_599 = vector.broadcast %parallel_loop3A_598 : i32 to vector<16xi32>
        %parallel_loop3A_600 = arith.addi %parallel_loop3A_541, %parallel_loop3A_599 : vector<16xi32>
        %parallel_loop3A_601 = tpu.vector_load_idx %arg7[%parallel_loop3A_600, %parallel_loop3A_539] : memref<16x128xf32, #tpu.memory_space<vmem>>[vector<16xi32>, vector<16xi32>], vector<16xf32>,
        %parallel_loop3A_602 = arith.constant 7 : i32
        %parallel_loop3A_603 = arith.index_cast %parallel_loop3A_602 : i32 to index
        %parallel_loop3A_604 = arith.index_cast %parallel_loop3A_536 : i32 to index
        %parallel_loop3A_605 = tpu.vector_load %arg11[%parallel_loop3A_603, %parallel_loop3A_604] {strides = array<i32>} : memref<8x512xf32, #tpu.memory_space<vmem>>, vector<16xf32>,
        tpu.vector_store %arg11[%parallel_loop3A_603, %parallel_loop3A_604], %parallel_loop3A_601 {strides = array<i32>} : memref<8x512xf32, #tpu.memory_space<vmem>>, vector<16xf32>,
      } {sc.loop_unroll_factor = 2 : i64, sc.parallel_access}
      %dma_start3A_501 = arith.constant 0 : i32
      %dma_start3A_502 = tpu.memref_slice %arg5[%add3A, %dma_start3A_501, %mul3A_486] : memref<32x8x8192xf32, #tpu.memory_space<hbm>> -> memref<1x8x512xf32, #tpu.memory_space<hbm>>
      %dma_start3A_503 = tpu.memref_squeeze %dma_start3A_502 : memref<1x8x512xf32, #tpu.memory_space<hbm>> -> memref<8x512xf32, #tpu.memory_space<hbm>>
      %dma_start3A_504 = arith.constant 0 : i32
      %dma_start3A_505 = tpu.memref_slice %arg5[%add3A, %dma_start3A_504, %mul3A_486] : memref<32x8x8192xf32, #tpu.memory_space<hbm>> -> memref<1x8x512xf32, #tpu.memory_space<hbm>>
      %dma_start3A_506 = tpu.memref_squeeze %dma_start3A_505 : memref<1x8x512xf32, #tpu.memory_space<hbm>> -> memref<8x512xf32, #tpu.memory_space<hbm>>
      tpu.enqueue_dma source(%arg11 : memref<8x512xf32, #tpu.memory_space<vmem>>) target(%dma_start3A_506 : memref<8x512xf32, #tpu.memory_space<hbm>>) target_semaphore(%arg15 : memref<!tpu.dma_semaphore, #tpu.memory_space<semaphore_mem>>)
      %mul3A_507 = arith.constant 2 : i32
      %mul3A_508 = arith.muli %scan3A_480, %mul3A_507 : i32
      %add3A_509 = arith.constant 1 : i32
      %add3A_510 = arith.addi %mul3A_508, %add3A_509 : i32
      %mul3A_511 = arith.constant 512 : i32
      %mul3A_512 = arith.muli %add3A_510, %mul3A_511 : i32
      %gt3A_513 = arith.constant 0 : i32
      %gt3A_514 = arith.cmpi sgt, %scan3A_480, %gt3A_513 : i32
      %convert_element_type3A_515 = arith.extui %gt3A_514 : i1 to i32
      %cond3A_516 = arith.constant 0 : i32
      %cond3A_517 = arith.cmpi ne, %convert_element_type3A_515, %cond3A_516 : i32
      scf.if %cond3A_517 {
        %dma_wait3A_536 = arith.constant 0 : i32
        %dma_wait3A_537 = tpu.memref_slice %arg4[%add3A, %dma_wait3A_536, %mul3A_512] : memref<32x64x8192xf32, #tpu.memory_space<hbm>> -> memref<1x64x512xf32, #tpu.memory_space<hbm>>
        %dma_wait3A_538 = tpu.memref_squeeze %dma_wait3A_537 : memref<1x64x512xf32, #tpu.memory_space<hbm>> -> memref<64x512xf32, #tpu.memory_space<hbm>>
        %dma_wait3A_539 = arith.constant 0 : i32
        %dma_wait3A_540 = tpu.memref_slice %arg4[%add3A, %dma_wait3A_539, %mul3A_512] : memref<32x64x8192xf32, #tpu.memory_space<hbm>> -> memref<1x64x512xf32, #tpu.memory_space<hbm>>
        %dma_wait3A_541 = tpu.memref_squeeze %dma_wait3A_540 : memref<1x64x512xf32, #tpu.memory_space<hbm>> -> memref<64x512xf32, #tpu.memory_space<hbm>>
        tpu.wait_dma2 semaphore(%arg14 : memref<!tpu.dma_semaphore, #tpu.memory_space<semaphore_mem>>) src(%arg10 : memref<64x512xf32, #tpu.memory_space<vmem>>) dst(%dma_wait3A_541 : memref<64x512xf32, #tpu.memory_space<hbm>>)
        %dma_wait3A_542 = arith.constant 0 : i32
        %dma_wait3A_543 = tpu.memref_slice %arg5[%add3A, %dma_wait3A_542, %mul3A_512] : memref<32x8x8192xf32, #tpu.memory_space<hbm>> -> memref<1x8x512xf32, #tpu.memory_space<hbm>>
        %dma_wait3A_544 = tpu.memref_squeeze %dma_wait3A_543 : memref<1x8x512xf32, #tpu.memory_space<hbm>> -> memref<8x512xf32, #tpu.memory_space<hbm>>
        %dma_wait3A_545 = arith.constant 0 : i32
        %dma_wait3A_546 = tpu.memref_slice %arg5[%add3A, %dma_wait3A_545, %mul3A_512] : memref<32x8x8192xf32, #tpu.memory_space<hbm>> -> memref<1x8x512xf32, #tpu.memory_space<hbm>>
        %dma_wait3A_547 = tpu.memref_squeeze %dma_wait3A_546 : memref<1x8x512xf32, #tpu.memory_space<hbm>> -> memref<8x512xf32, #tpu.memory_space<hbm>>
        tpu.wait_dma2 semaphore(%arg16 : memref<!tpu.dma_semaphore, #tpu.memory_space<semaphore_mem>>) src(%arg12 : memref<8x512xf32, #tpu.memory_space<vmem>>) dst(%dma_wait3A_547 : memref<8x512xf32, #tpu.memory_space<hbm>>)
        %sub3A = arith.constant 2 : i32
        %sub3A_548 = arith.subi %add3A_510, %sub3A : i32
        %mul3A_549 = arith.constant 512 : i32
        %mul3A_550 = arith.muli %sub3A_548, %mul3A_549 : i32
        %parallel_loop3A_551 = arith.constant 0 : i32
        %parallel_loop3A_552 = arith.constant 512 : i32
        %parallel_loop3A_553 = arith.constant 16 : i32
        scf.for %parallel_loop3A_554 = %parallel_loop3A_551 to %parallel_loop3A_552 step %parallel_loop3A_553  : i32 {
          %parallel_loop3A_555 = arith.addi %mul3A_550, %parallel_loop3A_554 : i32
          %parallel_loop3A_556 = arith.index_cast %parallel_loop3A_555 : i32 to index
          %parallel_loop3A_557 = tpu.vector_load %arg8[%parallel_loop3A_556] {strides = array<i32>} : memref<8192xi32, #tpu.memory_space<vmem>>, vector<16xi32>,
          %parallel_loop3A_558 = arith.constant 0 : i32
          %parallel_loop3A_559 = vector.broadcast %parallel_loop3A_558 : i32 to vector<16xi32>
          %parallel_loop3A_560 = tpu.vector_load_idx %arg7[%parallel_loop3A_559, %parallel_loop3A_557] : memref<16x128xf32, #tpu.memory_space<vmem>>[vector<16xi32>, vector<16xi32>], vector<16xf32>,
          %parallel_loop3A_561 = arith.fptosi %parallel_loop3A_560 : vector<16xf32> to vector<16xi32>
          %parallel_loop3A_562 = arith.constant 0.000000e+00 : f32
          %parallel_loop3A_563 = vector.broadcast %parallel_loop3A_562 : f32 to vector<16xf32>
          %parallel_loop3A_564 = vector.broadcast %parallel_loop3A_554 : i32 to vector<16xi32>
          %parallel_loop3A_565 = arith.addi %iota3A, %parallel_loop3A_564 : vector<16xi32>
          tpu.vector_store_idx %arg10[%parallel_loop3A_561, %parallel_loop3A_565], %parallel_loop3A_563 : memref<64x512xf32, #tpu.memory_space<vmem>>[vector<16xi32>, vector<16xi32>], vector<16xf32>,
        } {sc.loop_unroll_factor = 4 : i64, sc.parallel_access}
      } else {
      }
      %parallel_loop3A_518 = arith.constant 0 : i32
      %parallel_loop3A_519 = arith.constant 512 : i32
      %parallel_loop3A_520 = arith.constant 16 : i32
      scf.for %parallel_loop3A_536 = %parallel_loop3A_518 to %parallel_loop3A_519 step %parallel_loop3A_520  : i32 {
        %parallel_loop3A_537 = arith.addi %mul3A_512, %parallel_loop3A_536 : i32
        %parallel_loop3A_538 = arith.index_cast %parallel_loop3A_537 : i32 to index
        %parallel_loop3A_539 = tpu.vector_load %arg8[%parallel_loop3A_538] {strides = array<i32>} : memref<8192xi32, #tpu.memory_space<vmem>>, vector<16xi32>,
        %parallel_loop3A_540 = arith.constant 0 : i32
        %parallel_loop3A_541 = vector.broadcast %parallel_loop3A_540 : i32 to vector<16xi32>
        %parallel_loop3A_542 = tpu.vector_load_idx %arg7[%parallel_loop3A_541, %parallel_loop3A_539] : memref<16x128xf32, #tpu.memory_space<vmem>>[vector<16xi32>, vector<16xi32>], vector<16xf32>,
        %parallel_loop3A_543 = arith.fptosi %parallel_loop3A_542 : vector<16xf32> to vector<16xi32>
        %parallel_loop3A_544 = arith.constant 1.000000e+01 : f32
        %parallel_loop3A_545 = vector.broadcast %parallel_loop3A_544 : f32 to vector<16xf32>
        %parallel_loop3A_546 = arith.divf %parallel_loop3A_542, %parallel_loop3A_545 : vector<16xf32>
        %parallel_loop3A_547 = vector.broadcast %parallel_loop3A_536 : i32 to vector<16xi32>
        %parallel_loop3A_548 = arith.addi %iota3A, %parallel_loop3A_547 : vector<16xi32>
        tpu.vector_store_idx %arg10[%parallel_loop3A_543, %parallel_loop3A_548], %parallel_loop3A_546 : memref<64x512xf32, #tpu.memory_space<vmem>>[vector<16xi32>, vector<16xi32>], vector<16xf32>,
      } {sc.loop_unroll_factor = 4 : i64, sc.parallel_access}
      %dma_start3A_521 = arith.constant 0 : i32
      %dma_start3A_522 = tpu.memref_slice %arg4[%add3A, %dma_start3A_521, %mul3A_512] : memref<32x64x8192xf32, #tpu.memory_space<hbm>> -> memref<1x64x512xf32, #tpu.memory_space<hbm>>
      %dma_start3A_523 = tpu.memref_squeeze %dma_start3A_522 : memref<1x64x512xf32, #tpu.memory_space<hbm>> -> memref<64x512xf32, #tpu.memory_space<hbm>>
      %dma_start3A_524 = arith.constant 0 : i32
      %dma_start3A_525 = tpu.memref_slice %arg4[%add3A, %dma_start3A_524, %mul3A_512] : memref<32x64x8192xf32, #tpu.memory_space<hbm>> -> memref<1x64x512xf32, #tpu.memory_space<hbm>>
      %dma_start3A_526 = tpu.memref_squeeze %dma_start3A_525 : memref<1x64x512xf32, #tpu.memory_space<hbm>> -> memref<64x512xf32, #tpu.memory_space<hbm>>
      tpu.enqueue_dma source(%arg10 : memref<64x512xf32, #tpu.memory_space<vmem>>) target(%dma_start3A_526 : memref<64x512xf32, #tpu.memory_space<hbm>>) target_semaphore(%arg14 : memref<!tpu.dma_semaphore, #tpu.memory_space<semaphore_mem>>)
      %parallel_loop3A_527 = arith.constant 0 : i32
      %parallel_loop3A_528 = arith.constant 512 : i32
      %parallel_loop3A_529 = arith.constant 16 : i32
      scf.for %parallel_loop3A_536 = %parallel_loop3A_527 to %parallel_loop3A_528 step %parallel_loop3A_529  : i32 {
        %parallel_loop3A_537 = arith.addi %mul3A_512, %parallel_loop3A_536 : i32
        %parallel_loop3A_538 = arith.index_cast %parallel_loop3A_537 : i32 to index
        %parallel_loop3A_539 = tpu.vector_load %arg8[%parallel_loop3A_538] {strides = array<i32>} : memref<8192xi32, #tpu.memory_space<vmem>>, vector<16xi32>,
        %parallel_loop3A_540 = arith.constant 0 : i32
        %parallel_loop3A_541 = vector.broadcast %parallel_loop3A_540 : i32 to vector<16xi32>
        %parallel_loop3A_542 = arith.constant 3 : i32
        %parallel_loop3A_543 = vector.broadcast %parallel_loop3A_542 : i32 to vector<16xi32>
        %parallel_loop3A_544 = arith.addi %parallel_loop3A_541, %parallel_loop3A_543 : vector<16xi32>
        %parallel_loop3A_545 = tpu.vector_load_idx %arg7[%parallel_loop3A_544, %parallel_loop3A_539] : memref<16x128xf32, #tpu.memory_space<vmem>>[vector<16xi32>, vector<16xi32>], vector<16xf32>,
        %parallel_loop3A_546 = arith.constant 0 : i32
        %parallel_loop3A_547 = arith.index_cast %parallel_loop3A_546 : i32 to index
        %parallel_loop3A_548 = arith.index_cast %parallel_loop3A_536 : i32 to index
        %parallel_loop3A_549 = tpu.vector_load %arg12[%parallel_loop3A_547, %parallel_loop3A_548] {strides = array<i32>} : memref<8x512xf32, #tpu.memory_space<vmem>>, vector<16xf32>,
        tpu.vector_store %arg12[%parallel_loop3A_547, %parallel_loop3A_548], %parallel_loop3A_545 {strides = array<i32>} : memref<8x512xf32, #tpu.memory_space<vmem>>, vector<16xf32>,
        %parallel_loop3A_550 = arith.constant 4 : i32
        %parallel_loop3A_551 = vector.broadcast %parallel_loop3A_550 : i32 to vector<16xi32>
        %parallel_loop3A_552 = arith.addi %parallel_loop3A_541, %parallel_loop3A_551 : vector<16xi32>
        %parallel_loop3A_553 = tpu.vector_load_idx %arg7[%parallel_loop3A_552, %parallel_loop3A_539] : memref<16x128xf32, #tpu.memory_space<vmem>>[vector<16xi32>, vector<16xi32>], vector<16xf32>,
        %parallel_loop3A_554 = arith.constant 1 : i32
        %parallel_loop3A_555 = arith.index_cast %parallel_loop3A_554 : i32 to index
        %parallel_loop3A_556 = arith.index_cast %parallel_loop3A_536 : i32 to index
        %parallel_loop3A_557 = tpu.vector_load %arg12[%parallel_loop3A_555, %parallel_loop3A_556] {strides = array<i32>} : memref<8x512xf32, #tpu.memory_space<vmem>>, vector<16xf32>,
        tpu.vector_store %arg12[%parallel_loop3A_555, %parallel_loop3A_556], %parallel_loop3A_553 {strides = array<i32>} : memref<8x512xf32, #tpu.memory_space<vmem>>, vector<16xf32>,
        %parallel_loop3A_558 = arith.constant 5 : i32
        %parallel_loop3A_559 = vector.broadcast %parallel_loop3A_558 : i32 to vector<16xi32>
        %parallel_loop3A_560 = arith.addi %parallel_loop3A_541, %parallel_loop3A_559 : vector<16xi32>
        %parallel_loop3A_561 = tpu.vector_load_idx %arg7[%parallel_loop3A_560, %parallel_loop3A_539] : memref<16x128xf32, #tpu.memory_space<vmem>>[vector<16xi32>, vector<16xi32>], vector<16xf32>,
        %parallel_loop3A_562 = arith.constant 2 : i32
        %parallel_loop3A_563 = arith.index_cast %parallel_loop3A_562 : i32 to index
        %parallel_loop3A_564 = arith.index_cast %parallel_loop3A_536 : i32 to index
        %parallel_loop3A_565 = tpu.vector_load %arg12[%parallel_loop3A_563, %parallel_loop3A_564] {strides = array<i32>} : memref<8x512xf32, #tpu.memory_space<vmem>>, vector<16xf32>,
        tpu.vector_store %arg12[%parallel_loop3A_563, %parallel_loop3A_564], %parallel_loop3A_561 {strides = array<i32>} : memref<8x512xf32, #tpu.memory_space<vmem>>, vector<16xf32>,
        %parallel_loop3A_566 = arith.constant 6 : i32
        %parallel_loop3A_567 = vector.broadcast %parallel_loop3A_566 : i32 to vector<16xi32>
        %parallel_loop3A_568 = arith.addi %parallel_loop3A_541, %parallel_loop3A_567 : vector<16xi32>
        %parallel_loop3A_569 = tpu.vector_load_idx %arg7[%parallel_loop3A_568, %parallel_loop3A_539] : memref<16x128xf32, #tpu.memory_space<vmem>>[vector<16xi32>, vector<16xi32>], vector<16xf32>,
        %parallel_loop3A_570 = arith.constant 3 : i32
        %parallel_loop3A_571 = arith.index_cast %parallel_loop3A_570 : i32 to index
        %parallel_loop3A_572 = arith.index_cast %parallel_loop3A_536 : i32 to index
        %parallel_loop3A_573 = tpu.vector_load %arg12[%parallel_loop3A_571, %parallel_loop3A_572] {strides = array<i32>} : memref<8x512xf32, #tpu.memory_space<vmem>>, vector<16xf32>,
        tpu.vector_store %arg12[%parallel_loop3A_571, %parallel_loop3A_572], %parallel_loop3A_569 {strides = array<i32>} : memref<8x512xf32, #tpu.memory_space<vmem>>, vector<16xf32>,
        %parallel_loop3A_574 = arith.constant 7 : i32
        %parallel_loop3A_575 = vector.broadcast %parallel_loop3A_574 : i32 to vector<16xi32>
        %parallel_loop3A_576 = arith.addi %parallel_loop3A_541, %parallel_loop3A_575 : vector<16xi32>
        %parallel_loop3A_577 = tpu.vector_load_idx %arg7[%parallel_loop3A_576, %parallel_loop3A_539] : memref<16x128xf32, #tpu.memory_space<vmem>>[vector<16xi32>, vector<16xi32>], vector<16xf32>,
        %parallel_loop3A_578 = arith.constant 4 : i32
        %parallel_loop3A_579 = arith.index_cast %parallel_loop3A_578 : i32 to index
        %parallel_loop3A_580 = arith.index_cast %parallel_loop3A_536 : i32 to index
        %parallel_loop3A_581 = tpu.vector_load %arg12[%parallel_loop3A_579, %parallel_loop3A_580] {strides = array<i32>} : memref<8x512xf32, #tpu.memory_space<vmem>>, vector<16xf32>,
        tpu.vector_store %arg12[%parallel_loop3A_579, %parallel_loop3A_580], %parallel_loop3A_577 {strides = array<i32>} : memref<8x512xf32, #tpu.memory_space<vmem>>, vector<16xf32>,
        %parallel_loop3A_582 = arith.constant 8 : i32
        %parallel_loop3A_583 = vector.broadcast %parallel_loop3A_582 : i32 to vector<16xi32>
        %parallel_loop3A_584 = arith.addi %parallel_loop3A_541, %parallel_loop3A_583 : vector<16xi32>
        %parallel_loop3A_585 = tpu.vector_load_idx %arg7[%parallel_loop3A_584, %parallel_loop3A_539] : memref<16x128xf32, #tpu.memory_space<vmem>>[vector<16xi32>, vector<16xi32>], vector<16xf32>,
        %parallel_loop3A_586 = arith.constant 5 : i32
        %parallel_loop3A_587 = arith.index_cast %parallel_loop3A_586 : i32 to index
        %parallel_loop3A_588 = arith.index_cast %parallel_loop3A_536 : i32 to index
        %parallel_loop3A_589 = tpu.vector_load %arg12[%parallel_loop3A_587, %parallel_loop3A_588] {strides = array<i32>} : memref<8x512xf32, #tpu.memory_space<vmem>>, vector<16xf32>,
        tpu.vector_store %arg12[%parallel_loop3A_587, %parallel_loop3A_588], %parallel_loop3A_585 {strides = array<i32>} : memref<8x512xf32, #tpu.memory_space<vmem>>, vector<16xf32>,
        %parallel_loop3A_590 = arith.constant 9 : i32
        %parallel_loop3A_591 = vector.broadcast %parallel_loop3A_590 : i32 to vector<16xi32>
        %parallel_loop3A_592 = arith.addi %parallel_loop3A_541, %parallel_loop3A_591 : vector<16xi32>
        %parallel_loop3A_593 = tpu.vector_load_idx %arg7[%parallel_loop3A_592, %parallel_loop3A_539] : memref<16x128xf32, #tpu.memory_space<vmem>>[vector<16xi32>, vector<16xi32>], vector<16xf32>,
        %parallel_loop3A_594 = arith.constant 6 : i32
        %parallel_loop3A_595 = arith.index_cast %parallel_loop3A_594 : i32 to index
        %parallel_loop3A_596 = arith.index_cast %parallel_loop3A_536 : i32 to index
        %parallel_loop3A_597 = tpu.vector_load %arg12[%parallel_loop3A_595, %parallel_loop3A_596] {strides = array<i32>} : memref<8x512xf32, #tpu.memory_space<vmem>>, vector<16xf32>,
        tpu.vector_store %arg12[%parallel_loop3A_595, %parallel_loop3A_596], %parallel_loop3A_593 {strides = array<i32>} : memref<8x512xf32, #tpu.memory_space<vmem>>, vector<16xf32>,
        %parallel_loop3A_598 = arith.constant 10 : i32
        %parallel_loop3A_599 = vector.broadcast %parallel_loop3A_598 : i32 to vector<16xi32>
        %parallel_loop3A_600 = arith.addi %parallel_loop3A_541, %parallel_loop3A_599 : vector<16xi32>
        %parallel_loop3A_601 = tpu.vector_load_idx %arg7[%parallel_loop3A_600, %parallel_loop3A_539] : memref<16x128xf32, #tpu.memory_space<vmem>>[vector<16xi32>, vector<16xi32>], vector<16xf32>,
        %parallel_loop3A_602 = arith.constant 7 : i32
        %parallel_loop3A_603 = arith.index_cast %parallel_loop3A_602 : i32 to index
        %parallel_loop3A_604 = arith.index_cast %parallel_loop3A_536 : i32 to index
        %parallel_loop3A_605 = tpu.vector_load %arg12[%parallel_loop3A_603, %parallel_loop3A_604] {strides = array<i32>} : memref<8x512xf32, #tpu.memory_space<vmem>>, vector<16xf32>,
        tpu.vector_store %arg12[%parallel_loop3A_603, %parallel_loop3A_604], %parallel_loop3A_601 {strides = array<i32>} : memref<8x512xf32, #tpu.memory_space<vmem>>, vector<16xf32>,
      } {sc.loop_unroll_factor = 2 : i64, sc.parallel_access}
      %dma_start3A_530 = arith.constant 0 : i32
      %dma_start3A_531 = tpu.memref_slice %arg5[%add3A, %dma_start3A_530, %mul3A_512] : memref<32x8x8192xf32, #tpu.memory_space<hbm>> -> memref<1x8x512xf32, #tpu.memory_space<hbm>>
      %dma_start3A_532 = tpu.memref_squeeze %dma_start3A_531 : memref<1x8x512xf32, #tpu.memory_space<hbm>> -> memref<8x512xf32, #tpu.memory_space<hbm>>
      %dma_start3A_533 = arith.constant 0 : i32
      %dma_start3A_534 = tpu.memref_slice %arg5[%add3A, %dma_start3A_533, %mul3A_512] : memref<32x8x8192xf32, #tpu.memory_space<hbm>> -> memref<1x8x512xf32, #tpu.memory_space<hbm>>
      %dma_start3A_535 = tpu.memref_squeeze %dma_start3A_534 : memref<1x8x512xf32, #tpu.memory_space<hbm>> -> memref<8x512xf32, #tpu.memory_space<hbm>>
      tpu.enqueue_dma source(%arg12 : memref<8x512xf32, #tpu.memory_space<vmem>>) target(%dma_start3A_535 : memref<8x512xf32, #tpu.memory_space<hbm>>) target_semaphore(%arg16 : memref<!tpu.dma_semaphore, #tpu.memory_space<semaphore_mem>>)
    }
    %scan3A_447 = arith.constant 8 : i32
    %dma_wait3A_448 = arith.constant 0 : i32
    %dma_wait3A_449 = arith.constant 0 : i32
    %dma_wait3A_450 = tpu.memref_slice %arg4[%add3A, %dma_wait3A_448, %dma_wait3A_449] : memref<32x64x8192xf32, #tpu.memory_space<hbm>> -> memref<1x64x512xf32, #tpu.memory_space<hbm>>
    %dma_wait3A_451 = tpu.memref_squeeze %dma_wait3A_450 : memref<1x64x512xf32, #tpu.memory_space<hbm>> -> memref<64x512xf32, #tpu.memory_space<hbm>>
    %dma_wait3A_452 = arith.constant 0 : i32
    %dma_wait3A_453 = arith.constant 0 : i32
    %dma_wait3A_454 = tpu.memref_slice %arg4[%add3A, %dma_wait3A_452, %dma_wait3A_453] : memref<32x64x8192xf32, #tpu.memory_space<hbm>> -> memref<1x64x512xf32, #tpu.memory_space<hbm>>
    %dma_wait3A_455 = tpu.memref_squeeze %dma_wait3A_454 : memref<1x64x512xf32, #tpu.memory_space<hbm>> -> memref<64x512xf32, #tpu.memory_space<hbm>>
    tpu.wait_dma2 semaphore(%arg13 : memref<!tpu.dma_semaphore, #tpu.memory_space<semaphore_mem>>) src(%arg9 : memref<64x512xf32, #tpu.memory_space<vmem>>) dst(%dma_wait3A_455 : memref<64x512xf32, #tpu.memory_space<hbm>>)
    %dma_wait3A_456 = arith.constant 0 : i32
    %dma_wait3A_457 = arith.constant 0 : i32
    %dma_wait3A_458 = tpu.memref_slice %arg5[%add3A, %dma_wait3A_456, %dma_wait3A_457] : memref<32x8x8192xf32, #tpu.memory_space<hbm>> -> memref<1x8x512xf32, #tpu.memory_space<hbm>>
    %dma_wait3A_459 = tpu.memref_squeeze %dma_wait3A_458 : memref<1x8x512xf32, #tpu.memory_space<hbm>> -> memref<8x512xf32, #tpu.memory_space<hbm>>
    %dma_wait3A_460 = arith.constant 0 : i32
    %dma_wait3A_461 = arith.constant 0 : i32
    %dma_wait3A_462 = tpu.memref_slice %arg5[%add3A, %dma_wait3A_460, %dma_wait3A_461] : memref<32x8x8192xf32, #tpu.memory_space<hbm>> -> memref<1x8x512xf32, #tpu.memory_space<hbm>>
    %dma_wait3A_463 = tpu.memref_squeeze %dma_wait3A_462 : memref<1x8x512xf32, #tpu.memory_space<hbm>> -> memref<8x512xf32, #tpu.memory_space<hbm>>
    tpu.wait_dma2 semaphore(%arg15 : memref<!tpu.dma_semaphore, #tpu.memory_space<semaphore_mem>>) src(%arg11 : memref<8x512xf32, #tpu.memory_space<vmem>>) dst(%dma_wait3A_463 : memref<8x512xf32, #tpu.memory_space<hbm>>)
    %dma_wait3A_464 = arith.constant 0 : i32
    %dma_wait3A_465 = arith.constant 0 : i32
    %dma_wait3A_466 = tpu.memref_slice %arg4[%add3A, %dma_wait3A_464, %dma_wait3A_465] : memref<32x64x8192xf32, #tpu.memory_space<hbm>> -> memref<1x64x512xf32, #tpu.memory_space<hbm>>
    %dma_wait3A_467 = tpu.memref_squeeze %dma_wait3A_466 : memref<1x64x512xf32, #tpu.memory_space<hbm>> -> memref<64x512xf32, #tpu.memory_space<hbm>>
    %dma_wait3A_468 = arith.constant 0 : i32
    %dma_wait3A_469 = arith.constant 0 : i32
    %dma_wait3A_470 = tpu.memref_slice %arg4[%add3A, %dma_wait3A_468, %dma_wait3A_469] : memref<32x64x8192xf32, #tpu.memory_space<hbm>> -> memref<1x64x512xf32, #tpu.memory_space<hbm>>
    %dma_wait3A_471 = tpu.memref_squeeze %dma_wait3A_470 : memref<1x64x512xf32, #tpu.memory_space<hbm>> -> memref<64x512xf32, #tpu.memory_space<hbm>>
    tpu.wait_dma2 semaphore(%arg14 : memref<!tpu.dma_semaphore, #tpu.memory_space<semaphore_mem>>) src(%arg10 : memref<64x512xf32, #tpu.memory_space<vmem>>) dst(%dma_wait3A_471 : memref<64x512xf32, #tpu.memory_space<hbm>>)
    %dma_wait3A_472 = arith.constant 0 : i32
    %dma_wait3A_473 = arith.constant 0 : i32
    %dma_wait3A_474 = tpu.memref_slice %arg5[%add3A, %dma_wait3A_472, %dma_wait3A_473] : memref<32x8x8192xf32, #tpu.memory_space<hbm>> -> memref<1x8x512xf32, #tpu.memory_space<hbm>>
    %dma_wait3A_475 = tpu.memref_squeeze %dma_wait3A_474 : memref<1x8x512xf32, #tpu.memory_space<hbm>> -> memref<8x512xf32, #tpu.memory_space<hbm>>
    %dma_wait3A_476 = arith.constant 0 : i32
    %dma_wait3A_477 = arith.constant 0 : i32
    %dma_wait3A_478 = tpu.memref_slice %arg5[%add3A, %dma_wait3A_476, %dma_wait3A_477] : memref<32x8x8192xf32, #tpu.memory_space<hbm>> -> memref<1x8x512xf32, #tpu.memory_space<hbm>>
    %dma_wait3A_479 = tpu.memref_squeeze %dma_wait3A_478 : memref<1x8x512xf32, #tpu.memory_space<hbm>> -> memref<8x512xf32, #tpu.memory_space<hbm>>
    tpu.wait_dma2 semaphore(%arg16 : memref<!tpu.dma_semaphore, #tpu.memory_space<semaphore_mem>>) src(%arg12 : memref<8x512xf32, #tpu.memory_space<vmem>>) dst(%dma_wait3A_479 : memref<8x512xf32, #tpu.memory_space<hbm>>)
    return
  }
}

</mosaic_0001>

<sc_bundles>
// kernel: kernel.3.cloned.1.call-start
scs
__scs_entry_jumppad:
0x0: {  	(pc) =	sbr.rel $0x88, $3  }
0x1: {  	(tag) =	ssettag $0x0;
	lr =	simm.s32 $0x1  }
0x2: {  	[smem:$0x3F9F] =	sst lr;
	_ =	strace $0xD0000000  }
0x3: {  	_ = 	snop  }
0x4: {  	_ = 	snop  }
0x5: {  	_ = 	snop  }
0x6: {  	_ = 	snop  }
0x7: {  	_ = 	snop  }
__scs_overlays_trampoline_lowered:
0x8: {  	[smem:$0x3FAE] =	sst s0  }
0x9: {  	[smem:$0x3FAF] =	sst s1  }
0xa: {  	[smem:$0x3FB0] =	sst s2  }
0xb: {  	[smem:$0x3FB1] =	sst s3  }
0xc: {  	[smem:$0x3FB2] =	sst s4  }
0xd: {  	[smem:$0x3FB3] =	sst s5  }
0xe: {  	[smem:$0x3FB4] =	sst s6  }
0xf: {  	[smem:$0x3FB5] =	sst s7  }
0x10: {  	[smem:$0x3FB6] =	sst s8  }
0x11: {  	[smem:$0x3FB7] =	sst s9;
	s0 =	simm.s32 @!p0 $0x0  }
0x12: {  	s1 =	sld [smem:$0x3F9D];
	s0 =	simm.s32 @p0 $0x1  }
0x13: {  	[smem:$0x3FB8] =	sst s0;
	s0 =	simm.s32 @!p1 $0x0  }
0x14: {  	s2 =	sld [smem:$0x3F9C];
	s0 =	simm.s32 @p1 $0x1  }
0x15: {  	[smem:$0x3FB9] =	sst s0;
	s0 =	simm.s32 @!p2 $0x0  }
0x16: {  	s3 =	sld [smem:$0x3FDB];
	s0 =	simm.s32 @p2 $0x1  }
0x17: {  	s4 =	simm.s32 $0x1BF5;
	[smem:$0x3FBB] =	sst s0  }
0x18: {  	s0 =	sld [smem:$0x3F9E];
	_ =	swait.ge [sflag:s4], $0x0  }
0x19: {  	s7 =	sld [smem:$0x3F9F]  }
0x1a: {  	s8 =	sadd.s32 $0xFFFFE003, lr  }
0x1b: {  	s9 =	sadd.s32 $0xFFFFFEF7, lr;
	s5 =	simm.s32 $0xFFFFFFFF;
	p2 =	slt.u32 s8, $0xFFFFF086  }
0x1c: {  	p1 =	slt.u32 s9, $0xF7A;
	s5 =	simm.s32 @!p2 $0x0  }
0x1d: {  	s5 =	simm.s32 @p1 $0x1;
	p0 =	seq.s32 s7, s2  }
0x1e: {  	s7 =	smul.u32 @!p0 $0xF7A, s2;
	p2 =	seq.s32 @!p0 s5, $0x0  }
0x1f: {  	s9 =	smul.u32 $0xF7A, s1;
	s8 =	simm.s32 @!p0 $0x1BF5;
	p2 =	por !p2, p0  }
0x20: {  	[sflag:s8] =	ssyncset.s32 @!p0 $0xFFFFF086;
	s6 =	sadd.s32 @!p0 s3, s7;
	s7 =	simm.s32 @!p0 $0x108  }
0x21: {  	s3 =	sadd.s32 s3, s9;
	s6 =	sadd.s32 @!p0 $0x88, s6;
	s7 =	simm.s32 @p2 $0x1082  }
0x22: {  	[simem:s7], [sflag:s8] =	dma.local @!p0 [hbm:s6], $0xF7A  }
0x23: {  	s9 =	sor.u32 $0xD0000000, s2;
	s6 =	simm.s32 $0x108;
	_ =	swait.ge @!p0 [sflag:s8], $0x0  }
0x24: {  	s3 =	sadd.s32 $0x88, s3;
	s6 =	simm.s32 @!p1 $0x1082;
	[sflag:s4] =	ssyncset.s32 $0xFFFFF086  }
0x25: {  	[simem:s6], [sflag:s4] =	dma.local [hbm:s3], $0xF7A  }
0x26: {  	[smem:$0x3F9F] =	sst s1;
	(tag) =	ssettag s2;
	_ =	strace s9  }
0x27: {  	s1 =	sld [smem:$0x3FAF]  }
0x28: {  	s2 =	sld [smem:$0x3FB0]  }
0x29: {  	s4 =	sld [smem:$0x3FB2]  }
0x2a: {  	p0 =	seq.s32 s5, $0x0;
	s5 =	sld [smem:$0x3FB3]  }
0x2b: {  	s6 =	sld [smem:$0x3FB4]  }
0x2c: {  	s7 =	sld [smem:$0x3FB5]  }
0x2d: {  	s3 =	simm.s32 $0x108;
	s8 =	sld [smem:$0x3FB6]  }
0x2e: {  	s3 =	simm.s32 @!p0 $0x1082;
	s9 =	sld [smem:$0x3FB7]  }
0x2f: {  	lr =	sadd.s32 s0, s3;
	s0 =	sld [smem:$0x3FAE]  }
0x30: {  	s3 =	sld [smem:$0x3FB1]  }
0x31: {  	[smem:$0x3FBA] =	sst s10  }
0x32: {  	s10 =	sld [smem:$0x3FB8];
	_ =	sdelay $0x3  }
0x33: {  	p0 =	seq.s32 s10, $0x1;
	s10 =	sld [smem:$0x3FBA];
	_ =	sdelay $0x3  }
0x34: {  	[smem:$0x3FBA] =	sst s10  }
0x35: {  	s10 =	sld [smem:$0x3FB9];
	_ =	sdelay $0x3  }
0x36: {  	p1 =	seq.s32 s10, $0x1;
	s10 =	sld [smem:$0x3FBA];
	_ =	sdelay $0x3  }
0x37: {  	[smem:$0x3FBA] =	sst s10  }
0x38: {  	s10 =	sld [smem:$0x3FBB]  }
0x39: {  	_ = 	snop;
	(pc) =	sbr.ind lr, $3  }
0x3a: {  	_ = 	snop  }
0x3b: {  	_ = 	snop  }
0x3c: {  	p2 =	seq.s32 s10, $0x1;
	s10 =	sld [smem:$0x3FBA]  }
0x3d: {  	_ =	shalt  }
0x3e: {  	_ =	shalt  }
0x3f: {  	_ =	shalt  }
0x40: {  	_ =	shalt  }
0x41: {  	_ =	shalt  }
0x42: {  	_ =	shalt  }
0x43: {  	_ =	shalt  }
0x44: {  	_ =	shalt  }
0x45: {  	_ =	shalt  }
0x46: {  	_ =	shalt  }
0x47: {  	_ =	shalt  }
0x48: {  	_ =	shalt  }
0x49: {  	_ =	shalt  }
0x4a: {  	_ =	shalt  }
0x4b: {  	_ =	shalt  }
0x4c: {  	_ =	shalt  }
0x4d: {  	_ =	shalt  }
0x4e: {  	_ =	shalt  }
0x4f: {  	_ =	shalt  }
0x50: {  	_ =	shalt  }
0x51: {  	_ =	shalt  }
0x52: {  	_ =	shalt  }
0x53: {  	_ =	shalt  }
0x54: {  	_ =	shalt  }
0x55: {  	_ =	shalt  }
0x56: {  	_ =	shalt  }
0x57: {  	_ =	shalt  }
0x58: {  	_ =	shalt  }
0x59: {  	_ =	shalt  }
0x5a: {  	_ =	shalt  }
0x5b: {  	_ =	shalt  }
0x5c: {  	_ =	shalt  }
0x5d: {  	_ =	shalt  }
0x5e: {  	_ =	shalt  }
0x5f: {  	_ =	shalt  }
0x60: {  	_ =	shalt  }
0x61: {  	_ =	shalt  }
0x62: {  	_ =	shalt  }
0x63: {  	_ =	shalt  }
0x64: {  	_ =	shalt  }
0x65: {  	_ =	shalt  }
0x66: {  	_ =	shalt  }
0x67: {  	_ =	shalt  }
0x68: {  	_ =	shalt  }
0x69: {  	_ =	shalt  }
0x6a: {  	_ =	shalt  }
0x6b: {  	_ =	shalt  }
0x6c: {  	_ =	shalt  }
0x6d: {  	_ =	shalt  }
0x6e: {  	_ =	shalt  }
0x6f: {  	_ =	shalt  }
0x70: {  	_ =	shalt  }
0x71: {  	_ =	shalt  }
0x72: {  	_ =	shalt  }
0x73: {  	_ =	shalt  }
0x74: {  	_ =	shalt  }
0x75: {  	_ =	shalt  }
0x76: {  	_ =	shalt  }
0x77: {  	_ =	shalt  }
0x78: {  	_ =	shalt  }
0x79: {  	_ =	shalt  }
0x7a: {  	_ =	shalt  }
0x7b: {  	_ =	shalt  }
0x7c: {  	_ =	shalt  }
0x7d: {  	_ =	shalt  }
0x7e: {  	_ =	shalt  }
0x7f: {  	_ =	shalt  }
0x80: {  	_ =	shalt  }
0x81: {  	_ =	shalt  }
0x82: {  	_ =	shalt  }
0x83: {  	_ =	shalt  }
0x84: {  	_ =	shalt  }
0x85: {  	_ =	shalt  }
0x86: {  	_ =	shalt  }
0x87: {  	_ =	shalt  }
.Lfunc_end0:
.L_simem_size_0:
called_computation_lowered:
.L_overlay_start_0:
0x88: {  	s2 =	sld [smem:$0x3FD9]  }
0x89: {  	s3 =	sld [smem:$0x3FFE];
	_ =	sdelay $0x1  }
0x8a: {  	s1 =	srdreg.scid  }
0x8b: {  	s0 =	sand.u32 $0x1, s1  }
0x8c: {  	s15 =	sshll.u32 s0, $0xA;
	s2 =	sadd.s32 s3, s2  }
0x8d: {  	s2 =	sadd.s32 s2, s15  }
0x8e: {  	[smem:$0x3FC6] =	sst s2  }
0x8f: {  	_ = 	snop  }
0x90: {  	s2 =	sld [smem:$0x3FD0];
	_ =	sdelay $0x1  }
0x91: {  	s16 =	sld [smem:$0x3FC9]  }
0x92: {  	s5 =	simm.s32 $0xA;
	s6 =	simm.s32 $0x10;
	s4 =	sld [smem:$0x3FC8]  }
0x93: {  	[smem:s6], [sflag:s5] =	dma.local [hbm:s2], $0x1  }
0x94: {  	_ =	swait.eq [sflag:s5], $0x1  }
0x95: {  	[sflag:s5] =	ssyncset.done $0x0  }
0x96: {  	s17 =	sld [smem:$0x10];
	[sflag:s5] =	ssyncadd.s32 $0xFFFFFFFF  }
0x97: {  	s18 =	sld [smem:$0x11];
	(tm) =	ssettm $0x1  }
0x98: {  	s19 =	sld [smem:$0x3FFB];
	_ =	sdelay $0x3  }
0x99: {  	_ =	strace s19  }
0x9a: {  	s6 =	sld [smem:$0x3FFC];
	_ =	sdelay $0x3  }
0x9b: {  	_ =	strace s6  }
0x9c: {  	s6 =	sld [smem:$0x3FFD];
	_ =	sdelay $0x3  }
0x9d: {  	_ =	strace s6  }
0x9e: {  	_ =	strace $0x8FFFFFFF  }
0x9f: {  	s20 =	sld [smem:$0x3FDB];
	_ =	sdelay $0x1  }
0xa0: {  	s7 =	simm.s32 $_scs_section_size  }
0xa1: {  	s8 =	simm.s32 $_size__tile_overlayer_lowered;
	s9 =	simm.s32 $_tile_overlayer_lowered  }
0xa2: {  	s23 =	simm.s32 $0x1BFF;
	s22 =	sshll.u32 s9, $0x1;
	s6 =	sadd.s32 s7, s20  }
0xa3: {  	s10 =	simm.s32 $0x0;
	s21 =	sshll.u32 s8, $0x1;
	s8 =	sadd.s32 s22, s6  }
0xa4: {  	[timem:s10], [sflag:s23] =	dma.local [hbm:s8], s21  }
0xa5: {  	_ =	swait.ge [sflag:s23], s21  }
0xa6: {  	s7 =	ssub.s32 $0x0, s21;
	[sflag:s23] =	ssyncset.done $0x0  }
0xa7: {  	[sflag:s23] =	ssyncadd.s32 s7;
	_ =	sdelay $0x1  }
0xa8: {  	s24 =	simm.s32 $0x1B8B  }
0xa9: {  	_ =	swait.ge [sflag:s24], $0x1  }
0xaa: {  	[sflag:s24] =	ssyncset.done $0x0  }
0xab: {  	s25 =	simm.s32 $0x1B8E;
	[sflag:s24] =	ssyncadd.s32 $0xFFFFFFFF  }
0xac: {  	s26 =	simm.s32 $execute0_lowered;
	[smem:$0x3FD2] =	sst s25  }
0xad: {  	s7 =	sshll.u32 s26, $0x1;
	_ =	strace $0x80000046;
	[dreg:$0x1] =	wrdreg $0xFFFFFFFF  }
0xae: {  	s28 =	simm.s32 $_size_execute0_lowered;
	s6 =	sadd.s32 s6, s7;
	[dreg:$0x0] =	wrdreg $0x0  }
0xaf: {  	s7 =	sshll.u32 s28, $0x1;
	[dreg:$0x2] =	wrdreg s6  }
0xb0: {  	[dreg:$0x3] =	wrdreg s7  }
0xb1: {  	[dreg:$0x4] =	wrdreg $0xC0  }
0xb2: {  	_ =	task [dreg:s10], $0x5FFFF  }
0xb3: {  	[dreg:$0x1] =	wrdreg $0xFFFFFFFF  }
0xb4: {  	[dreg:$0x0] =	wrdreg $0x60  }
0xb5: {  	[dreg:$0x2] =	wrdreg s4  }
0xb6: {  	[dreg:$0x3] =	wrdreg s16  }
0xb7: {  	[dreg:$0x4] =	wrdreg s17  }
0xb8: {  	[dreg:$0x5] =	wrdreg s18  }
0xb9: {  	[dreg:$0x6] =	wrdreg $0x9  }
0xba: {  	_ =	task.clear_ibuf [dreg:s10], $0x7FFFF;
	_ =	strace $0x90000046  }
0xbb: {  	s29 =	simm.s32 $0x9;
	_ =	strace $0x80000048  }
0xbc: {  	_ =	swait.ge [sflag:s29], $0x1  }
0xbd: {  	[sflag:s29] =	ssyncadd.s32 $0xFFFFFFFF  }
0xbe: {  	_ =	strace $0x90000048  }
0xbf: {  	_ =	sfence  }
0xc0: {  	s30 =	sld [smem:$0x0];
	_ =	sdelay $0x2  }
0xc1: {  	s31 =	sshll.u32 s1, $0xD;
	s1 =	sshrl.u32 s1, $0x2  }
0xc2: {  	s3 =	sand.u32 $0x4000, s31;
	s1 =	sadd.s32 s1, s30  }
0xc3: {  	s0 =	sor.u32 s3, s0;
	s1 =	sshll.u32 s1, $0x11  }
0xc4: {  	s0 =	sor.u32 s1, s0  }
0xc5: {  	s0 =	sadd.s32 $0x8F2B, s0  }
0xc6: {  	[sflag:s0] =	ssyncadd.remote.s32 $0x1  }
0xc7: {  	_ =	sfence.sel $0xFFFF  }
0xc8: {  	[dreg:$0x0] =	wrdreg $0xFFFFFFFF;
	(pc) =	sbr.abs _section_cstart, $3  }
0xc9: {  	[dreg:$0x1] =	wrdreg $0xFFFFFFFF  }
0xca: {  	_ =	task.clear_ibuf [dreg:s10], $0x2FFFF;
	_ =	strace $0x9FFFFFFF  }
0xcb: {  	(tm) =	ssettm $0x7FFFFFFF  }
tec
execute0_lowered:
.L_overlay_start_1:
0x0: {  	(tag) =	ssettag $0x1  }
0x1: {  	s0 =	rddreg [dreg:$0x1]  }
0x2: {  	s6 =	rddreg [dreg:$0x2]  }
0x3: {  	s7 =	rddreg [dreg:$0x3];
	s1 =	srdreg.scid;
	s3 =	simm.s32 $0x0  }
0x4: {  	s2 =	stileid.u32;
	[smem:$0x7FF] =	sst s3  }
0x5: {  	v0 =	vimm.f32 $1.000000000e+01;
	s1 =	sand.u32 $0x1, s1;
	s2 =	sshll.u32 s2, $0x1;
	_ =	strace $0x80000047  }
0x6: {  	s2 =	sor.u32 s1, s2;
	(erf) = vrcp.f32 v0  }
0x7: {  	s1 =	ssub.s32 $0x2, s1;
	s28 =	sshll.u32 s2, $0xD  }
0x8: {  	s4 =	sshll.u32 s2, $0x7;
	s29 =	sshll.u32 s2, $0x10;
	s2 =	sshll.u32 s2, $0x13  }
0x9: {  	s5 =	sshrl.u32 s1, $0x1;
	[dreg:$0x9] =	wrdreg s2  }
0xa: {  	s4 =	sor.u32 s4, s28;
	s1 =	ssub.s32 s1, s5;
	[dreg:$0x8] =	wrdreg s29  }
.Ltmp0:
0xb: {  	s30 =	sadd.s32 s7, s28;
	s4 =	sand.u32 $0x30380, s4;
	(pc) =	sbr.rel .LBB2_1-.Ltmp0, $4  }
0xc: {  	[dreg:$0xb] =	wrdreg s30;
	s31 =	smax.u32 s1, $0x1;
	s4 =	sshrl.u32 s4, $0x3  }
0xd: {  	s13 =	simm.s32 $0x400;
	[dreg:$0xc] =	wrdreg s31;
	s0 =	sadd.s32 s0, s4  }
0xe: {  	s10 =	simm.s32 $0x2C00;
	[dreg:$0x7] =	wrdreg s0;
	s0 =	sadd.s32 s6, s29  }
0xf: {  	v1 =	vimm.f32 $0.0e+00;
	v2 =	vlaneseq.u32;
	s2 =	simm.s32 $0x0;
	s4 =	simm.s32 $0x1;
	[dreg:$0xa] =	wrdreg s0;
	v0 =	vpop (erf)  }
.LBB2_37:
0x10: {  	s4 =	simm.s32 $0x1  }
0x11: {  	_ =	swait.ge [sflag:s4], $0x8000  }
0x12: {  	[sflag:s4] =	ssyncset.done $0x0  }
0x13: {  	s0 =	simm.s32 $0x3;
	[sflag:s4] =	ssyncadd.s32 $0xFFFF8000  }
0x14: {  	_ =	swait.ge [sflag:s0], $0x1000  }
0x15: {  	[sflag:s0] =	ssyncset.done $0x0  }
0x16: {  	s30 =	simm.s32 $0x2;
	[sflag:s0] =	ssyncadd.s32 $0xFFFFF000  }
0x17: {  	_ =	swait.ge [sflag:s30], $0x8000  }
0x18: {  	[sflag:s30] =	ssyncset.done $0x0  }
0x19: {  	s1 =	simm.s32 $0x4;
	[sflag:s30] =	ssyncadd.s32 $0xFFFF8000  }
0x1a: {  	_ =	swait.ge [sflag:s1], $0x1000  }
0x1b: {  	s2 =	rddreg [dreg:$0xd]  }
0x1c: {  	s31 =	rddreg [dreg:$0xc];
	s2 =	sadd.s32 $0x1, s2  }
0x1d: {  	p0 =	sne.s32 s2, s31  }
.Ltmp1:
0x1e: {  	_ = 	snop;
	(pc) =	sbr.rel @!p0 .LBB2_38-.Ltmp1, $3  }
0x1f: {  	_ =	sdelay $0x1  }
0x20: {  	[sflag:s1] =	ssyncset.done $0x0  }
0x21: {  	[sflag:s1] =	ssyncadd.s32 $0xFFFFF000  }
.LBB2_1:
0x22: {  	[dreg:$0xd] =	wrdreg s2  }
0x23: {  	s0 =	rddreg [dreg:$0x0];
	s1 =	simm.s32 $0x0  }
0x24: {  	[tilespmem:s1], [sflag:$0x1] =	stream.linear.gather [hbm4b:s0+s1], $0x400, $0x38;
	[tilespmem:$0x14C00] =	vst v63  }
0x25: {  	s28 =	rddreg [dreg:$0x7];
	s29 =	simm.s32 $0x80;
	s3 =	simm.s32 $0xC00  }
0x26: {  	[tilespmem:s3], [sflag:$0x3] =	stream.strided.gather [hbm4b:s28+s29], $0x2000, s13, s29, $0x38;
	[tilespmem:$0x14C00] =	vst v63  }
0x27: {  	_ =	swait.ge [sflag:s4], $0x400  }
0x28: {  	[sflag:s4] =	ssyncset.done $0x0  }
0x29: {  	[sflag:s4] =	ssyncadd.s32 $0xFFFFFC00  }
0x2a: {  	v3 =	vld [tilespmem:$0x0];
	_ =	sdelay $0x4  }
0x2b: {  	v3 =	vmul.f32 $1.000000000e+01, v3  }
0x2c: {  	v4 =	vld [tilespmem:$0x0]  }
0x2d: {  	v5 =	vld [tilespmem:$0x80];
	v3 =	vadd.f32 $5.000000000e-01, v3  }
0x2e: {  	v37 =	vld [tilespmem:$0x10];
	[tilespmem:$0x500] =	vst v1  }
0x2f: {  	v6 =	vld [tilespmem:$0x100];
	[tilespmem:$0x510] =	vst v1;
	v3 =	vtrunc.f32 v3  }
0x30: {  	v7 =	vld [tilespmem:$0x180];
	[tilespmem:$0x520] =	vst v1;
	v3 =	vcvt.f32.s32 v3  }
0x31: {  	v8 =	vld [tilespmem:$0x200];
	[tilespmem:$0x530] =	vst v1  }
0x32: {  	v9 =	vld [tilespmem:$0x280];
	[tilespmem:$0x580] =	vst v4;
	vm0 =	vgt.s32 v3, $0x0  }
0x33: {  	v38 =	vld [tilespmem:$0x300];
	[tilespmem:$0x600] =	vst v5;
	v4 =	vmul.f32 $1.000000000e+01, v37;
	v3 =	vnsel vm0, $0x0, v3  }
0x34: {  	v39 =	vld [tilespmem:$0x380];
	[tilespmem:$0x680] =	vst v6;
	v3 =	vand.u32 $0x3F, v3  }
0x35: {  	v40 =	vld [tilespmem:$0x10];
	[tilespmem:$0x700] =	vst v7;
	v4 =	vadd.f32 $5.000000000e-01, v4;
	v3 =	vcvt.s32.f32 v3  }
0x36: {  	v45 =	vld [tilespmem:$0x20];
	[tilespmem:$0x780] =	vst v8  }
0x37: {  	v4 =	vtrunc.f32 v4;
	[tilespmem:$0x400] =	vst v3;
	v3 =	vld [tilespmem:$0x290]  }
0x38: {  	v41 =	vld [tilespmem:$0x90];
	[tilespmem:$0x800] =	vst v9;
	v4 =	vcvt.f32.s32 v4  }
0x39: {  	v42 =	vld [tilespmem:$0x110];
	[tilespmem:$0x880] =	vst v38  }
0x3a: {  	[tilespmem:$0x900] =	vst v39;
	vm13 =	vgt.s32 v4, $0x0  }
0x3b: {  	v43 =	vld [tilespmem:$0x190];
	[tilespmem:$0x590] =	vst v40;
	v4 =	vnsel vm13, $0x0, v4  }
0x3c: {  	v44 =	vld [tilespmem:$0x210];
	v50 =	vmul.f32 $1.000000000e+01, v45;
	[tilespmem:$0x810] =	vst v3;
	v3 =	vand.u32 $0x3F, v4  }
0x3d: {  	v46 =	vld [tilespmem:$0x310];
	[tilespmem:$0x610] =	vst v41;
	v3 =	vcvt.s32.f32 v3  }
0x3e: {  	v47 =	vld [tilespmem:$0x390];
	[tilespmem:$0x690] =	vst v42;
	v6 =	vadd.f32 $5.000000000e-01, v50  }
0x3f: {  	[tilespmem:$0x410] =	vst v3;
	v3 =	vld [tilespmem:$0x220]  }
0x40: {  	v48 =	vld [tilespmem:$0x20];
	[tilespmem:$0x710] =	vst v43;
	v6 =	vtrunc.f32 v6  }
0x41: {  	v49 =	vld [tilespmem:$0xA0];
	[tilespmem:$0x790] =	vst v44;
	v6 =	vcvt.f32.s32 v6  }
0x42: {  	v51 =	vld [tilespmem:$0x120];
	[tilespmem:$0x890] =	vst v46  }
0x43: {  	v52 =	vld [tilespmem:$0x1A0];
	[tilespmem:$0x910] =	vst v47;
	vm14 =	vgt.s32 v6, $0x0  }
0x44: {  	v57 =	vld [tilespmem:$0x30];
	[tilespmem:$0x7A0] =	vst v3;
	v3 =	vnsel vm14, $0x0, v6  }
0x45: {  	v53 =	vld [tilespmem:$0x2A0];
	[tilespmem:$0x5A0] =	vst v48;
	v3 =	vand.u32 $0x3F, v3  }
0x46: {  	v54 =	vld [tilespmem:$0x320];
	[tilespmem:$0x620] =	vst v49;
	v3 =	vcvt.s32.f32 v3  }
0x47: {  	v55 =	vld [tilespmem:$0x3A0];
	[tilespmem:$0x6A0] =	vst v51  }
0x48: {  	[tilespmem:$0x420] =	vst v3;
	v3 =	vld [tilespmem:$0x230]  }
0x49: {  	v56 =	vld [tilespmem:$0x30];
	[tilespmem:$0x720] =	vst v52;
	v6 =	vmul.f32 $1.000000000e+01, v57  }
0x4a: {  	v58 =	vld [tilespmem:$0xB0];
	[tilespmem:$0x820] =	vst v53  }
0x4b: {  	v59 =	vld [tilespmem:$0x130];
	[tilespmem:$0x8A0] =	vst v54;
	v6 =	vadd.f32 $5.000000000e-01, v6  }
0x4c: {  	v60 =	vld [tilespmem:$0x1B0];
	[tilespmem:$0x920] =	vst v55  }
0x4d: {  	v61 =	vld [tilespmem:$0x2B0];
	[tilespmem:$0x7B0] =	vst v3;
	v3 =	vtrunc.f32 v6  }
0x4e: {  	v62 =	vld [tilespmem:$0x330];
	[tilespmem:$0x5B0] =	vst v56;
	v3 =	vcvt.f32.s32 v3  }
0x4f: {  	v63 =	vld [tilespmem:$0x3B0];
	[tilespmem:$0x630] =	vst v58  }
0x50: {  	[tilespmem:$0x6B0] =	vst v59;
	vm15 =	vgt.s32 v3, $0x0  }
0x51: {  	[tilespmem:$0x730] =	vst v60;
	v3 =	vnsel vm15, $0x0, v3  }
0x52: {  	[tilespmem:$0x830] =	vst v61;
	v3 =	vand.u32 $0x3F, v3  }
0x53: {  	[tilespmem:$0x8B0] =	vst v62;
	v3 =	vcvt.s32.f32 v3  }
0x54: {  	s30 =	sand.u32 $0x7000, s1;
	s1 =	sand.u32 $0x380, s1;
	[tilespmem:$0x930] =	vst v63  }
0x55: {  	s0 =	sor.u32 s1, s30;
	[tilespmem:$0x430] =	vst v3  }
0x56: {  	[tilespmem:s0+$0xB870] =	vst v1  }
0x57: {  	[tilespmem:s0+$0x2C00] =	vst v1  }
0x58: {  	[tilespmem:s0+$0xAC00] =	vst v1  }
0x59: {  	[tilespmem:s0+$0x2C10] =	vst v1  }
0x5a: {  	[tilespmem:s0+$0xAC10] =	vst v1  }
0x5b: {  	[tilespmem:s0+$0x2C20] =	vst v1  }
0x5c: {  	[tilespmem:s0+$0xAC20] =	vst v1  }
0x5d: {  	[tilespmem:s0+$0x2C30] =	vst v1  }
0x5e: {  	[tilespmem:s0+$0xAC30] =	vst v1  }
0x5f: {  	[tilespmem:s0+$0x2C40] =	vst v1  }
0x60: {  	[tilespmem:s0+$0xAC40] =	vst v1  }
0x61: {  	[tilespmem:s0+$0x2C50] =	vst v1  }
0x62: {  	[tilespmem:s0+$0xAC50] =	vst v1  }
0x63: {  	[tilespmem:s0+$0x2C60] =	vst v1  }
0x64: {  	[tilespmem:s0+$0xAC60] =	vst v1  }
0x65: {  	[tilespmem:s0+$0x2C70] =	vst v1  }
0x66: {  	[tilespmem:s0+$0xAC70] =	vst v1  }
0x67: {  	[tilespmem:s0+$0x3000] =	vst v1  }
0x68: {  	[tilespmem:s0+$0xB000] =	vst v1  }
0x69: {  	[tilespmem:s0+$0x3010] =	vst v1  }
0x6a: {  	[tilespmem:s0+$0xB010] =	vst v1  }
0x6b: {  	[tilespmem:s0+$0x3020] =	vst v1  }
0x6c: {  	[tilespmem:s0+$0xB020] =	vst v1  }
0x6d: {  	[tilespmem:s0+$0x3030] =	vst v1  }
0x6e: {  	[tilespmem:s0+$0xB030] =	vst v1  }
0x6f: {  	[tilespmem:s0+$0x3040] =	vst v1  }
0x70: {  	[tilespmem:s0+$0xB040] =	vst v1  }
0x71: {  	[tilespmem:s0+$0x3050] =	vst v1  }
0x72: {  	[tilespmem:s0+$0xB050] =	vst v1  }
0x73: {  	[tilespmem:s0+$0x3060] =	vst v1  }
0x74: {  	[tilespmem:s0+$0xB060] =	vst v1  }
0x75: {  	[tilespmem:s0+$0x3070] =	vst v1  }
0x76: {  	[tilespmem:s0+$0xB070] =	vst v1  }
0x77: {  	[tilespmem:s0+$0x3400] =	vst v1  }
0x78: {  	[tilespmem:s0+$0xB400] =	vst v1  }
0x79: {  	[tilespmem:s0+$0x3410] =	vst v1  }
0x7a: {  	[tilespmem:s0+$0xB410] =	vst v1  }
0x7b: {  	[tilespmem:s0+$0x3420] =	vst v1  }
0x7c: {  	[tilespmem:s0+$0xB420] =	vst v1  }
0x7d: {  	[tilespmem:s0+$0x3430] =	vst v1  }
0x7e: {  	[tilespmem:s0+$0xB430] =	vst v1  }
0x7f: {  	[tilespmem:s0+$0x3440] =	vst v1  }
0x80: {  	[tilespmem:s0+$0xB440] =	vst v1  }
0x81: {  	[tilespmem:s0+$0x3450] =	vst v1  }
0x82: {  	[tilespmem:s0+$0xB450] =	vst v1  }
0x83: {  	[tilespmem:s0+$0x3460] =	vst v1  }
0x84: {  	[tilespmem:s0+$0xB460] =	vst v1  }
0x85: {  	[tilespmem:s0+$0x3470] =	vst v1  }
0x86: {  	[tilespmem:s0+$0xB470] =	vst v1  }
0x87: {  	[tilespmem:s0+$0x3800] =	vst v1  }
0x88: {  	[tilespmem:s0+$0xB800] =	vst v1  }
0x89: {  	[tilespmem:s0+$0x3810] =	vst v1  }
0x8a: {  	[tilespmem:s0+$0xB810] =	vst v1  }
0x8b: {  	[tilespmem:s0+$0x3820] =	vst v1  }
0x8c: {  	[tilespmem:s0+$0xB820] =	vst v1  }
0x8d: {  	[tilespmem:s0+$0x3830] =	vst v1  }
0x8e: {  	[tilespmem:s0+$0xB830] =	vst v1  }
0x8f: {  	[tilespmem:s0+$0x3840] =	vst v1  }
0x90: {  	[tilespmem:s0+$0xB840] =	vst v1  }
0x91: {  	[tilespmem:s0+$0x3850] =	vst v1  }
0x92: {  	[tilespmem:s0+$0xB850] =	vst v1  }
0x93: {  	s31 =	simm.s32 $0x200;
	s1 =	simm.s32 $0x80;
	[tilespmem:s0+$0x3860] =	vst v1  }
0x94: {  	s2 =	simm.s32 $0x400;
	s3 =	sand.u32 $0x7000, s31;
	s4 =	sand.u32 $0x380, s1;
	[tilespmem:s0+$0xB860] =	vst v1  }
.LBB2_2:
0x95: {  	p0 =	sne.s32 s2, $0x7E00;
	[tilespmem:s0+$0x3870] =	vst v1;
	s0 =	sor.u32 s4, s3  }
0x96: {  	[tilespmem:s0+$0xB870] =	vst v1  }
0x97: {  	[tilespmem:s0+$0x2C00] =	vst v1  }
0x98: {  	[tilespmem:s0+$0xAC00] =	vst v1  }
0x99: {  	[tilespmem:s0+$0x2C10] =	vst v1  }
0x9a: {  	[tilespmem:s0+$0xAC10] =	vst v1  }
0x9b: {  	[tilespmem:s0+$0x2C20] =	vst v1  }
0x9c: {  	[tilespmem:s0+$0xAC20] =	vst v1  }
0x9d: {  	[tilespmem:s0+$0x2C30] =	vst v1  }
0x9e: {  	[tilespmem:s0+$0xAC30] =	vst v1  }
0x9f: {  	[tilespmem:s0+$0x2C40] =	vst v1  }
0xa0: {  	[tilespmem:s0+$0xAC40] =	vst v1  }
0xa1: {  	[tilespmem:s0+$0x2C50] =	vst v1  }
0xa2: {  	[tilespmem:s0+$0xAC50] =	vst v1  }
0xa3: {  	[tilespmem:s0+$0x2C60] =	vst v1  }
0xa4: {  	[tilespmem:s0+$0xAC60] =	vst v1  }
0xa5: {  	[tilespmem:s0+$0x2C70] =	vst v1  }
0xa6: {  	[tilespmem:s0+$0xAC70] =	vst v1  }
0xa7: {  	[tilespmem:s0+$0x3000] =	vst v1  }
0xa8: {  	[tilespmem:s0+$0xB000] =	vst v1  }
0xa9: {  	[tilespmem:s0+$0x3010] =	vst v1  }
0xaa: {  	[tilespmem:s0+$0xB010] =	vst v1  }
0xab: {  	[tilespmem:s0+$0x3020] =	vst v1  }
0xac: {  	[tilespmem:s0+$0xB020] =	vst v1  }
0xad: {  	[tilespmem:s0+$0x3030] =	vst v1  }
0xae: {  	[tilespmem:s0+$0xB030] =	vst v1  }
0xaf: {  	[tilespmem:s0+$0x3040] =	vst v1  }
0xb0: {  	[tilespmem:s0+$0xB040] =	vst v1  }
0xb1: {  	[tilespmem:s0+$0x3050] =	vst v1  }
0xb2: {  	[tilespmem:s0+$0xB050] =	vst v1  }
0xb3: {  	[tilespmem:s0+$0x3060] =	vst v1  }
0xb4: {  	[tilespmem:s0+$0xB060] =	vst v1  }
0xb5: {  	[tilespmem:s0+$0x3070] =	vst v1  }
0xb6: {  	[tilespmem:s0+$0xB070] =	vst v1  }
0xb7: {  	[tilespmem:s0+$0x3400] =	vst v1  }
0xb8: {  	[tilespmem:s0+$0xB400] =	vst v1  }
0xb9: {  	[tilespmem:s0+$0x3410] =	vst v1  }
0xba: {  	[tilespmem:s0+$0xB410] =	vst v1  }
0xbb: {  	[tilespmem:s0+$0x3420] =	vst v1  }
0xbc: {  	[tilespmem:s0+$0xB420] =	vst v1  }
0xbd: {  	[tilespmem:s0+$0x3430] =	vst v1  }
0xbe: {  	[tilespmem:s0+$0xB430] =	vst v1  }
0xbf: {  	[tilespmem:s0+$0x3440] =	vst v1  }
0xc0: {  	[tilespmem:s0+$0xB440] =	vst v1  }
0xc1: {  	[tilespmem:s0+$0x3450] =	vst v1  }
0xc2: {  	[tilespmem:s0+$0xB450] =	vst v1  }
0xc3: {  	[tilespmem:s0+$0x3460] =	vst v1  }
0xc4: {  	[tilespmem:s0+$0xB460] =	vst v1  }
0xc5: {  	[tilespmem:s0+$0x3470] =	vst v1  }
0xc6: {  	[tilespmem:s0+$0xB470] =	vst v1  }
0xc7: {  	[tilespmem:s0+$0x3800] =	vst v1  }
0xc8: {  	[tilespmem:s0+$0xB800] =	vst v1  }
0xc9: {  	[tilespmem:s0+$0x3810] =	vst v1  }
0xca: {  	[tilespmem:s0+$0xB810] =	vst v1  }
0xcb: {  	[tilespmem:s0+$0x3820] =	vst v1  }
0xcc: {  	[tilespmem:s0+$0xB820] =	vst v1  }
0xcd: {  	[tilespmem:s0+$0x3830] =	vst v1  }
0xce: {  	[tilespmem:s0+$0xB830] =	vst v1  }
0xcf: {  	[tilespmem:s0+$0x3840] =	vst v1  }
.Ltmp2:
0xd0: {  	[tilespmem:s0+$0xB840] =	vst v1;
	(pc) =	sbr.rel @p0 .LBB2_2-.Ltmp2, $4  }
0xd1: {  	[tilespmem:s0+$0x3850] =	vst v1  }
0xd2: {  	[tilespmem:s0+$0xB850] =	vst v1  }
0xd3: {  	s1 =	sadd.s32 $0x80, s1;
	[tilespmem:s0+$0x3860] =	vst v1  }
0xd4: {  	s3 =	sand.u32 $0x7000, s2;
	s2 =	sadd.s32 $0x200, s2;
	s4 =	sand.u32 $0x380, s1;
	[tilespmem:s0+$0xB860] =	vst v1  }
0xd5: {  	s1 =	sor.u32 s4, s3;
	[tilespmem:s0+$0x3870] =	vst v1  }
0xd6: {  	[tilespmem:s1+$0xB870] =	vst v1  }
0xd7: {  	[tilespmem:s1+$0x2C00] =	vst v1  }
0xd8: {  	[tilespmem:s1+$0xAC00] =	vst v1  }
0xd9: {  	[tilespmem:s1+$0x2C10] =	vst v1  }
0xda: {  	[tilespmem:s1+$0xAC10] =	vst v1  }
0xdb: {  	[tilespmem:s1+$0x2C20] =	vst v1  }
0xdc: {  	[tilespmem:s1+$0xAC20] =	vst v1  }
0xdd: {  	[tilespmem:s1+$0x2C30] =	vst v1  }
0xde: {  	[tilespmem:s1+$0xAC30] =	vst v1  }
0xdf: {  	[tilespmem:s1+$0x2C40] =	vst v1  }
0xe0: {  	[tilespmem:s1+$0xAC40] =	vst v1  }
0xe1: {  	[tilespmem:s1+$0x2C50] =	vst v1  }
0xe2: {  	[tilespmem:s1+$0xAC50] =	vst v1  }
0xe3: {  	[tilespmem:s1+$0x2C60] =	vst v1  }
0xe4: {  	[tilespmem:s1+$0xAC60] =	vst v1  }
0xe5: {  	[tilespmem:s1+$0x2C70] =	vst v1  }
0xe6: {  	[tilespmem:s1+$0xAC70] =	vst v1  }
0xe7: {  	[tilespmem:s1+$0x3000] =	vst v1  }
0xe8: {  	[tilespmem:s1+$0xB000] =	vst v1  }
0xe9: {  	[tilespmem:s1+$0x3010] =	vst v1  }
0xea: {  	[tilespmem:s1+$0xB010] =	vst v1  }
0xeb: {  	[tilespmem:s1+$0x3020] =	vst v1  }
0xec: {  	[tilespmem:s1+$0xB020] =	vst v1  }
0xed: {  	[tilespmem:s1+$0x3030] =	vst v1  }
0xee: {  	[tilespmem:s1+$0xB030] =	vst v1  }
0xef: {  	[tilespmem:s1+$0x3040] =	vst v1  }
0xf0: {  	[tilespmem:s1+$0xB040] =	vst v1  }
0xf1: {  	[tilespmem:s1+$0x3050] =	vst v1  }
0xf2: {  	[tilespmem:s1+$0xB050] =	vst v1  }
0xf3: {  	[tilespmem:s1+$0x3060] =	vst v1  }
0xf4: {  	[tilespmem:s1+$0xB060] =	vst v1  }
0xf5: {  	[tilespmem:s1+$0x3070] =	vst v1  }
0xf6: {  	[tilespmem:s1+$0xB070] =	vst v1  }
0xf7: {  	[tilespmem:s1+$0x3400] =	vst v1  }
0xf8: {  	[tilespmem:s1+$0xB400] =	vst v1  }
0xf9: {  	[tilespmem:s1+$0x3410] =	vst v1  }
0xfa: {  	[tilespmem:s1+$0xB410] =	vst v1  }
0xfb: {  	[tilespmem:s1+$0x3420] =	vst v1  }
0xfc: {  	[tilespmem:s1+$0xB420] =	vst v1  }
0xfd: {  	[tilespmem:s1+$0x3430] =	vst v1  }
0xfe: {  	[tilespmem:s1+$0xB430] =	vst v1  }
0xff: {  	[tilespmem:s1+$0x3440] =	vst v1  }
0x100: {  	[tilespmem:s1+$0xB440] =	vst v1  }
0x101: {  	[tilespmem:s1+$0x3450] =	vst v1  }
0x102: {  	[tilespmem:s1+$0xB450] =	vst v1  }
0x103: {  	[tilespmem:s1+$0x3460] =	vst v1  }
0x104: {  	[tilespmem:s1+$0xB460] =	vst v1  }
0x105: {  	[tilespmem:s1+$0x3470] =	vst v1  }
0x106: {  	[tilespmem:s1+$0xB470] =	vst v1  }
0x107: {  	[tilespmem:s1+$0x3800] =	vst v1  }
0x108: {  	[tilespmem:s1+$0xB800] =	vst v1  }
0x109: {  	[tilespmem:s1+$0x3810] =	vst v1  }
0x10a: {  	[tilespmem:s1+$0xB810] =	vst v1  }
0x10b: {  	[tilespmem:s1+$0x3820] =	vst v1  }
0x10c: {  	[tilespmem:s1+$0xB820] =	vst v1  }
0x10d: {  	[tilespmem:s1+$0x3830] =	vst v1  }
0x10e: {  	[tilespmem:s1+$0xB830] =	vst v1  }
0x10f: {  	[tilespmem:s1+$0x3840] =	vst v1  }
0x110: {  	[tilespmem:s1+$0xB840] =	vst v1  }
0x111: {  	[tilespmem:s1+$0x3850] =	vst v1  }
0x112: {  	[tilespmem:s1+$0xB850] =	vst v1  }
0x113: {  	[tilespmem:s1+$0x3860] =	vst v1  }
0x114: {  	[tilespmem:s1+$0xB860] =	vst v1  }
0x115: {  	s31 =	simm.s32 $0x3;
	[tilespmem:s1+$0x3870] =	vst v1  }
0x116: {  	_ =	swait.ge [sflag:s31], $0x2000  }
0x117: {  	[sflag:s31] =	ssyncset.done $0x0  }
0x118: {  	s11 =	simm.s32 $0x0;
	[sflag:s31] =	ssyncadd.s32 $0xFFFFE000  }
.LBB2_4:
0x119: {  	p0 =	seq.s32 s11, $0x0  }
.Ltmp3:
0x11a: {  	_ = 	snop;
	(pc) =	sbr.rel @p0 .LBB2_12-.Ltmp3, $2  }
0x11b: {  	_ =	sdelay $0x2  }
0x11c: {  	s12 =	sshll.u32 s11, $0xA  }
0x11d: {  	s0 =	simm.s32 $0x1  }
0x11e: {  	_ =	swait.ge [sflag:s0], $0x8000  }
0x11f: {  	s5 =	simm.s32 $0x3;
	[sflag:s0] =	ssyncset.done $0x0  }
0x120: {  	s1 =	simm.s32 $0x0;
	s2 =	simm.s32 $0x30;
	[sflag:s0] =	ssyncadd.s32 $0xFFFF8000  }
0x121: {  	s3 =	sand.u32 $0x180, s1;
	s0 =	sadd.s32 $0x800, s12;
	_ =	swait.ge [sflag:s5], $0x1000  }
0x122: {  	s4 =	sand.u32 $0x70, s2;
	s3 =	sadd.s32 s3, s0;
	[sflag:s5] =	ssyncset.done $0x0  }
0x123: {  	s4 =	sadd.s32 s4, s3;
	[sflag:s5] =	ssyncadd.s32 $0xFFFFF000  }
0x124: {  	v3 =	vld [tilespmem:s4+$0x0]  }
0x125: {  	s30 =	simm.s32 $0x10;
	s31 =	sand.u32 $0x40, s1  }
0x126: {  	s6 =	simm.s32 $0x20;
	s7 =	sand.u32 $0x50, s30;
	s5 =	sadd.s32 s31, s3  }
0x127: {  	s8 =	sand.u32 $0x60, s6;
	s7 =	sadd.s32 s7, s3;
	v4 =	vld [tilespmem:s5+$0x0]  }
0x128: {  	s3 =	sadd.s32 s8, s3;
	v5 =	vld [tilespmem:s7+$0x0]  }
0x129: {  	v6 =	vld [tilespmem:s3+$0x0];
	_ =	sdelay $0x1  }
0x12a: {  	v7 =	vmov s1  }
0x12b: {  	p2 =	por $0x1, $0x1;
	v8 =	vmov s30;
	v9 =	vmov s6;
	v10 =	vor.u32 s1, v2;
	v3 =	vld.idx.msk [tilespmem:v3+s13+$0x0], $0xffff  }
.Ltmp4:
0x12c: {  	v11 =	vor.u32 s30, v2;
	v12 =	vor.u32 s6, v2;
	v7 =	vshll.u32 v7, $0x3;
	(pc) =	sbr.rel @!p2 .LBB2_6-.Ltmp4, $4  }
0x12d: {  	v8 =	vshll.u32 v8, $0x3;
	v9 =	vshll.u32 v9, $0x3;
	v7 =	vand.u32 $0xC00, v7  }
0x12e: {  	v15 =	vand.u32 $0xC00, v8;
	v8 =	vand.u32 $0x4F, v10;
	v10 =	vand.u32 $0x5F, v11;
	v13 =	vld.idx.msk [tilespmem:v4+s13+$0x0], $0xffff  }
0x12f: {  	v11 =	vand.u32 $0x6F, v12;
	v8 =	vor.u32 v7, v8;
	v4 =	vand.u32 $0xC00, v9;
	v14 =	vld.idx.msk [tilespmem:v5+s13+$0x0], $0xffff  }
0x130: {  	p1 =	por $0x0, $0x0;
	s1 =	simm.s32 $0x70;
	v7 =	vor.u32 v15, v10;
	v9 =	vld.idx.msk [tilespmem:v6+s13+$0x0], $0xffff;
	v6 =	vor.u32 v4, v11;
	v15 =	vtrunc.f32 v3  }
0x131: {  	v5 =	vmov s2;
	v11 =	vor.u32 s2, v2  }
0x132: {  	v4 =	vcvt.f32.s32 v15;
	s3 =	simm.s32 $0x40;
	s5 =	simm.s32 $0x50;
	s6 =	simm.s32 $0x60;
	v5 =	vshll.u32 v5, $0x3;
	v11 =	vand.u32 $0x7F, v11  }
0x133: {  	s30 =	sand.u32 $0x180, s3;
	v15 =	vor.u32 s3, v2;
	v16 =	vor.u32 s5, v2;
	v18 =	vor.u32 s6, v2  }
0x134: {  	s4 =	sand.u32 $0x70, s1;
	v3 =	vtrunc.f32 v13;
	v12 =	vshll.u32 v4, $0x9;
	s2 =	sadd.s32 s30, s0;
	v5 =	vand.u32 $0xC00, v5  }
0x135: {  	s31 =	sand.u32 $0x40, s3;
	v4 =	vshll.u32 v4, $0x7;
	v15 =	vand.u32 $0x4F, v15;
	v16 =	vand.u32 $0x5F, v16;
	s4 =	sadd.s32 s4, s2  }
0x136: {  	s7 =	sand.u32 $0x50, s5;
	v18 =	vand.u32 $0x6F, v18;
	v10 =	vtrunc.f32 v14;
	v5 =	vor.u32 v5, v11;
	v11 =	vld [tilespmem:s4+$0x0];
	s4 =	sadd.s32 s31, s2  }
0x137: {  	v12 =	vand.u32 $0xFFFFF000, v12;
	v4 =	vand.u32 $0x380, v4;
	v3 =	vcvt.f32.s32 v3;
	s7 =	sadd.s32 s7, s2;
	v13 =	vld [tilespmem:s4+$0x0]  }
0x138: {  	v14 =	vmov s6;
	v9 =	vtrunc.f32 v9;
	v5 =	vor.u32 v12, v5;
	v17 =	vld [tilespmem:s7+$0x0]  }
0x139: {  	s8 =	sand.u32 $0x60, s6;
	v10 =	vcvt.f32.s32 v10;
	v14 =	vshll.u32 v14, $0x3;
	v12 =	vor.u32 v4, v5  }
0x13a: {  	s2 =	sadd.s32 s8, s2;
	v4 =	vmov s3;
	v5 =	vmov s5;
	v9 =	vcvt.f32.s32 v9  }
0x13b: {  	v19 =	vshll.u32 v3, $0x9;
	v20 =	vld [tilespmem:s2+$0x0];
	v14 =	vand.u32 $0xC00, v14;
	v23 =	vshll.u32 v3, $0x7  }
0x13c: {  	v4 =	vshll.u32 v4, $0x3;
	v5 =	vshll.u32 v5, $0x3;
	v21 =	vshll.u32 v10, $0x9  }
0x13d: {  	v19 =	vand.u32 $0xFFFFF000, v19;
	v10 =	vshll.u32 v10, $0x7;
	v4 =	vand.u32 $0xC00, v4  }
0x13e: {  	p2 =	por $0x1, $0x1;
	v5 =	vand.u32 $0xC00, v5;
	v22 =	vshll.u32 v9, $0x9;
	v21 =	vand.u32 $0xFFFFF000, v21;
	v11 =	vld.idx.msk [tilespmem:v11+s13+$0x0], $0xffff  }
.Ltmp5:
0x13f: {  	v9 =	vshll.u32 v9, $0x7;
	v8 =	vor.u32 v19, v8;
	v10 =	vand.u32 $0x380, v10;
	v13 =	vld.idx.msk [tilespmem:v13+s13+$0x0], $0xffff;
	(pc) =	sbr.rel @!p2 .LBB2_8-.Ltmp5, $4  }
0x140: {  	v22 =	vand.u32 $0xFFFFF000, v22;
	v3 =	vor.u32 v5, v16;
	v5 =	vor.u32 v14, v18;
	v14 =	vld.idx.msk [tilespmem:v17+s13+$0x0], $0xffff  }
0x141: {  	v4 =	vor.u32 v4, v15;
	v7 =	vor.u32 v21, v7;
	[tilespmem:v12+s10+$0x0] =	vst.idx.msk $0xffff, v1;
	v12 =	vand.u32 $0x380, v23  }
0x142: {  	v6 =	vor.u32 v22, v6;
	v12 =	vor.u32 v12, v8;
	v8 =	vand.u32 $0x380, v9  }
0x143: {  	p1 =	por $0x1, $0x1;
	s2 =	simm.s32 $0xB0;
	v10 =	vor.u32 v10, v7;
	v9 =	vld.idx.msk [tilespmem:v20+s13+$0x0], $0xffff;
	v15 =	vtrunc.f32 v11;
	v11 =	vor.u32 v8, v6  }
.LBB2_9:
0x144: {  	s3 =	sadd.s32 $0xFFFFFFD0, s2;
	s4 =	sadd.s32 $0xFFFFFFE0, s2;
	s5 =	sadd.s32 $0xFFFFFFF0, s2;
	v6 =	vtrunc.f32 v13;
	v7 =	vcvt.f32.s32 v15;
	v8 =	vmov s1  }
0x145: {  	v13 =	vtrunc.f32 v14;
	v14 =	vor.u32 s1, v2;
	s6 =	sand.u32 $0x180, s3;
	s7 =	sand.u32 $0x40, s3;
	s8 =	sand.u32 $0x50, s4;
	v8 =	vshll.u32 v8, $0x3  }
0x146: {  	s9 =	sand.u32 $0x70, s2;
	v14 =	vand.u32 $0x7F, v14;
	s1 =	sadd.s32 s6, s0;
	s6 =	sand.u32 $0x60, s5;
	v15 =	vshll.u32 v7, $0x9;
	v8 =	vand.u32 $0xC00, v8  }
0x147: {  	v7 =	vshll.u32 v7, $0x7;
	s7 =	sadd.s32 s7, s1;
	s8 =	sadd.s32 s8, s1;
	s9 =	sadd.s32 s9, s1;
	v15 =	vand.u32 $0xFFFFF000, v15;
	v8 =	vor.u32 v8, v14;
	[tilespmem:v12+s10+$0x0] =	vst.idx.msk $0xffff, v1  }
0x148: {  	p2 =	slt.u32 s3, $0x1C0;
	v9 =	vtrunc.f32 v9;
	s6 =	sadd.s32 s6, s1;
	v7 =	vand.u32 $0x380, v7;
	s1 =	smov.u32 s2;
	v12 =	vld [tilespmem:s9+$0x0];
	v8 =	vor.u32 v15, v8;
	[tilespmem:v10+s10+$0x0] =	vst.idx.msk $0xffff, v1  }
0x149: {  	v6 =	vcvt.f32.s32 v6;
	v14 =	vcvt.f32.s32 v13;
	v10 =	vld [tilespmem:s7+$0x0];
	v7 =	vor.u32 v7, v8;
	[tilespmem:v11+s10+$0x0] =	vst.idx.msk $0xffff, v1  }
0x14a: {  	v9 =	vcvt.f32.s32 v9;
	v13 =	vmov s4;
	v8 =	vmov s3;
	v11 =	vld [tilespmem:s8+$0x0]  }
0x14b: {  	v16 =	vmov s5;
	v13 =	vshll.u32 v13, $0x3;
	v8 =	vshll.u32 v8, $0x3;
	v15 =	vld [tilespmem:s6+$0x0]  }
0x14c: {  	v17 =	vor.u32 s3, v2;
	v18 =	vor.u32 s4, v2;
	v16 =	vshll.u32 v16, $0x3  }
0x14d: {  	v19 =	vor.u32 s5, v2;
	v20 =	vshll.u32 v6, $0x9;
	v21 =	vshll.u32 v14, $0x9  }
0x14e: {  	v23 =	vshll.u32 v9, $0x9;
	v22 =	vand.u32 $0xC00, v13;
	v8 =	vand.u32 $0xC00, v8;
	[tilespmem:v7+s10+$0x0] =	vst.idx.msk $0xffff, v1  }
0x14f: {  	v16 =	vand.u32 $0xC00, v16;
	v7 =	vand.u32 $0x4F, v17;
	v17 =	vand.u32 $0x5F, v18  }
0x150: {  	v18 =	vand.u32 $0x6F, v19;
	v19 =	vld.idx.msk [tilespmem:v12+s13+$0x0], $0xffff;
	v12 =	vand.u32 $0xFFFFF000, v20;
	v20 =	vand.u32 $0xFFFFF000, v21  }
0x151: {  	v6 =	vshll.u32 v6, $0x7;
	v21 =	vand.u32 $0xFFFFF000, v23;
	v13 =	vld.idx.msk [tilespmem:v10+s13+$0x0], $0xffff;
	v10 =	vshll.u32 v14, $0x7  }
.Ltmp6:
0x152: {  	v7 =	vor.u32 v8, v7;
	v8 =	vor.u32 v22, v17;
	v14 =	vld.idx.msk [tilespmem:v11+s13+$0x0], $0xffff;
	v11 =	vshll.u32 v9, $0x7;
	(pc) =	sbr.rel @p2 .LBB2_9-.Ltmp6, $4  }
0x153: {  	v12 =	vor.u32 v12, v4;
	v9 =	vld.idx.msk [tilespmem:v15+s13+$0x0], $0xffff;
	v15 =	vor.u32 v16, v18;
	v16 =	vor.u32 v20, v3  }
0x154: {  	v6 =	vand.u32 $0x380, v6;
	v17 =	vor.u32 v21, v5;
	v4 =	vmovc v7;
	v10 =	vand.u32 $0x380, v10;
	v3 =	vmovc v8  }
0x155: {  	v12 =	vor.u32 v6, v12;
	v6 =	vand.u32 $0x380, v11;
	v10 =	vor.u32 v10, v16;
	v5 =	vmovc v15  }
0x156: {  	s2 =	sadd.s32 $0x40, s2;
	v11 =	vor.u32 v6, v17;
	v15 =	vtrunc.f32 v19  }
0x157: {  	s2 =	smov.u32 s1;
	v8 =	vmov v4;
	v7 =	vmov v3;
	v6 =	vmov v5  }
.LBB2_11:
0x158: {  	v3 =	vtrunc.f32 v13;
	v4 =	vcvt.f32.s32 v15;
	v5 =	vmov s2  }
0x159: {  	v55 =	vtrunc.f32 v14;
	v56 =	vor.u32 s2, v2;
	v9 =	vtrunc.f32 v9  }
0x15a: {  	v5 =	vshll.u32 v5, $0x3;
	v14 =	vand.u32 $0x7F, v56;
	v3 =	vcvt.f32.s32 v3  }
0x15b: {  	v13 =	vcvt.f32.s32 v55;
	v9 =	vcvt.f32.s32 v9;
	v15 =	vshll.u32 v4, $0x9  }
0x15c: {  	v5 =	vand.u32 $0xC00, v5;
	v4 =	vshll.u32 v4, $0x7;
	v15 =	vand.u32 $0xFFFFF000, v15  }
0x15d: {  	v5 =	vor.u32 v5, v14;
	v4 =	vand.u32 $0x380, v4;
	v57 =	vshll.u32 v3, $0x9  }
0x15e: {  	v58 =	vshll.u32 v13, $0x9;
	v59 =	vshll.u32 v9, $0x9;
	v3 =	vshll.u32 v3, $0x7  }
0x15f: {  	v13 =	vshll.u32 v13, $0x7;
	v9 =	vshll.u32 v9, $0x7;
	v5 =	vor.u32 v15, v5  }
0x160: {  	v14 =	vand.u32 $0xFFFFF000, v58;
	v15 =	vand.u32 $0xFFFFF000, v59;
	v60 =	vand.u32 $0x380, v13  }
0x161: {  	v4 =	vor.u32 v4, v5;
	v5 =	vand.u32 $0xFFFFF000, v57;
	v7 =	vor.u32 v14, v7  }
0x162: {  	v3 =	vand.u32 $0x380, v3;
	v5 =	vor.u32 v5, v8;
	v62 =	vor.u32 v60, v7  }
0x163: {  	[tilespmem:v12+s10+$0x0] =	vst.idx.msk @p1 $0xffff, v1;
	v63 =	vand.u32 $0x380, v9;
	v61 =	vor.u32 v15, v6;
	v3 =	vor.u32 v3, v5  }
0x164: {  	[tilespmem:v10+s10+$0x0] =	vst.idx.msk @p1 $0xffff, v1;
	v5 =	vor.u32 v63, v61  }
0x165: {  	[tilespmem:v11+s10+$0x0] =	vst.idx.msk @p1 $0xffff, v1  }
0x166: {  	[tilespmem:v4+s10+$0x0] =	vst.idx.msk $0xffff, v1  }
0x167: {  	[tilespmem:v62+s10+$0x0] =	vst.idx.msk $0xffff, v1  }
0x168: {  	[tilespmem:v3+s10+$0x0] =	vst.idx.msk $0xffff, v1  }
0x169: {  	[tilespmem:v5+s10+$0x0] =	vst.idx.msk $0xffff, v1  }
.LBB2_12:
0x16a: {  	s0 =	simm.s32 $0x0  }
0x16b: {  	s29 =	sadd.s32 $0xC00, s12;
	s1 =	simm.s32 $0x30;
	s2 =	sand.u32 $0x180, s0  }
0x16c: {  	s3 =	sand.u32 $0x70, s1;
	s2 =	sadd.s32 s2, s29  }
0x16d: {  	s4 =	sand.u32 $0x40, s0;
	s3 =	sadd.s32 s3, s2  }
0x16e: {  	s4 =	sadd.s32 s4, s2;
	v3 =	vld [tilespmem:s3+$0x0]  }
0x16f: {  	v4 =	vld [tilespmem:s4+$0x0]  }
0x170: {  	s30 =	simm.s32 $0x10  }
0x171: {  	s31 =	simm.s32 $0x20;
	s5 =	sand.u32 $0x50, s30  }
0x172: {  	s6 =	sand.u32 $0x60, s31;
	s5 =	sadd.s32 s5, s2  }
0x173: {  	s2 =	sadd.s32 s6, s2;
	v5 =	vld [tilespmem:s5+$0x0]  }
0x174: {  	v6 =	vld [tilespmem:s2+$0x0]  }
0x175: {  	v7 =	vmov s0  }
0x176: {  	v8 =	vmov s30;
	v9 =	vmov s31;
	v10 =	vor.u32 s0, v2;
	v3 =	vld.idx.msk [tilespmem:v3+s13+$0x0], $0xffff  }
0x177: {  	p2 =	por $0x1, $0x1;
	v12 =	vor.u32 s31, v2;
	v22 =	vmov s1;
	v11 =	vshll.u32 v9, $0x3;
	v9 =	vld.idx.msk [tilespmem:v4+s13+$0x0], $0xffff  }
.Ltmp7:
0x178: {  	v7 =	vshll.u32 v7, $0x3;
	v8 =	vshll.u32 v8, $0x3;
	v10 =	vand.u32 $0x4F, v10;
	(pc) =	sbr.rel @!p2 .LBB2_13-.Ltmp7, $4  }
0x179: {  	v12 =	vand.u32 $0x6F, v12;
	v7 =	vand.u32 $0xC00, v7;
	v4 =	vor.u32 s30, v2  }
0x17a: {  	v8 =	vand.u32 $0xC00, v8;
	v11 =	vand.u32 $0xC00, v11;
	v4 =	vand.u32 $0x5F, v4  }
0x17b: {  	v13 =	vor.u32 v7, v10;
	v5 =	vld.idx.msk [tilespmem:v5+s13+$0x0], $0xffff;
	v14 =	vor.u32 v8, v4;
	v4 =	vtrunc.f32 v3  }
0x17c: {  	p1 =	por $0x0, $0x0;
	s0 =	simm.s32 $0x70;
	v12 =	vor.u32 v11, v12;
	v8 =	vld.idx.msk [tilespmem:v6+s13+$0x0], $0xffff;
	[dreg:$0xf] =	wrdreg s12;
	v18 =	vtrunc.f32 v9;
	v21 =	vcvt.f32.s32 v4  }
0x17d: {  	v6 =	vor.u32 s1, v2  }
0x17e: {  	v7 =	vshll.u32 v22, $0x3;
	v6 =	vand.u32 $0x7F, v6  }
0x17f: {  	s28 =	simm.s32 $0x40;
	s6 =	simm.s32 $0x60;
	v10 =	vshll.u32 v21, $0x9;
	v7 =	vand.u32 $0xC00, v7;
	v11 =	vshll.u32 v21, $0x7  }
0x180: {  	s4 =	simm.s32 $0x50;
	s2 =	sand.u32 $0x180, s28;
	v17 =	vmov s6;
	v19 =	vor.u32 s28, v2;
	v21 =	vmul.f32 v3, v0  }
0x181: {  	s3 =	sand.u32 $0x70, s0;
	v3 =	vor.u32 s4, v2;
	v20 =	vor.u32 s6, v2;
	v10 =	vand.u32 $0xFFFFF000, v10;
	s2 =	sadd.s32 s2, s29  }
0x182: {  	s5 =	sand.u32 $0x40, s28;
	v6 =	vor.u32 v7, v6;
	v11 =	vand.u32 $0x380, v11;
	v4 =	vtrunc.f32 v5;
	s3 =	sadd.s32 s3, s2  }
0x183: {  	s30 =	sand.u32 $0x50, s4;
	v17 =	vshll.u32 v17, $0x3;
	v19 =	vand.u32 $0x4F, v19;
	s5 =	sadd.s32 s5, s2;
	v15 =	vcvt.f32.s32 v4;
	v4 =	vld [tilespmem:s3+$0x0]  }
0x184: {  	s31 =	sand.u32 $0x60, s6;
	v27 =	vand.u32 $0x5F, v3;
	v20 =	vand.u32 $0x6F, v20;
	v6 =	vor.u32 v10, v6;
	s1 =	sadd.s32 s30, s2;
	v16 =	vld [tilespmem:s5+$0x0]  }
0x185: {  	v10 =	vcvt.f32.s32 v18;
	s2 =	sadd.s32 s31, s2;
	v17 =	vand.u32 $0xC00, v17;
	v7 =	vtrunc.f32 v8;
	v25 =	vld [tilespmem:s1+$0x0]  }
0x186: {  	v18 =	vor.u32 v11, v6;
	v6 =	vmov s28;
	v11 =	vmov s4;
	v26 =	vld [tilespmem:s2+$0x0]  }
0x187: {  	v7 =	vcvt.f32.s32 v7;
	v6 =	vshll.u32 v6, $0x3;
	v11 =	vshll.u32 v11, $0x3  }
0x188: {  	v22 =	vshll.u32 v10, $0x9;
	v28 =	vshll.u32 v10, $0x7;
	v6 =	vand.u32 $0xC00, v6  }
0x189: {  	v23 =	vshll.u32 v15, $0x9;
	v11 =	vand.u32 $0xC00, v11;
	v22 =	vand.u32 $0xFFFFF000, v22  }
0x18a: {  	v24 =	vshll.u32 v7, $0x9;
	v23 =	vand.u32 $0xFFFFF000, v23;
	v29 =	vshll.u32 v7, $0x7  }
0x18b: {  	v7 =	vor.u32 v11, v27;
	v11 =	vor.u32 v22, v13;
	v13 =	vand.u32 $0x380, v28;
	v3 =	vld.idx.msk [tilespmem:v4+s13+$0x0], $0xffff  }
0x18c: {  	p2 =	por $0x1, $0x1;
	v22 =	vmov s0;
	v24 =	vand.u32 $0xFFFFF000, v24;
	v4 =	vor.u32 v6, v19;
	v10 =	vld.idx.msk [tilespmem:v16+s13+$0x0], $0xffff  }
.Ltmp8:
0x18d: {  	v19 =	vshll.u32 v15, $0x7;
	v15 =	vmul.f32 v9, v0;
	v16 =	vmul.f32 v5, v0;
	v5 =	vld.idx.msk [tilespmem:v25+s13+$0x0], $0xffff;
	(pc) =	sbr.rel @!p2 .LBB2_15-.Ltmp8, $4  }
0x18e: {  	v9 =	vand.u32 $0x380, v19;
	v19 =	vor.u32 v13, v11;
	v11 =	vmul.f32 v8, v0;
	v8 =	vld.idx.msk [tilespmem:v26+s13+$0x0], $0xffff  }
0x18f: {  	v14 =	vor.u32 v23, v14;
	v12 =	vor.u32 v24, v12;
	v6 =	vor.u32 v17, v20  }
0x190: {  	v17 =	vand.u32 $0x380, v29;
	v20 =	vor.u32 v9, v14;
	v13 =	vtrunc.f32 v3  }
0x191: {  	p1 =	por $0x1, $0x1;
	s1 =	simm.s32 $0xB0;
	[tilespmem:v18+s10+$0x0] =	vst.idx.msk $0xffff, v21;
	v17 =	vor.u32 v17, v12;
	v18 =	vtrunc.f32 v10;
	v21 =	vcvt.f32.s32 v13  }
.LBB2_16:
0x192: {  	s2 =	sadd.s32 $0xFFFFFFD0, s1;
	s3 =	sadd.s32 $0xFFFFFFE0, s1;
	s4 =	sadd.s32 $0xFFFFFFF0, s1;
	v9 =	vtrunc.f32 v5;
	v12 =	vor.u32 s0, v2;
	v13 =	vshll.u32 v22, $0x3;
	v14 =	vmovc v5  }
0x193: {  	v22 =	vmovc v8;
	s0 =	sand.u32 $0x180, s2;
	s5 =	sand.u32 $0x40, s2;
	s6 =	sand.u32 $0x50, s3;
	v5 =	vand.u32 $0x7F, v12;
	v12 =	vshll.u32 v21, $0x9;
	v13 =	vand.u32 $0xC00, v13  }
0x194: {  	s8 =	sand.u32 $0x70, s1;
	s7 =	sand.u32 $0x60, s4;
	s0 =	sadd.s32 s0, s29;
	v8 =	vand.u32 $0xFFFFF000, v12;
	v12 =	vshll.u32 v21, $0x7;
	v5 =	vor.u32 v13, v5;
	[tilespmem:v19+s10+$0x0] =	vst.idx.msk $0xffff, v15  }
0x195: {  	v13 =	vtrunc.f32 v22;
	s5 =	sadd.s32 s5, s0;
	s6 =	sadd.s32 s6, s0;
	s8 =	sadd.s32 s8, s0;
	v12 =	vand.u32 $0x380, v12;
	v5 =	vor.u32 v8, v5;
	[tilespmem:v20+s10+$0x0] =	vst.idx.msk $0xffff, v16  }
0x196: {  	p2 =	slt.u32 s2, $0x1C0;
	v9 =	vcvt.f32.s32 v9;
	v15 =	vcvt.f32.s32 v18;
	s7 =	sadd.s32 s7, s0;
	s0 =	smov.u32 s1;
	v8 =	vld [tilespmem:s8+$0x0];
	v5 =	vor.u32 v12, v5;
	[tilespmem:v17+s10+$0x0] =	vst.idx.msk $0xffff, v11  }
0x197: {  	v16 =	vmov s3;
	v13 =	vcvt.f32.s32 v13;
	v12 =	vmov s2;
	v11 =	vld [tilespmem:s5+$0x0]  }
0x198: {  	v18 =	vmov s4;
	v16 =	vshll.u32 v16, $0x3;
	v12 =	vshll.u32 v12, $0x3;
	v17 =	vld [tilespmem:s6+$0x0]  }
0x199: {  	v3 =	vmul.f32 v3, v0;
	v19 =	vor.u32 s2, v2;
	v18 =	vshll.u32 v18, $0x3;
	v20 =	vld [tilespmem:s7+$0x0]  }
0x19a: {  	v23 =	vor.u32 s4, v2;
	v21 =	vor.u32 s3, v2;
	v24 =	vshll.u32 v15, $0x9  }
0x19b: {  	v25 =	vshll.u32 v9, $0x9;
	v26 =	vshll.u32 v13, $0x9;
	v12 =	vand.u32 $0xC00, v12;
	[tilespmem:v5+s10+$0x0] =	vst.idx.msk $0xffff, v3  }
0x19c: {  	v18 =	vand.u32 $0xC00, v18;
	v16 =	vand.u32 $0xC00, v16;
	v5 =	vand.u32 $0x4F, v19  }
0x19d: {  	v19 =	vand.u32 $0x5F, v21;
	v21 =	vand.u32 $0x6F, v23;
	v23 =	vand.u32 $0xFFFFF000, v24  }
0x19e: {  	v15 =	vshll.u32 v15, $0x7;
	v24 =	vand.u32 $0xFFFFF000, v25;
	v25 =	vand.u32 $0xFFFFF000, v26;
	v3 =	vld.idx.msk [tilespmem:v8+s13+$0x0], $0xffff  }
0x19f: {  	v9 =	vshll.u32 v9, $0x7;
	v26 =	vld.idx.msk [tilespmem:v11+s13+$0x0], $0xffff;
	v11 =	vor.u32 v12, v5;
	v12 =	vshll.u32 v13, $0x7  }
0x1a0: {  	v13 =	vor.u32 v16, v19;
	v16 =	vor.u32 v18, v21;
	v5 =	vld.idx.msk [tilespmem:v17+s13+$0x0], $0xffff;
	v17 =	vor.u32 v23, v4  }
.Ltmp9:
0x1a1: {  	v18 =	vand.u32 $0x380, v15;
	v21 =	vor.u32 v25, v6;
	v4 =	vmovc v11;
	v8 =	vld.idx.msk [tilespmem:v20+s13+$0x0], $0xffff;
	v20 =	vor.u32 v24, v7;
	(pc) =	sbr.rel @p2 .LBB2_16-.Ltmp9, $4  }
0x1a2: {  	v9 =	vand.u32 $0x380, v9;
	v15 =	vmul.f32 v10, v0;
	v10 =	vand.u32 $0x380, v12;
	v6 =	vmovc v16;
	v7 =	vmovc v13  }
0x1a3: {  	v16 =	vmul.f32 v14, v0;
	v11 =	vmul.f32 v22, v0;
	v19 =	vor.u32 v18, v17  }
0x1a4: {  	v17 =	vor.u32 v10, v21;
	v20 =	vor.u32 v9, v20;
	v12 =	vtrunc.f32 v3  }
0x1a5: {  	s1 =	sadd.s32 $0x40, s1;
	v22 =	vmov s0;
	v18 =	vtrunc.f32 v26;
	v21 =	vcvt.f32.s32 v12;
	v10 =	vmovc v26  }
0x1a6: {  	s1 =	smov.u32 s0;
	v13 =	vmovc v4;
	v14 =	vmov v7;
	v12 =	vmov v6;
	v9 =	vmov v10  }
.LBB2_18:
0x1a7: {  	v4 =	vtrunc.f32 v5;
	v6 =	vor.u32 s1, v2  }
0x1a8: {  	v7 =	vshll.u32 v22, $0x3;
	v10 =	vshll.u32 v21, $0x9;
	v21 =	vshll.u32 v21, $0x7  }
0x1a9: {  	v22 =	vtrunc.f32 v8;
	v6 =	vand.u32 $0x7F, v6;
	v7 =	vand.u32 $0xC00, v7  }
0x1aa: {  	v10 =	vand.u32 $0xFFFFF000, v10;
	v6 =	vor.u32 v7, v6;
	v7 =	vcvt.f32.s32 v18  }
0x1ab: {  	v3 =	vmul.f32 v3, v0;
	v18 =	vand.u32 $0x380, v21;
	v6 =	vor.u32 v10, v6  }
0x1ac: {  	v9 =	vmul.f32 v9, v0;
	v6 =	vor.u32 v18, v6;
	v18 =	vshll.u32 v7, $0x9  }
0x1ad: {  	v4 =	vcvt.f32.s32 v4;
	v7 =	vshll.u32 v7, $0x7;
	v18 =	vand.u32 $0xFFFFF000, v18  }
0x1ae: {  	v10 =	vcvt.f32.s32 v22;
	v7 =	vand.u32 $0x380, v7;
	v13 =	vor.u32 v18, v13  }
0x1af: {  	[tilespmem:v19+s10+$0x0] =	vst.idx.msk @p1 $0xffff, v15;
	v21 =	vshll.u32 v4, $0x9;
	v4 =	vshll.u32 v4, $0x7;
	v7 =	vor.u32 v7, v13  }
0x1b0: {  	[tilespmem:v20+s10+$0x0] =	vst.idx.msk @p1 $0xffff, v16;
	v21 =	vand.u32 $0xFFFFF000, v21;
	v4 =	vand.u32 $0x380, v4;
	v22 =	vshll.u32 v10, $0x9  }
0x1b1: {  	[tilespmem:v17+s10+$0x0] =	vst.idx.msk @p1 $0xffff, v11;
	v10 =	vshll.u32 v10, $0x7;
	v14 =	vor.u32 v21, v14;
	v22 =	vand.u32 $0xFFFFF000, v22  }
0x1b2: {  	v10 =	vand.u32 $0x380, v10;
	v4 =	vor.u32 v4, v14;
	v12 =	vor.u32 v22, v12;
	[tilespmem:v6+s10+$0x0] =	vst.idx.msk $0xffff, v3  }
0x1b3: {  	v10 =	vor.u32 v10, v12;
	[dreg:$0xe] =	wrdreg s11  }
0x1b4: {  	[tilespmem:v7+s10+$0x0] =	vst.idx.msk $0xffff, v9  }
0x1b5: {  	s4 =	sshll.u32 s11, $0xD;
	v3 =	vmul.f32 v5, v0;
	s0 =	rddreg [dreg:$0x9]  }
0x1b6: {  	v5 =	vmul.f32 v8, v0;
	[dreg:$0x11] =	wrdreg s4;
	s0 =	sadd.s32 s0, s4  }
0x1b7: {  	s5 =	rddreg [dreg:$0x2];
	[tilespmem:v4+s10+$0x0] =	vst.idx.msk $0xffff, v3;
	s0 =	sshrl.u32 s0, $0x3  }
0x1b8: {  	s6 =	simm.s32 $0x1000;
	s2 =	simm.s32 $0x10000;
	[tilespmem:v10+s10+$0x0] =	vst.idx.msk $0xffff, v5;
	s0 =	sadd.s32 s5, s0  }
0x1b9: {  	[hbm4b:s0+s6] =	stream.strided.scatter [tilespmem:s10], [sflag:$0x1], $0x8000, s2, s6, $0x38;
	[tilespmem:$0x14C00] =	vst v63  }
0x1ba: {  	s6 =	simm.s32 $0x0  }
0x1bb: {  	s10 =	simm.s32 $0x10;
	s7 =	sand.u32 $0x180, s6  }
0x1bc: {  	s8 =	sand.u32 $0x70, s10;
	s0 =	sadd.s32 s7, s29  }
0x1bd: {  	s9 =	sadd.s32 s8, s0  }
0x1be: {  	v8 =	vld [tilespmem:s9+$0x0];
	_ =	sdelay $0x4  }
0x1bf: {  	v3 =	vadd.s32 $0x180, v8;
	_ =	sdelay $0x4  }
0x1c0: {  	v3 =	vld.idx.msk [tilespmem:v3+s13+$0x0], $0xffff  }
0x1c1: {  	s3 =	sand.u32 $0x60, s6;
	v4 =	vadd.s32 $0x200, v8  }
0x1c2: {  	s4 =	sand.u32 $0xC00, s6;
	s0 =	sadd.s32 s3, s0  }
0x1c3: {  	s1 =	simm.s32 $0x20;
	s4 =	sadd.s32 $0x12C00, s4;
	v6 =	vld [tilespmem:s0+$0x0]  }
0x1c4: {  	s14 =	simm.s32 $0x30;
	s11 =	sand.u32 $0x180, s1;
	s7 =	sor.u32 s8, s4  }
0x1c5: {  	s12 =	sand.u32 $0x70, s14;
	s0 =	sadd.s32 s11, s29;
	[tilespmem:s7+$0x0] =	vst v3  }
0x1c6: {  	s5 =	sadd.s32 s12, s0;
	v3 =	vld.idx.msk [tilespmem:v4+s13+$0x0], $0xffff  }
0x1c7: {  	v5 =	vld [tilespmem:s5+$0x0];
	v4 =	vadd.s32 $0x280, v8  }
0x1c8: {  	v9 =	vadd.s32 $0x180, v6  }
0x1c9: {  	s9 =	sand.u32 $0x60, s1  }
0x1ca: {  	s0 =	sadd.s32 s9, s0  }
0x1cb: {  	v7 =	vld [tilespmem:s0+$0x0];
	[tilespmem:s7+$0x80] =	vst v3  }
0x1cc: {  	v10 =	vadd.s32 $0x180, v5;
	v3 =	vld.idx.msk [tilespmem:v4+s13+$0x0], $0xffff  }
0x1cd: {  	v4 =	vld.idx.msk [tilespmem:v9+s13+$0x0], $0xffff;
	v9 =	vadd.s32 $0x300, v8  }
0x1ce: {  	v11 =	vadd.s32 $0x200, v6;
	_ =	sdelay $0x1  }
0x1cf: {  	s18 =	simm.s32 $0x50;
	s5 =	simm.s32 $0x40;
	v12 =	vadd.s32 $0x180, v7  }
0x1d0: {  	s16 =	sor.u32 s3, s4;
	s4 =	simm.s32 $0x100;
	s17 =	sand.u32 $0x180, s5;
	v10 =	vld.idx.msk [tilespmem:v10+s13+$0x0], $0xffff;
	[tilespmem:s7+$0x100] =	vst v3  }
0x1d1: {  	s8 =	simm.s32 $0x50;
	s11 =	sand.u32 $0x70, s18;
	s3 =	sadd.s32 s17, s29;
	v13 =	vadd.s32 $0x200, v5;
	[tilespmem:s16+$0x0] =	vst v4;
	v4 =	vld.idx.msk [tilespmem:v9+s13+$0x0], $0xffff  }
0x1d2: {  	s15 =	sand.u32 $0xC00, s4;
	s19 =	sadd.s32 s11, s3;
	v9 =	vld.idx.msk [tilespmem:v11+s13+$0x0], $0xffff;
	v11 =	vadd.s32 $0x380, v8;
	[dreg:$0x5] =	wrdreg s8  }
0x1d3: {  	s0 =	sadd.s32 $0x12C00, s15;
	s20 =	sand.u32 $0x60, s5;
	v14 =	vadd.s32 $0x280, v6;
	v3 =	vld [tilespmem:s19+$0x0]  }
0x1d4: {  	s18 =	sor.u32 s12, s0;
	s21 =	sadd.s32 s20, s3;
	v12 =	vld.idx.msk [tilespmem:v12+s13+$0x0], $0xffff  }
0x1d5: {  	[tilespmem:s18+$0x0] =	vst v10;
	v15 =	vld [tilespmem:s21+$0x0]  }
0x1d6: {  	v10 =	vld.idx.msk [tilespmem:v13+s13+$0x0], $0xffff;
	v13 =	vadd.s32 $0x200, v7;
	[tilespmem:s7+$0x180] =	vst v4  }
0x1d7: {  	v4 =	vadd.s32 $0x280, v5;
	[tilespmem:s16+$0x80] =	vst v9;
	v11 =	vld.idx.msk [tilespmem:v11+s13+$0x0], $0xffff  }
0x1d8: {  	v14 =	vld.idx.msk [tilespmem:v14+s13+$0x0], $0xffff;
	v16 =	vadd.s32 $0x180, v3  }
0x1d9: {  	s24 =	sor.u32 s9, s0;
	v9 =	vadd.s32 $0x400, v8  }
0x1da: {  	v17 =	vadd.s32 $0x300, v6;
	[tilespmem:s24+$0x0] =	vst v12  }
0x1db: {  	v12 =	vld.idx.msk [tilespmem:v13+s13+$0x0], $0xffff;
	[tilespmem:s18+$0x80] =	vst v10;
	v10 =	vadd.s32 $0x180, v15  }
0x1dc: {  	v13 =	vadd.s32 $0x280, v7;
	v4 =	vld.idx.msk [tilespmem:v4+s13+$0x0], $0xffff;
	[tilespmem:s7+$0x200] =	vst v11  }
0x1dd: {  	[tilespmem:s16+$0x100] =	vst v14;
	v14 =	vld.idx.msk [tilespmem:v16+s13+$0x0], $0xffff  }
0x1de: {  	s19 =	simm.s32 $0x60;
	v11 =	vadd.s32 $0x300, v5;
	v9 =	vld.idx.msk [tilespmem:v9+s13+$0x0], $0xffff  }
0x1df: {  	s2 =	simm.s32 $0x200;
	s0 =	simm.s32 $0x70;
	s23 =	sand.u32 $0x180, s19;
	v18 =	vadd.s32 $0x200, v3;
	v17 =	vld.idx.msk [tilespmem:v17+s13+$0x0], $0xffff  }
0x1e0: {  	s22 =	sand.u32 $0xC00, s2;
	s26 =	sand.u32 $0x70, s0;
	s25 =	sadd.s32 s23, s29;
	v16 =	vadd.s32 $0x480, v8;
	[tilespmem:s24+$0x80] =	vst v12;
	v10 =	vld.idx.msk [tilespmem:v10+s13+$0x0], $0xffff  }
0x1e1: {  	s12 =	sadd.s32 $0x12C00, s22;
	s31 =	sadd.s32 s26, s25;
	v12 =	vld.idx.msk [tilespmem:v13+s13+$0x0], $0xffff  }
0x1e2: {  	s3 =	sor.u32 s11, s12;
	v13 =	vadd.s32 $0x380, v6;
	[tilespmem:s18+$0x100] =	vst v4;
	v4 =	vld [tilespmem:s31+$0x0]  }
0x1e3: {  	v19 =	vadd.s32 $0x300, v7;
	v11 =	vld.idx.msk [tilespmem:v11+s13+$0x0], $0xffff;
	[tilespmem:s3+$0x0] =	vst v14  }
0x1e4: {  	s9 =	sand.u32 $0x60, s19;
	[tilespmem:s7+$0x280] =	vst v9;
	v18 =	vld.idx.msk [tilespmem:v18+s13+$0x0], $0xffff  }
0x1e5: {  	v9 =	vadd.s32 $0x380, v5;
	s7 =	sadd.s32 s9, s25;
	v14 =	vld.idx.msk [tilespmem:v16+s13+$0x0], $0xffff  }
0x1e6: {  	s15 =	sand.u32 $0x7, s6;
	[tilespmem:s16+$0x180] =	vst v17;
	v16 =	vadd.s32 $0x200, v15;
	v24 =	vld [tilespmem:s7+$0x0]  }
0x1e7: {  	s15 =	sshll.u32 s15, $0x4;
	s12 =	sor.u32 s20, s12;
	v17 =	vadd.s32 $0x280, v3;
	v13 =	vld.idx.msk [tilespmem:v13+s13+$0x0], $0xffff;
	[tilespmem:s24+$0x100] =	vst v12  }
0x1e8: {  	s20 =	sadd.s32 $0x0, s15;
	v8 =	vadd.s32 $0x500, v8;
	[tilespmem:s12+$0x0] =	vst v10;
	v19 =	vld.idx.msk [tilespmem:v19+s13+$0x0], $0xffff  }
0x1e9: {  	s28 =	simm.s32 $0xA0;
	s10 =	sor.u32 s10, s6;
	v29 =	vadd.s32 $0x380, v7;
	s8 =	sadd.s32 $0x10, s20;
	[tilespmem:s18+$0x180] =	vst v11  }
0x1ea: {  	s1 =	sor.u32 s4, s1;
	s21 =	simm.s32 $0x1;
	s8 =	sor.u32 $0x300, s8;
	v11 =	vadd.s32 $0x400, v6;
	v9 =	vld.idx.msk [tilespmem:v9+s13+$0x0], $0xffff;
	[tilespmem:s3+$0x80] =	vst v18  }
0x1eb: {  	s10 =	sor.u32 $0x380, s10;
	s1 =	sor.u32 $0x380, s1;
	s11 =	sand.u32 $0x3, s21;
	v12 =	vadd.s32 $0x400, v5;
	v10 =	vld.idx.msk [tilespmem:v16+s13+$0x0], $0xffff;
	[tilespmem:s8+$0x12C00] =	vst v14  }
0x1ec: {  	s22 =	sor.u32 s6, s6;
	s5 =	sor.u32 s2, s5;
	s11 =	sshll.u32 s11, $0x5;
	v14 =	vadd.s32 $0x180, v4;
	[tilespmem:s16+$0x200] =	vst v13;
	v13 =	vld.idx.msk [tilespmem:v17+s13+$0x0], $0xffff  }
0x1ed: {  	s17 =	sand.u32 $0x3, s6;
	s23 =	simm.s32 $0x2;
	s11 =	sadd.s32 $0x100, s11;
	v18 =	vadd.s32 $0x180, v24;
	v8 =	vld.idx.msk [tilespmem:v8+s13+$0x0], $0xffff;
	[tilespmem:s24+$0x180] =	vst v19  }
0x1ee: {  	v28 =	vadd.s32 $0x480, v6;
	s15 =	sand.u32 $0x3, s23;
	s23 =	sor.u32 $0x300, s11;
	s11 =	simm.s32 $0x80;
	v23 =	vadd.s32 $0x280, v15;
	v30 =	vld.idx.msk [tilespmem:v29+s13+$0x0], $0xffff  }
0x1ef: {  	s6 =	sor.u32 $0x380, s5;
	v20 =	vadd.s32 $0x400, v7;
	s20 =	simm.s32 $0x300;
	v27 =	vadd.s32 $0x300, v3;
	s5 =	sand.u32 $0x60, s11;
	v17 =	vadd.s32 $0x500, v6;
	v25 =	vld.idx.msk [tilespmem:v11+s13+$0x0], $0xffff;
	[tilespmem:s18+$0x200] =	vst v9  }
0x1f0: {  	s21 =	sand.u32 $0x180, s11;
	s25 =	sshll.u32 s15, $0x5;
	s7 =	sshll.u32 s17, $0x5;
	v6 =	vadd.s32 $0x500, v7;
	v16 =	vadd.s32 $0x300, v15;
	v21 =	vadd.s32 $0x200, v24;
	v31 =	vld.idx.msk [tilespmem:v12+s13+$0x0], $0xffff  }
0x1f1: {  	s15 =	sadd.s32 $0x200, s25;
	s8 =	sor.u32 $0x380, s22;
	s22 =	simm.s32 $0x3;
	v19 =	vadd.s32 $0x300, v24;
	v11 =	vadd.s32 $0x480, v7;
	v7 =	vadd.s32 $0x500, v15;
	[tilespmem:s12+$0x80] =	vst v10;
	v26 =	vld.idx.msk [tilespmem:v14+s13+$0x0], $0xffff  }
0x1f2: {  	s17 =	sand.u32 $0xC00, s20;
	s7 =	sadd.s32 $0x0, s7;
	s31 =	sand.u32 $0x3, s22;
	v9 =	vadd.s32 $0x480, v15;
	v14 =	vadd.s32 $0x380, v15;
	v12 =	vadd.s32 $0x400, v15;
	v22 =	vld.idx.msk [tilespmem:v18+s13+$0x0], $0xffff;
	[tilespmem:s3+$0x100] =	vst v13  }
0x1f3: {  	s25 =	sor.u32 $0x300, s15;
	s30 =	sadd.s32 $0x12C00, s17;
	s15 =	sshll.u32 s31, $0x5;
	v18 =	vadd.s32 $0x280, v24;
	v15 =	vadd.s32 $0x380, v24;
	v13 =	vadd.s32 $0x400, v24;
	v23 =	vld.idx.msk [tilespmem:v23+s13+$0x0], $0xffff;
	[tilespmem:s10+$0x12C00] =	vst v8  }
0x1f4: {  	s7 =	sor.u32 $0x300, s7;
	s15 =	sadd.s32 $0x300, s15;
	v10 =	vadd.s32 $0x480, v24;
	s10 =	sor.u32 s20, s19;
	v27 =	vld.idx.msk [tilespmem:v27+s13+$0x0], $0xffff;
	v8 =	vadd.s32 $0x500, v24;
	v24 =	vadd.s32 $0x480, v5;
	[tilespmem:s16+$0x280] =	vst v25  }
0x1f5: {  	v29 =	vadd.s32 $0x380, v3;
	s19 =	simm.s32 $0x2;
	s16 =	sor.u32 s26, s30;
	v28 =	vld.idx.msk [tilespmem:v28+s13+$0x0], $0xffff;
	[tilespmem:s18+$0x280] =	vst v31;
	v31 =	vadd.s32 $0x200, v4;
	s18 =	simm.s32 $0x90  }
.LBB2_19:
0x1f6: {  	_ =	sdelay $0x1  }
0x1f7: {  	[tilespmem:s16+$0x0] =	vst v26  }
0x1f8: {  	s17 =	sadd.s32 s21, s29;
	s26 =	sand.u32 $0x70, s18;
	v24 =	vld.idx.msk [tilespmem:v24+s13+$0x0], $0xffff  }
0x1f9: {  	s21 =	sadd.s32 s5, s17;
	s17 =	sadd.s32 s26, s17;
	v25 =	vld.idx.msk [tilespmem:v31+s13+$0x0], $0xffff  }
0x1fa: {  	s13 =	smov.u32 s29;
	s29 =	sand.u32 $0x7, s19;
	[tilespmem:s12+$0x100] =	vst v23;
	v23 =	vadd.s32 $0x500, v5;
	v5 =	vmov v3;
	v3 =	vmov v4;
	v4 =	vld [tilespmem:s17+$0x0]  }
0x1fb: {  	s31 =	simm.s32 $0x400;
	s9 =	sor.u32 s9, s30;
	s29 =	sshll.u32 s29, $0x4;
	v26 =	vld [tilespmem:s21+$0x0];
	[tilespmem:s3+$0x180] =	vst v27  }
0x1fc: {  	p1 =	slt.u32 s28, $0x1E0;
	s30 =	smov.u32 s24;
	[tilespmem:s9+$0x0] =	vst v22;
	s21 =	sadd.s32 s4, s29;
	v22 =	vld.idx.msk [tilespmem:v29+s31+$0x0], $0xffff  }
0x1fd: {  	s15 =	sor.u32 $0x300, s15;
	s10 =	sor.u32 $0x380, s10;
	v27 =	vld.idx.msk [tilespmem:v21+s31+$0x0], $0xffff;
	[tilespmem:s30+$0x200] =	vst v30;
	s17 =	sadd.s32 $0x10, s21  }
0x1fe: {  	s24 =	smov.u32 s12;
	s14 =	sor.u32 s14, s4;
	v31 =	vadd.s32 $0x280, v3;
	v29 =	vld.idx.msk [tilespmem:v16+s31+$0x0], $0xffff;
	[tilespmem:s7+$0x12C00] =	vst v28;
	s21 =	sor.u32 $0x300, s17  }
0x1ff: {  	s22 =	sadd.s32 $0x1, s22;
	s12 =	smov.u32 s9;
	s19 =	sadd.s32 $0x2, s19;
	v30 =	vadd.s32 $0x400, v5;
	[tilespmem:s21+$0x12C00] =	vst v24  }
0x200: {  	s9 =	smov.u32 s5;
	s5 =	smov.u32 s0;
	s0 =	smov.u32 s18;
	v34 =	vld.idx.msk [tilespmem:v20+s31+$0x0], $0xffff;
	v24 =	vadd.s32 $0x180, v4;
	[tilespmem:s16+$0x80] =	vst v25  }
0x201: {  	s18 =	sand.u32 $0x3, s22;
	s29 =	smov.u32 s3;
	s3 =	smov.u32 s16;
	v25 =	vadd.s32 $0x180, v26;
	v23 =	vld.idx.msk [tilespmem:v23+s31+$0x0], $0xffff  }
0x202: {  	s4 =	smov.u32 s2;
	s2 =	smov.u32 s20;
	s20 =	sadd.s32 $0x100, s20;
	v37 =	vld.idx.msk [tilespmem:v17+s31+$0x0], $0xffff;
	v21 =	vadd.s32 $0x200, v26  }
0x203: {  	v16 =	vmovc v19;
	s7 =	smov.u32 s23;
	s23 =	smov.u32 s25;
	s25 =	smov.u32 s15;
	v32 =	vadd.s32 $0x280, v26;
	v19 =	vadd.s32 $0x300, v26;
	v28 =	vadd.s32 $0x380, v26;
	v33 =	vld.idx.msk [tilespmem:v31+s31+$0x0], $0xffff;
	[tilespmem:s29+$0x200] =	vst v22  }
0x204: {  	s15 =	sor.u32 $0x380, s14;
	s17 =	smov.u32 s8;
	s8 =	smov.u32 s1;
	v20 =	vmovc v12;
	v12 =	vmovc v13;
	v13 =	vadd.s32 $0x400, v26;
	v35 =	vadd.s32 $0x480, v26;
	v26 =	vadd.s32 $0x500, v26;
	[tilespmem:s12+$0x80] =	vst v27;
	v38 =	vld.idx.msk [tilespmem:v30+s31+$0x0], $0xffff  }
0x205: {  	v36 =	vadd.s32 $0x300, v3;
	s1 =	smov.u32 s6;
	s6 =	smov.u32 s10;
	s10 =	smov.u32 s11;
	v17 =	vmovc v6;
	v6 =	vmovc v7;
	v7 =	vmov v8;
	v8 =	vmov v26;
	[tilespmem:s24+$0x180] =	vst v29;
	v26 =	vld.idx.msk [tilespmem:v24+s31+$0x0], $0xffff  }
0x206: {  	s11 =	smov.u32 s28;
	s21 =	rddreg [dreg:$0x5];
	s10 =	sor.u32 s20, s10;
	v22 =	vld.idx.msk [tilespmem:v25+s31+$0x0], $0xffff;
	[tilespmem:s15+$0x12C00] =	vst v23  }
.Ltmp10:
0x207: {  	s14 =	smov.u32 s21;
	s21 =	smov.u32 s5;
	v23 =	vld.idx.msk [tilespmem:v18+s31+$0x0], $0xffff;
	[tilespmem:s30+$0x280] =	vst v34;
	(pc) =	sbr.rel @p1 .LBB2_19-.Ltmp10, $4  }
0x208: {  	s5 =	sand.u32 $0x60, s28;
	s16 =	sshll.u32 s18, $0x5;
	s18 =	sand.u32 $0xC00, s20;
	[tilespmem:s3+$0x100] =	vst v33  }
0x209: {  	[dreg:$0x5] =	wrdreg s21;
	s21 =	sand.u32 $0x180, s28;
	s28 =	sadd.s32 $0x20, s28;
	v30 =	vld.idx.msk [tilespmem:v14+s31+$0x0], $0xffff;
	[tilespmem:s17+$0x12C00] =	vst v37  }
0x20a: {  	v31 =	vadd.s32 $0x200, v4;
	v29 =	vadd.s32 $0x380, v3;
	v24 =	vadd.s32 $0x480, v5;
	v18 =	vmovc v32;
	s30 =	sadd.s32 $0x12C00, s18;
	v27 =	vld.idx.msk [tilespmem:v36+s31+$0x0], $0xffff;
	[tilespmem:s29+$0x280] =	vst v38;
	s29 =	smov.u32 s13;
	s13 =	simm.s32 $0x400  }
0x20b: {  	s15 =	sadd.s32 s16, s20;
	s18 =	sadd.s32 $0x10, s11;
	v14 =	vmovc v15;
	v15 =	vmovc v28;
	s16 =	sor.u32 s26, s30;
	v28 =	vld.idx.msk [tilespmem:v11+s13+$0x0], $0xffff;
	v11 =	vmov v9;
	v9 =	vmov v10;
	v10 =	vmov v35  }
0x20c: {  	_ = 	snop  }
0x20d: {  	s17 =	sadd.s32 s21, s29;
	s21 =	sand.u32 $0x70, s18  }
0x20e: {  	s26 =	sadd.s32 s21, s17  }
0x20f: {  	v25 =	vld [tilespmem:s26+$0x0]  }
0x210: {  	v32 =	vld.idx.msk [tilespmem:v24+s13+$0x0], $0xffff;
	s17 =	sadd.s32 s5, s17  }
0x211: {  	v24 =	vld [tilespmem:s17+$0x0];
	_ =	sdelay $0x2  }
0x212: {  	s31 =	sand.u32 $0x7, s19;
	v33 =	vadd.s32 $0x180, v25  }
0x213: {  	v5 =	vadd.s32 $0x500, v5;
	s26 =	sshll.u32 s31, $0x4  }
0x214: {  	s17 =	sadd.s32 s4, s26;
	v58 =	vadd.s32 $0x180, v24  }
0x215: {  	s17 =	sadd.s32 $0x10, s17  }
0x216: {  	[tilespmem:s16+$0x0] =	vst v26;
	s17 =	sor.u32 $0x300, s17  }
0x217: {  	[tilespmem:s17+$0x12C00] =	vst v32;
	v59 =	vld.idx.msk [tilespmem:v33+s13+$0x0], $0xffff  }
0x218: {  	s28 =	sor.u32 s14, s4;
	[tilespmem:s12+$0x100] =	vst v23;
	s4 =	sadd.s32 $0x100, s20;
	v5 =	vld.idx.msk [tilespmem:v5+s13+$0x0], $0xffff;
	v60 =	vadd.s32 $0x200, v25  }
0x219: {  	s29 =	sor.u32 $0x380, s28;
	s28 =	sor.u32 s9, s30;
	[tilespmem:s24+$0x200] =	vst v30;
	s31 =	sand.u32 $0xC00, s4;
	v32 =	vld.idx.msk [tilespmem:v58+s13+$0x0], $0xffff  }
0x21a: {  	v62 =	vld.idx.msk [tilespmem:v31+s13+$0x0], $0xffff;
	[tilespmem:s28+$0x0] =	vst v22;
	s14 =	sadd.s32 $0x12C00, s31;
	v61 =	vadd.s32 $0x200, v24  }
0x21b: {  	v63 =	vadd.s32 $0x280, v4;
	[tilespmem:s3+$0x180] =	vst v27;
	s26 =	sor.u32 s21, s14  }
0x21c: {  	v16 =	vld.idx.msk [tilespmem:v16+s13+$0x0], $0xffff;
	[tilespmem:s26+$0x0] =	vst v59  }
0x21d: {  	[tilespmem:s29+$0x12C00] =	vst v5;
	s29 =	sor.u32 s5, s14;
	v33 =	vld.idx.msk [tilespmem:v60+s13+$0x0], $0xffff  }
0x21e: {  	v21 =	vld.idx.msk [tilespmem:v21+s13+$0x0], $0xffff;
	v34 =	vadd.s32 $0x280, v25;
	[tilespmem:s29+$0x0] =	vst v32  }
0x21f: {  	[tilespmem:s16+$0x80] =	vst v62;
	v5 =	vld.idx.msk [tilespmem:v61+s13+$0x0], $0xffff  }
0x220: {  	[tilespmem:s7+$0x12C00] =	vst v28;
	v35 =	vadd.s32 $0x280, v24;
	v26 =	vld.idx.msk [tilespmem:v63+s13+$0x0], $0xffff  }
0x221: {  	v37 =	vadd.s32 $0x300, v4;
	v20 =	vld.idx.msk [tilespmem:v20+s13+$0x0], $0xffff;
	[tilespmem:s12+$0x180] =	vst v16  }
0x222: {  	v27 =	vld.idx.msk [tilespmem:v29+s13+$0x0], $0xffff;
	[tilespmem:s26+$0x80] =	vst v33  }
0x223: {  	[tilespmem:s28+$0x80] =	vst v21;
	v38 =	vld.idx.msk [tilespmem:v34+s13+$0x0], $0xffff  }
0x224: {  	v39 =	vadd.s32 $0x300, v25;
	v18 =	vld.idx.msk [tilespmem:v18+s13+$0x0], $0xffff;
	[tilespmem:s29+$0x80] =	vst v5  }
0x225: {  	[tilespmem:s16+$0x100] =	vst v26;
	v5 =	vld.idx.msk [tilespmem:v35+s13+$0x0], $0xffff  }
0x226: {  	v40 =	vadd.s32 $0x300, v24;
	[tilespmem:s24+$0x280] =	vst v20;
	v26 =	vld.idx.msk [tilespmem:v37+s13+$0x0], $0xffff  }
0x227: {  	v42 =	vadd.s32 $0x380, v4;
	v17 =	vld.idx.msk [tilespmem:v17+s13+$0x0], $0xffff;
	[tilespmem:s3+$0x200] =	vst v27  }
0x228: {  	v14 =	vld.idx.msk [tilespmem:v14+s13+$0x0], $0xffff;
	[tilespmem:s26+$0x100] =	vst v38  }
0x229: {  	v36 =	vadd.s32 $0x400, v3;
	[tilespmem:s28+$0x100] =	vst v18;
	v43 =	vld.idx.msk [tilespmem:v39+s13+$0x0], $0xffff  }
0x22a: {  	v44 =	vadd.s32 $0x380, v25;
	v19 =	vld.idx.msk [tilespmem:v19+s13+$0x0], $0xffff;
	[tilespmem:s29+$0x100] =	vst v5  }
0x22b: {  	[tilespmem:s16+$0x180] =	vst v26;
	v5 =	vld.idx.msk [tilespmem:v40+s13+$0x0], $0xffff  }
0x22c: {  	v45 =	vadd.s32 $0x380, v24;
	[tilespmem:s8+$0x12C00] =	vst v17;
	v47 =	vld.idx.msk [tilespmem:v42+s13+$0x0], $0xffff  }
0x22d: {  	v48 =	vadd.s32 $0x400, v4;
	v11 =	vld.idx.msk [tilespmem:v11+s13+$0x0], $0xffff;
	[tilespmem:s12+$0x200] =	vst v14  }
0x22e: {  	v17 =	vld.idx.msk [tilespmem:v36+s13+$0x0], $0xffff;
	[tilespmem:s26+$0x180] =	vst v43  }
0x22f: {  	v41 =	vadd.s32 $0x480, v3;
	[tilespmem:s28+$0x180] =	vst v19;
	v18 =	vld.idx.msk [tilespmem:v44+s13+$0x0], $0xffff  }
0x230: {  	v49 =	vadd.s32 $0x400, v25;
	v15 =	vld.idx.msk [tilespmem:v15+s13+$0x0], $0xffff;
	[tilespmem:s29+$0x180] =	vst v5  }
0x231: {  	[tilespmem:s16+$0x200] =	vst v47;
	v5 =	vld.idx.msk [tilespmem:v45+s13+$0x0], $0xffff  }
0x232: {  	v50 =	vadd.s32 $0x400, v24;
	[tilespmem:s23+$0x12C00] =	vst v11;
	v51 =	vld.idx.msk [tilespmem:v48+s13+$0x0], $0xffff  }
0x233: {  	v52 =	vadd.s32 $0x480, v4;
	s30 =	sadd.s32 $0x2, s19;
	v12 =	vld.idx.msk [tilespmem:v12+s13+$0x0], $0xffff;
	[tilespmem:s3+$0x280] =	vst v17  }
0x234: {  	s31 =	sand.u32 $0x7, s30;
	v46 =	vld.idx.msk [tilespmem:v41+s13+$0x0], $0xffff;
	[tilespmem:s26+$0x200] =	vst v18  }
0x235: {  	v3 =	vadd.s32 $0x500, v3;
	s3 =	sshll.u32 s31, $0x4;
	[tilespmem:s28+$0x200] =	vst v15;
	v53 =	vld.idx.msk [tilespmem:v49+s13+$0x0], $0xffff  }
0x236: {  	v54 =	vadd.s32 $0x480, v25;
	s3 =	sadd.s32 s2, s3;
	v13 =	vld.idx.msk [tilespmem:v13+s13+$0x0], $0xffff;
	[tilespmem:s29+$0x200] =	vst v5  }
0x237: {  	s9 =	sadd.s32 $0x2, s30;
	s3 =	sadd.s32 $0x10, s3;
	[tilespmem:s16+$0x280] =	vst v51;
	v5 =	vld.idx.msk [tilespmem:v50+s13+$0x0], $0xffff  }
0x238: {  	s8 =	sand.u32 $0x7, s9;
	s3 =	sor.u32 $0x300, s3;
	[tilespmem:s12+$0x280] =	vst v12;
	v56 =	vld.idx.msk [tilespmem:v52+s13+$0x0], $0xffff  }
0x239: {  	v57 =	vadd.s32 $0x500, v4;
	s8 =	sshll.u32 s8, $0x4;
	v9 =	vld.idx.msk [tilespmem:v9+s13+$0x0], $0xffff;
	[tilespmem:s3+$0x12C00] =	vst v46  }
0x23a: {  	v55 =	vadd.s32 $0x480, v24;
	s17 =	sadd.s32 s20, s8;
	s3 =	sadd.s32 $0x2, s9;
	v3 =	vld.idx.msk [tilespmem:v3+s13+$0x0], $0xffff;
	[tilespmem:s26+$0x280] =	vst v53  }
0x23b: {  	s19 =	sadd.s32 $0x10, s17;
	s3 =	sand.u32 $0x7, s3;
	s14 =	rddreg [dreg:$0x5];
	[tilespmem:s28+$0x280] =	vst v13;
	v58 =	vld.idx.msk [tilespmem:v54+s13+$0x0], $0xffff  }
0x23c: {  	s5 =	sor.u32 $0x300, s19;
	v6 =	vld.idx.msk [tilespmem:v6+s13+$0x0], $0xffff;
	v60 =	vadd.s32 $0x500, v25;
	s3 =	sshll.u32 s3, $0x4;
	[tilespmem:s29+$0x280] =	vst v5  }
0x23d: {  	s3 =	sadd.s32 s4, s3;
	[tilespmem:s5+$0x12C00] =	vst v56;
	s16 =	sor.u32 s14, s2;
	v59 =	vld.idx.msk [tilespmem:v10+s13+$0x0], $0xffff  }
0x23e: {  	s3 =	sadd.s32 $0x10, s3;
	[tilespmem:s25+$0x12C00] =	vst v9;
	v4 =	vld.idx.msk [tilespmem:v57+s13+$0x0], $0xffff;
	s2 =	sor.u32 $0x380, s16  }
0x23f: {  	s21 =	sadd.s32 $0x1, s22;
	s3 =	sor.u32 $0x300, s3;
	[tilespmem:s2+$0x12C00] =	vst v3;
	v3 =	vld.idx.msk [tilespmem:v55+s13+$0x0], $0xffff  }
0x240: {  	v61 =	vadd.s32 $0x500, v24;
	v7 =	vld.idx.msk [tilespmem:v7+s13+$0x0], $0xffff;
	s2 =	sand.u32 $0x3, s21;
	[tilespmem:s3+$0x12C00] =	vst v58  }
0x241: {  	s0 =	sor.u32 s0, s20;
	s22 =	sor.u32 $0x300, s15;
	[tilespmem:s1+$0x12C00] =	vst v6;
	s2 =	sshll.u32 s2, $0x5;
	v62 =	vld.idx.msk [tilespmem:v60+s13+$0x0], $0xffff  }
0x242: {  	s0 =	sor.u32 $0x380, s0;
	s2 =	sadd.s32 s2, s4;
	[tilespmem:s22+$0x12C00] =	vst v59  }
0x243: {  	s2 =	sor.u32 $0x300, s2;
	[tilespmem:s0+$0x12C00] =	vst v4  }
0x244: {  	s23 =	sor.u32 s18, s4;
	[tilespmem:s2+$0x12C00] =	vst v3;
	v3 =	vld.idx.msk [tilespmem:v8+s13+$0x0], $0xffff  }
0x245: {  	[tilespmem:s6+$0x12C00] =	vst v7;
	s0 =	sor.u32 $0x380, s23;
	v63 =	vld.idx.msk [tilespmem:v61+s13+$0x0], $0xffff  }
0x246: {  	[tilespmem:s0+$0x12C00] =	vst v62  }
0x247: {  	s24 =	sor.u32 s4, s11;
	s2 =	rddreg [dreg:$0x8]  }
.Ltmp11:
0x248: {  	s25 =	sor.u32 $0x380, s10;
	s3 =	rddreg [dreg:$0x11];
	(pc) =	sbr.rel @p0 .LBB2_28-.Ltmp11, $4  }
0x249: {  	s30 =	simm.s32 $0x0;
	s26 =	sor.u32 $0x380, s24;
	s2 =	sor.u32 s2, s3;
	[tilespmem:s25+$0x12C00] =	vst v3  }
0x24a: {  	s31 =	simm.s32 $0x12C00;
	s29 =	rddreg [dreg:$0x3];
	s28 =	sshrl.u32 s2, $0x3;
	[tilespmem:s26+$0x12C00] =	vst v63  }
0x24b: {  	s10 =	simm.s32 $0xAC00;
	s0 =	sadd.s32 s29, s28;
	s11 =	rddreg [dreg:$0xf]  }
0x24c: {  	[hbm4b:s0+s30] =	stream.linear.scatter [tilespmem:s31], [sflag:$0x3], $0x1000, $0x38;
	[tilespmem:$0x14C00] =	vst v63  }
0x24d: {  	s0 =	simm.s32 $0x2  }
0x24e: {  	_ =	swait.ge [sflag:s0], $0x8000  }
0x24f: {  	s5 =	simm.s32 $0x4;
	[sflag:s0] =	ssyncset.done $0x0  }
0x250: {  	s1 =	simm.s32 $0x0;
	s2 =	simm.s32 $0x30;
	[sflag:s0] =	ssyncadd.s32 $0xFFFF8000  }
0x251: {  	s3 =	sand.u32 $0x180, s1;
	s0 =	sadd.s32 $0xA00, s11;
	_ =	swait.ge [sflag:s5], $0x1000  }
0x252: {  	s4 =	sand.u32 $0x70, s2;
	s3 =	sadd.s32 s3, s0;
	[sflag:s5] =	ssyncset.done $0x0  }
0x253: {  	s4 =	sadd.s32 s4, s3;
	[sflag:s5] =	ssyncadd.s32 $0xFFFFF000  }
0x254: {  	v3 =	vld [tilespmem:s4+$0x0]  }
0x255: {  	s30 =	simm.s32 $0x10;
	s31 =	sand.u32 $0x40, s1  }
0x256: {  	s6 =	simm.s32 $0x20;
	s7 =	sand.u32 $0x50, s30;
	s5 =	sadd.s32 s31, s3  }
0x257: {  	s8 =	sand.u32 $0x60, s6;
	s7 =	sadd.s32 s7, s3;
	v4 =	vld [tilespmem:s5+$0x0]  }
0x258: {  	s3 =	sadd.s32 s8, s3;
	v5 =	vld [tilespmem:s7+$0x0]  }
0x259: {  	v6 =	vld [tilespmem:s3+$0x0];
	_ =	sdelay $0x1  }
0x25a: {  	v7 =	vmov s1  }
0x25b: {  	p1 =	por $0x1, $0x1;
	v8 =	vmov s30;
	v9 =	vmov s6;
	v10 =	vor.u32 s1, v2;
	v3 =	vld.idx.msk [tilespmem:v3+s13+$0x0], $0xffff  }
.Ltmp12:
0x25c: {  	v11 =	vor.u32 s30, v2;
	v12 =	vor.u32 s6, v2;
	v7 =	vshll.u32 v7, $0x3;
	(pc) =	sbr.rel @!p1 .LBB2_22-.Ltmp12, $4  }
0x25d: {  	v8 =	vshll.u32 v8, $0x3;
	v9 =	vshll.u32 v9, $0x3;
	v7 =	vand.u32 $0xC00, v7  }
0x25e: {  	v15 =	vand.u32 $0xC00, v8;
	v8 =	vand.u32 $0x4F, v10;
	v10 =	vand.u32 $0x5F, v11;
	v13 =	vld.idx.msk [tilespmem:v4+s13+$0x0], $0xffff  }
0x25f: {  	v11 =	vand.u32 $0x6F, v12;
	v8 =	vor.u32 v7, v8;
	v4 =	vand.u32 $0xC00, v9;
	v14 =	vld.idx.msk [tilespmem:v5+s13+$0x0], $0xffff  }
0x260: {  	p0 =	por $0x0, $0x0;
	s1 =	simm.s32 $0x70;
	v7 =	vor.u32 v15, v10;
	v9 =	vld.idx.msk [tilespmem:v6+s13+$0x0], $0xffff;
	v6 =	vor.u32 v4, v11;
	v15 =	vtrunc.f32 v3  }
0x261: {  	v5 =	vmov s2;
	v11 =	vor.u32 s2, v2  }
0x262: {  	v4 =	vcvt.f32.s32 v15;
	s3 =	simm.s32 $0x40;
	s5 =	simm.s32 $0x50;
	s6 =	simm.s32 $0x60;
	v5 =	vshll.u32 v5, $0x3;
	v11 =	vand.u32 $0x7F, v11  }
0x263: {  	s30 =	sand.u32 $0x180, s3;
	v15 =	vor.u32 s3, v2;
	v16 =	vor.u32 s5, v2;
	v18 =	vor.u32 s6, v2  }
0x264: {  	s4 =	sand.u32 $0x70, s1;
	v3 =	vtrunc.f32 v13;
	v12 =	vshll.u32 v4, $0x9;
	s2 =	sadd.s32 s30, s0;
	v5 =	vand.u32 $0xC00, v5  }
0x265: {  	s31 =	sand.u32 $0x40, s3;
	v4 =	vshll.u32 v4, $0x7;
	v15 =	vand.u32 $0x4F, v15;
	v16 =	vand.u32 $0x5F, v16;
	s4 =	sadd.s32 s4, s2  }
0x266: {  	s7 =	sand.u32 $0x50, s5;
	v18 =	vand.u32 $0x6F, v18;
	v10 =	vtrunc.f32 v14;
	v5 =	vor.u32 v5, v11;
	v11 =	vld [tilespmem:s4+$0x0];
	s4 =	sadd.s32 s31, s2  }
0x267: {  	v12 =	vand.u32 $0xFFFFF000, v12;
	v4 =	vand.u32 $0x380, v4;
	v3 =	vcvt.f32.s32 v3;
	s7 =	sadd.s32 s7, s2;
	v13 =	vld [tilespmem:s4+$0x0]  }
0x268: {  	v14 =	vmov s6;
	v9 =	vtrunc.f32 v9;
	v5 =	vor.u32 v12, v5;
	v17 =	vld [tilespmem:s7+$0x0]  }
0x269: {  	s8 =	sand.u32 $0x60, s6;
	v10 =	vcvt.f32.s32 v10;
	v14 =	vshll.u32 v14, $0x3;
	v12 =	vor.u32 v4, v5  }
0x26a: {  	s2 =	sadd.s32 s8, s2;
	v4 =	vmov s3;
	v5 =	vmov s5;
	v9 =	vcvt.f32.s32 v9  }
0x26b: {  	v19 =	vshll.u32 v3, $0x9;
	v20 =	vld [tilespmem:s2+$0x0];
	v14 =	vand.u32 $0xC00, v14;
	v23 =	vshll.u32 v3, $0x7  }
0x26c: {  	v4 =	vshll.u32 v4, $0x3;
	v5 =	vshll.u32 v5, $0x3;
	v21 =	vshll.u32 v10, $0x9  }
0x26d: {  	v19 =	vand.u32 $0xFFFFF000, v19;
	v10 =	vshll.u32 v10, $0x7;
	v4 =	vand.u32 $0xC00, v4  }
0x26e: {  	p1 =	por $0x1, $0x1;
	v5 =	vand.u32 $0xC00, v5;
	v22 =	vshll.u32 v9, $0x9;
	v21 =	vand.u32 $0xFFFFF000, v21;
	v11 =	vld.idx.msk [tilespmem:v11+s13+$0x0], $0xffff  }
.Ltmp13:
0x26f: {  	v9 =	vshll.u32 v9, $0x7;
	v8 =	vor.u32 v19, v8;
	v10 =	vand.u32 $0x380, v10;
	v13 =	vld.idx.msk [tilespmem:v13+s13+$0x0], $0xffff;
	(pc) =	sbr.rel @!p1 .LBB2_24-.Ltmp13, $4  }
0x270: {  	v22 =	vand.u32 $0xFFFFF000, v22;
	v3 =	vor.u32 v5, v16;
	v5 =	vor.u32 v14, v18;
	v14 =	vld.idx.msk [tilespmem:v17+s13+$0x0], $0xffff  }
0x271: {  	v4 =	vor.u32 v4, v15;
	v7 =	vor.u32 v21, v7;
	[tilespmem:v12+s10+$0x0] =	vst.idx.msk $0xffff, v1;
	v12 =	vand.u32 $0x380, v23  }
0x272: {  	v6 =	vor.u32 v22, v6;
	v12 =	vor.u32 v12, v8;
	v8 =	vand.u32 $0x380, v9  }
0x273: {  	p0 =	por $0x1, $0x1;
	s2 =	simm.s32 $0xB0;
	v10 =	vor.u32 v10, v7;
	v9 =	vld.idx.msk [tilespmem:v20+s13+$0x0], $0xffff;
	v15 =	vtrunc.f32 v11;
	v11 =	vor.u32 v8, v6  }
.LBB2_25:
0x274: {  	s3 =	sadd.s32 $0xFFFFFFD0, s2;
	s4 =	sadd.s32 $0xFFFFFFE0, s2;
	s5 =	sadd.s32 $0xFFFFFFF0, s2;
	v6 =	vtrunc.f32 v13;
	v7 =	vcvt.f32.s32 v15;
	v8 =	vmov s1  }
0x275: {  	v13 =	vtrunc.f32 v14;
	v14 =	vor.u32 s1, v2;
	s6 =	sand.u32 $0x180, s3;
	s7 =	sand.u32 $0x40, s3;
	s8 =	sand.u32 $0x50, s4;
	v8 =	vshll.u32 v8, $0x3  }
0x276: {  	s9 =	sand.u32 $0x70, s2;
	v14 =	vand.u32 $0x7F, v14;
	s1 =	sadd.s32 s6, s0;
	s6 =	sand.u32 $0x60, s5;
	v15 =	vshll.u32 v7, $0x9;
	v8 =	vand.u32 $0xC00, v8  }
0x277: {  	v7 =	vshll.u32 v7, $0x7;
	s7 =	sadd.s32 s7, s1;
	s8 =	sadd.s32 s8, s1;
	s9 =	sadd.s32 s9, s1;
	v15 =	vand.u32 $0xFFFFF000, v15;
	v8 =	vor.u32 v8, v14;
	[tilespmem:v12+s10+$0x0] =	vst.idx.msk $0xffff, v1  }
0x278: {  	p1 =	slt.u32 s3, $0x1C0;
	v9 =	vtrunc.f32 v9;
	s6 =	sadd.s32 s6, s1;
	v7 =	vand.u32 $0x380, v7;
	s1 =	smov.u32 s2;
	v12 =	vld [tilespmem:s9+$0x0];
	v8 =	vor.u32 v15, v8;
	[tilespmem:v10+s10+$0x0] =	vst.idx.msk $0xffff, v1  }
0x279: {  	v6 =	vcvt.f32.s32 v6;
	v14 =	vcvt.f32.s32 v13;
	v10 =	vld [tilespmem:s7+$0x0];
	v7 =	vor.u32 v7, v8;
	[tilespmem:v11+s10+$0x0] =	vst.idx.msk $0xffff, v1  }
0x27a: {  	v9 =	vcvt.f32.s32 v9;
	v13 =	vmov s4;
	v8 =	vmov s3;
	v11 =	vld [tilespmem:s8+$0x0]  }
0x27b: {  	v16 =	vmov s5;
	v13 =	vshll.u32 v13, $0x3;
	v8 =	vshll.u32 v8, $0x3;
	v15 =	vld [tilespmem:s6+$0x0]  }
0x27c: {  	v17 =	vor.u32 s3, v2;
	v18 =	vor.u32 s4, v2;
	v16 =	vshll.u32 v16, $0x3  }
0x27d: {  	v19 =	vor.u32 s5, v2;
	v20 =	vshll.u32 v6, $0x9;
	v21 =	vshll.u32 v14, $0x9  }
0x27e: {  	v23 =	vshll.u32 v9, $0x9;
	v22 =	vand.u32 $0xC00, v13;
	v8 =	vand.u32 $0xC00, v8;
	[tilespmem:v7+s10+$0x0] =	vst.idx.msk $0xffff, v1  }
0x27f: {  	v16 =	vand.u32 $0xC00, v16;
	v7 =	vand.u32 $0x4F, v17;
	v17 =	vand.u32 $0x5F, v18  }
0x280: {  	v18 =	vand.u32 $0x6F, v19;
	v19 =	vld.idx.msk [tilespmem:v12+s13+$0x0], $0xffff;
	v12 =	vand.u32 $0xFFFFF000, v20;
	v20 =	vand.u32 $0xFFFFF000, v21  }
0x281: {  	v6 =	vshll.u32 v6, $0x7;
	v21 =	vand.u32 $0xFFFFF000, v23;
	v13 =	vld.idx.msk [tilespmem:v10+s13+$0x0], $0xffff;
	v10 =	vshll.u32 v14, $0x7  }
.Ltmp14:
0x282: {  	v7 =	vor.u32 v8, v7;
	v8 =	vor.u32 v22, v17;
	v14 =	vld.idx.msk [tilespmem:v11+s13+$0x0], $0xffff;
	v11 =	vshll.u32 v9, $0x7;
	(pc) =	sbr.rel @p1 .LBB2_25-.Ltmp14, $4  }
0x283: {  	v12 =	vor.u32 v12, v4;
	v9 =	vld.idx.msk [tilespmem:v15+s13+$0x0], $0xffff;
	v15 =	vor.u32 v16, v18;
	v16 =	vor.u32 v20, v3  }
0x284: {  	v6 =	vand.u32 $0x380, v6;
	v17 =	vor.u32 v21, v5;
	v4 =	vmovc v7;
	v10 =	vand.u32 $0x380, v10;
	v3 =	vmovc v8  }
0x285: {  	v12 =	vor.u32 v6, v12;
	v6 =	vand.u32 $0x380, v11;
	v10 =	vor.u32 v10, v16;
	v5 =	vmovc v15  }
0x286: {  	s2 =	sadd.s32 $0x40, s2;
	v11 =	vor.u32 v6, v17;
	v15 =	vtrunc.f32 v19  }
0x287: {  	s2 =	smov.u32 s1;
	v8 =	vmov v4;
	v7 =	vmov v3;
	v6 =	vmov v5  }
.LBB2_27:
0x288: {  	v3 =	vtrunc.f32 v13;
	v4 =	vcvt.f32.s32 v15;
	v5 =	vmov s2  }
0x289: {  	v55 =	vtrunc.f32 v14;
	v56 =	vor.u32 s2, v2;
	v9 =	vtrunc.f32 v9  }
0x28a: {  	v5 =	vshll.u32 v5, $0x3;
	v14 =	vand.u32 $0x7F, v56;
	v3 =	vcvt.f32.s32 v3  }
0x28b: {  	v13 =	vcvt.f32.s32 v55;
	v9 =	vcvt.f32.s32 v9;
	v15 =	vshll.u32 v4, $0x9  }
0x28c: {  	v5 =	vand.u32 $0xC00, v5;
	v4 =	vshll.u32 v4, $0x7;
	v15 =	vand.u32 $0xFFFFF000, v15  }
0x28d: {  	v5 =	vor.u32 v5, v14;
	v4 =	vand.u32 $0x380, v4;
	v57 =	vshll.u32 v3, $0x9  }
0x28e: {  	v58 =	vshll.u32 v13, $0x9;
	v59 =	vshll.u32 v9, $0x9;
	v3 =	vshll.u32 v3, $0x7  }
0x28f: {  	v13 =	vshll.u32 v13, $0x7;
	v9 =	vshll.u32 v9, $0x7;
	v5 =	vor.u32 v15, v5  }
0x290: {  	v14 =	vand.u32 $0xFFFFF000, v58;
	v15 =	vand.u32 $0xFFFFF000, v59;
	v60 =	vand.u32 $0x380, v13  }
0x291: {  	v4 =	vor.u32 v4, v5;
	v5 =	vand.u32 $0xFFFFF000, v57;
	v7 =	vor.u32 v14, v7  }
0x292: {  	v3 =	vand.u32 $0x380, v3;
	v5 =	vor.u32 v5, v8;
	v62 =	vor.u32 v60, v7  }
0x293: {  	[tilespmem:v12+s10+$0x0] =	vst.idx.msk @p0 $0xffff, v1;
	v63 =	vand.u32 $0x380, v9;
	v61 =	vor.u32 v15, v6;
	v3 =	vor.u32 v3, v5  }
0x294: {  	[tilespmem:v10+s10+$0x0] =	vst.idx.msk @p0 $0xffff, v1;
	v5 =	vor.u32 v63, v61  }
0x295: {  	[tilespmem:v11+s10+$0x0] =	vst.idx.msk @p0 $0xffff, v1  }
0x296: {  	[tilespmem:v4+s10+$0x0] =	vst.idx.msk $0xffff, v1  }
0x297: {  	[tilespmem:v62+s10+$0x0] =	vst.idx.msk $0xffff, v1  }
0x298: {  	[tilespmem:v3+s10+$0x0] =	vst.idx.msk $0xffff, v1  }
0x299: {  	[tilespmem:v5+s10+$0x0] =	vst.idx.msk $0xffff, v1  }
.LBB2_28:
0x29a: {  	s9 =	sor.u32 $0x200, s11;
	s0 =	simm.s32 $0x0  }
0x29b: {  	s1 =	simm.s32 $0x30;
	s30 =	sadd.s32 $0xC00, s9;
	s2 =	sand.u32 $0x180, s0  }
0x29c: {  	s3 =	sand.u32 $0x70, s1;
	s2 =	sadd.s32 s2, s30  }
0x29d: {  	s4 =	sand.u32 $0x40, s0;
	s3 =	sadd.s32 s3, s2  }
0x29e: {  	s4 =	sadd.s32 s4, s2;
	v3 =	vld [tilespmem:s3+$0x0]  }
0x29f: {  	v4 =	vld [tilespmem:s4+$0x0]  }
0x2a0: {  	s29 =	simm.s32 $0x10  }
0x2a1: {  	s31 =	simm.s32 $0x20;
	s5 =	sand.u32 $0x50, s29  }
0x2a2: {  	s6 =	sand.u32 $0x60, s31;
	s5 =	sadd.s32 s5, s2  }
0x2a3: {  	s2 =	sadd.s32 s6, s2;
	v5 =	vld [tilespmem:s5+$0x0]  }
0x2a4: {  	v6 =	vld [tilespmem:s2+$0x0]  }
0x2a5: {  	v7 =	vmov s0  }
0x2a6: {  	v8 =	vmov s29;
	v9 =	vmov s31;
	v10 =	vor.u32 s0, v2;
	v3 =	vld.idx.msk [tilespmem:v3+s13+$0x0], $0xffff  }
0x2a7: {  	p1 =	por $0x1, $0x1;
	v12 =	vor.u32 s31, v2;
	v22 =	vmov s1;
	v11 =	vshll.u32 v9, $0x3;
	v9 =	vld.idx.msk [tilespmem:v4+s13+$0x0], $0xffff  }
.Ltmp15:
0x2a8: {  	v7 =	vshll.u32 v7, $0x3;
	v8 =	vshll.u32 v8, $0x3;
	v10 =	vand.u32 $0x4F, v10;
	(pc) =	sbr.rel @!p1 .LBB2_29-.Ltmp15, $4  }
0x2a9: {  	v12 =	vand.u32 $0x6F, v12;
	v7 =	vand.u32 $0xC00, v7;
	v4 =	vor.u32 s29, v2  }
0x2aa: {  	v8 =	vand.u32 $0xC00, v8;
	v11 =	vand.u32 $0xC00, v11;
	v4 =	vand.u32 $0x5F, v4  }
0x2ab: {  	v13 =	vor.u32 v7, v10;
	v5 =	vld.idx.msk [tilespmem:v5+s13+$0x0], $0xffff;
	v14 =	vor.u32 v8, v4;
	v4 =	vtrunc.f32 v3  }
0x2ac: {  	p0 =	por $0x0, $0x0;
	s0 =	simm.s32 $0x70;
	v12 =	vor.u32 v11, v12;
	v8 =	vld.idx.msk [tilespmem:v6+s13+$0x0], $0xffff;
	v18 =	vtrunc.f32 v9;
	v21 =	vcvt.f32.s32 v4  }
0x2ad: {  	v6 =	vor.u32 s1, v2  }
0x2ae: {  	v7 =	vshll.u32 v22, $0x3;
	v6 =	vand.u32 $0x7F, v6  }
0x2af: {  	s28 =	simm.s32 $0x40;
	s6 =	simm.s32 $0x60;
	v10 =	vshll.u32 v21, $0x9;
	v7 =	vand.u32 $0xC00, v7;
	v11 =	vshll.u32 v21, $0x7  }
0x2b0: {  	s4 =	simm.s32 $0x50;
	s2 =	sand.u32 $0x180, s28;
	v17 =	vmov s6;
	v19 =	vor.u32 s28, v2;
	v21 =	vmul.f32 v3, v0  }
0x2b1: {  	s3 =	sand.u32 $0x70, s0;
	v3 =	vor.u32 s4, v2;
	v20 =	vor.u32 s6, v2;
	v10 =	vand.u32 $0xFFFFF000, v10;
	s2 =	sadd.s32 s2, s30  }
0x2b2: {  	s5 =	sand.u32 $0x40, s28;
	v6 =	vor.u32 v7, v6;
	v11 =	vand.u32 $0x380, v11;
	v4 =	vtrunc.f32 v5;
	s3 =	sadd.s32 s3, s2  }
0x2b3: {  	s29 =	sand.u32 $0x50, s4;
	v17 =	vshll.u32 v17, $0x3;
	v19 =	vand.u32 $0x4F, v19;
	s5 =	sadd.s32 s5, s2;
	v15 =	vcvt.f32.s32 v4;
	v4 =	vld [tilespmem:s3+$0x0]  }
0x2b4: {  	s31 =	sand.u32 $0x60, s6;
	v27 =	vand.u32 $0x5F, v3;
	v20 =	vand.u32 $0x6F, v20;
	v6 =	vor.u32 v10, v6;
	s1 =	sadd.s32 s29, s2;
	v16 =	vld [tilespmem:s5+$0x0]  }
0x2b5: {  	v10 =	vcvt.f32.s32 v18;
	s2 =	sadd.s32 s31, s2;
	v17 =	vand.u32 $0xC00, v17;
	v7 =	vtrunc.f32 v8;
	v25 =	vld [tilespmem:s1+$0x0]  }
0x2b6: {  	v18 =	vor.u32 v11, v6;
	v6 =	vmov s28;
	v11 =	vmov s4;
	v26 =	vld [tilespmem:s2+$0x0]  }
0x2b7: {  	v7 =	vcvt.f32.s32 v7;
	v6 =	vshll.u32 v6, $0x3;
	v11 =	vshll.u32 v11, $0x3  }
0x2b8: {  	v22 =	vshll.u32 v10, $0x9;
	v28 =	vshll.u32 v10, $0x7;
	v6 =	vand.u32 $0xC00, v6  }
0x2b9: {  	v23 =	vshll.u32 v15, $0x9;
	v11 =	vand.u32 $0xC00, v11;
	v22 =	vand.u32 $0xFFFFF000, v22  }
0x2ba: {  	v24 =	vshll.u32 v7, $0x9;
	v23 =	vand.u32 $0xFFFFF000, v23;
	v29 =	vshll.u32 v7, $0x7  }
0x2bb: {  	v7 =	vor.u32 v11, v27;
	v11 =	vor.u32 v22, v13;
	v13 =	vand.u32 $0x380, v28;
	v3 =	vld.idx.msk [tilespmem:v4+s13+$0x0], $0xffff  }
0x2bc: {  	p1 =	por $0x1, $0x1;
	v22 =	vmov s0;
	v24 =	vand.u32 $0xFFFFF000, v24;
	v4 =	vor.u32 v6, v19;
	v10 =	vld.idx.msk [tilespmem:v16+s13+$0x0], $0xffff  }
.Ltmp16:
0x2bd: {  	v19 =	vshll.u32 v15, $0x7;
	v15 =	vmul.f32 v9, v0;
	v16 =	vmul.f32 v5, v0;
	v5 =	vld.idx.msk [tilespmem:v25+s13+$0x0], $0xffff;
	(pc) =	sbr.rel @!p1 .LBB2_31-.Ltmp16, $4  }
0x2be: {  	v9 =	vand.u32 $0x380, v19;
	v19 =	vor.u32 v13, v11;
	v11 =	vmul.f32 v8, v0;
	v8 =	vld.idx.msk [tilespmem:v26+s13+$0x0], $0xffff  }
0x2bf: {  	v14 =	vor.u32 v23, v14;
	v12 =	vor.u32 v24, v12;
	v6 =	vor.u32 v17, v20  }
0x2c0: {  	v17 =	vand.u32 $0x380, v29;
	v20 =	vor.u32 v9, v14;
	v13 =	vtrunc.f32 v3  }
0x2c1: {  	p0 =	por $0x1, $0x1;
	s1 =	simm.s32 $0xB0;
	[tilespmem:v18+s10+$0x0] =	vst.idx.msk $0xffff, v21;
	v17 =	vor.u32 v17, v12;
	v18 =	vtrunc.f32 v10;
	v21 =	vcvt.f32.s32 v13  }
.LBB2_32:
0x2c2: {  	s2 =	sadd.s32 $0xFFFFFFD0, s1;
	s3 =	sadd.s32 $0xFFFFFFE0, s1;
	s4 =	sadd.s32 $0xFFFFFFF0, s1;
	v9 =	vtrunc.f32 v5;
	v12 =	vor.u32 s0, v2;
	v13 =	vshll.u32 v22, $0x3;
	v14 =	vmovc v5  }
0x2c3: {  	v22 =	vmovc v8;
	s0 =	sand.u32 $0x180, s2;
	s5 =	sand.u32 $0x40, s2;
	s6 =	sand.u32 $0x50, s3;
	v5 =	vand.u32 $0x7F, v12;
	v12 =	vshll.u32 v21, $0x9;
	v13 =	vand.u32 $0xC00, v13  }
0x2c4: {  	s8 =	sand.u32 $0x70, s1;
	s7 =	sand.u32 $0x60, s4;
	s0 =	sadd.s32 s0, s30;
	v8 =	vand.u32 $0xFFFFF000, v12;
	v12 =	vshll.u32 v21, $0x7;
	v5 =	vor.u32 v13, v5;
	[tilespmem:v19+s10+$0x0] =	vst.idx.msk $0xffff, v15  }
0x2c5: {  	v13 =	vtrunc.f32 v22;
	s5 =	sadd.s32 s5, s0;
	s6 =	sadd.s32 s6, s0;
	s8 =	sadd.s32 s8, s0;
	v12 =	vand.u32 $0x380, v12;
	v5 =	vor.u32 v8, v5;
	[tilespmem:v20+s10+$0x0] =	vst.idx.msk $0xffff, v16  }
0x2c6: {  	p1 =	slt.u32 s2, $0x1C0;
	v9 =	vcvt.f32.s32 v9;
	v15 =	vcvt.f32.s32 v18;
	s7 =	sadd.s32 s7, s0;
	s0 =	smov.u32 s1;
	v8 =	vld [tilespmem:s8+$0x0];
	v5 =	vor.u32 v12, v5;
	[tilespmem:v17+s10+$0x0] =	vst.idx.msk $0xffff, v11  }
0x2c7: {  	v16 =	vmov s3;
	v13 =	vcvt.f32.s32 v13;
	v12 =	vmov s2;
	v11 =	vld [tilespmem:s5+$0x0]  }
0x2c8: {  	v18 =	vmov s4;
	v16 =	vshll.u32 v16, $0x3;
	v12 =	vshll.u32 v12, $0x3;
	v17 =	vld [tilespmem:s6+$0x0]  }
0x2c9: {  	v3 =	vmul.f32 v3, v0;
	v19 =	vor.u32 s2, v2;
	v18 =	vshll.u32 v18, $0x3;
	v20 =	vld [tilespmem:s7+$0x0]  }
0x2ca: {  	v23 =	vor.u32 s4, v2;
	v21 =	vor.u32 s3, v2;
	v24 =	vshll.u32 v15, $0x9  }
0x2cb: {  	v25 =	vshll.u32 v9, $0x9;
	v26 =	vshll.u32 v13, $0x9;
	v12 =	vand.u32 $0xC00, v12;
	[tilespmem:v5+s10+$0x0] =	vst.idx.msk $0xffff, v3  }
0x2cc: {  	v18 =	vand.u32 $0xC00, v18;
	v16 =	vand.u32 $0xC00, v16;
	v5 =	vand.u32 $0x4F, v19  }
0x2cd: {  	v19 =	vand.u32 $0x5F, v21;
	v21 =	vand.u32 $0x6F, v23;
	v23 =	vand.u32 $0xFFFFF000, v24  }
0x2ce: {  	v15 =	vshll.u32 v15, $0x7;
	v24 =	vand.u32 $0xFFFFF000, v25;
	v25 =	vand.u32 $0xFFFFF000, v26;
	v3 =	vld.idx.msk [tilespmem:v8+s13+$0x0], $0xffff  }
0x2cf: {  	v9 =	vshll.u32 v9, $0x7;
	v26 =	vld.idx.msk [tilespmem:v11+s13+$0x0], $0xffff;
	v11 =	vor.u32 v12, v5;
	v12 =	vshll.u32 v13, $0x7  }
0x2d0: {  	v13 =	vor.u32 v16, v19;
	v16 =	vor.u32 v18, v21;
	v5 =	vld.idx.msk [tilespmem:v17+s13+$0x0], $0xffff;
	v17 =	vor.u32 v23, v4  }
.Ltmp17:
0x2d1: {  	v18 =	vand.u32 $0x380, v15;
	v21 =	vor.u32 v25, v6;
	v4 =	vmovc v11;
	v8 =	vld.idx.msk [tilespmem:v20+s13+$0x0], $0xffff;
	v20 =	vor.u32 v24, v7;
	(pc) =	sbr.rel @p1 .LBB2_32-.Ltmp17, $4  }
0x2d2: {  	v9 =	vand.u32 $0x380, v9;
	v15 =	vmul.f32 v10, v0;
	v10 =	vand.u32 $0x380, v12;
	v6 =	vmovc v16;
	v7 =	vmovc v13  }
0x2d3: {  	v16 =	vmul.f32 v14, v0;
	v11 =	vmul.f32 v22, v0;
	v19 =	vor.u32 v18, v17  }
0x2d4: {  	v17 =	vor.u32 v10, v21;
	v20 =	vor.u32 v9, v20;
	v12 =	vtrunc.f32 v3  }
0x2d5: {  	s1 =	sadd.s32 $0x40, s1;
	v22 =	vmov s0;
	v18 =	vtrunc.f32 v26;
	v21 =	vcvt.f32.s32 v12;
	v10 =	vmovc v26  }
0x2d6: {  	s1 =	smov.u32 s0;
	v13 =	vmovc v4;
	v14 =	vmov v7;
	v12 =	vmov v6;
	v9 =	vmov v10  }
.LBB2_34:
0x2d7: {  	v4 =	vtrunc.f32 v5  }
0x2d8: {  	v6 =	vor.u32 s1, v2;
	v7 =	vshll.u32 v22, $0x3;
	v10 =	vshll.u32 v21, $0x9  }
0x2d9: {  	v21 =	vshll.u32 v21, $0x7;
	v22 =	vtrunc.f32 v8;
	v3 =	vmul.f32 v3, v0  }
0x2da: {  	v6 =	vand.u32 $0x7F, v6;
	v7 =	vand.u32 $0xC00, v7;
	v10 =	vand.u32 $0xFFFFF000, v10  }
0x2db: {  	v4 =	vcvt.f32.s32 v4;
	v6 =	vor.u32 v7, v6;
	v7 =	vcvt.f32.s32 v18  }
0x2dc: {  	v18 =	vand.u32 $0x380, v21;
	v6 =	vor.u32 v10, v6;
	v10 =	vcvt.f32.s32 v22  }
0x2dd: {  	v21 =	vshll.u32 v4, $0x9;
	v4 =	vshll.u32 v4, $0x7;
	v6 =	vor.u32 v18, v6  }
0x2de: {  	v18 =	vshll.u32 v7, $0x9;
	v7 =	vshll.u32 v7, $0x7;
	v21 =	vand.u32 $0xFFFFF000, v21  }
0x2df: {  	v4 =	vand.u32 $0x380, v4;
	v22 =	vshll.u32 v10, $0x9;
	v18 =	vand.u32 $0xFFFFF000, v18  }
0x2e0: {  	v10 =	vshll.u32 v10, $0x7;
	v7 =	vand.u32 $0x380, v7;
	v14 =	vor.u32 v21, v14  }
0x2e1: {  	v22 =	vand.u32 $0xFFFFF000, v22;
	v13 =	vor.u32 v18, v13;
	v4 =	vor.u32 v4, v14  }
0x2e2: {  	[tilespmem:v19+s10+$0x0] =	vst.idx.msk @p0 $0xffff, v15;
	v10 =	vand.u32 $0x380, v10;
	v7 =	vor.u32 v7, v13;
	v12 =	vor.u32 v22, v12  }
0x2e3: {  	[tilespmem:v20+s10+$0x0] =	vst.idx.msk @p0 $0xffff, v16;
	v10 =	vor.u32 v10, v12  }
0x2e4: {  	[tilespmem:v6+s10+$0x0] =	vst.idx.msk $0xffff, v3;
	v3 =	vmul.f32 v5, v0  }
0x2e5: {  	[tilespmem:v17+s10+$0x0] =	vst.idx.msk @p0 $0xffff, v11;
	v9 =	vmul.f32 v9, v0  }
0x2e6: {  	v5 =	vmul.f32 v8, v0;
	[tilespmem:v4+s10+$0x0] =	vst.idx.msk $0xffff, v3  }
0x2e7: {  	[tilespmem:v7+s10+$0x0] =	vst.idx.msk $0xffff, v9  }
0x2e8: {  	[tilespmem:v10+s10+$0x0] =	vst.idx.msk $0xffff, v5  }
0x2e9: {  	s17 =	simm.s32 $0x1000;
	s0 =	rddreg [dreg:$0xa]  }
0x2ea: {  	s2 =	simm.s32 $0x10000;
	s6 =	simm.s32 $0x0;
	s0 =	sadd.s32 s9, s0  }
0x2eb: {  	[hbm4b:s0+s17] =	stream.strided.scatter [tilespmem:s10], [sflag:$0x2], $0x8000, s2, s17, $0x38;
	[tilespmem:$0x14C00] =	vst v63  }
0x2ec: {  	s18 =	sand.u32 $0x180, s6;
	s10 =	simm.s32 $0x10  }
0x2ed: {  	s0 =	sadd.s32 s18, s30;
	s19 =	sand.u32 $0x70, s10  }
0x2ee: {  	[dreg:$0x10] =	wrdreg s9;
	s20 =	sadd.s32 s19, s0  }
0x2ef: {  	v8 =	vld [tilespmem:s20+$0x0];
	_ =	sdelay $0x4  }
0x2f0: {  	v3 =	vadd.s32 $0x180, v8;
	_ =	sdelay $0x4  }
0x2f1: {  	v3 =	vld.idx.msk [tilespmem:v3+s13+$0x0], $0xffff  }
0x2f2: {  	s3 =	sand.u32 $0x60, s6;
	v4 =	vadd.s32 $0x200, v8  }
0x2f3: {  	s4 =	sand.u32 $0xC00, s6;
	s0 =	sadd.s32 s3, s0  }
0x2f4: {  	s1 =	simm.s32 $0x20;
	s4 =	sadd.s32 $0x13C00, s4;
	v6 =	vld [tilespmem:s0+$0x0]  }
0x2f5: {  	s14 =	simm.s32 $0x30;
	s21 =	sand.u32 $0x180, s1;
	s7 =	sor.u32 s19, s4  }
0x2f6: {  	s22 =	sand.u32 $0x70, s14;
	s0 =	sadd.s32 s21, s30;
	[tilespmem:s7+$0x0] =	vst v3  }
0x2f7: {  	s5 =	sadd.s32 s22, s0;
	v3 =	vld.idx.msk [tilespmem:v4+s13+$0x0], $0xffff  }
0x2f8: {  	v5 =	vld [tilespmem:s5+$0x0];
	v4 =	vadd.s32 $0x280, v8  }
0x2f9: {  	v9 =	vadd.s32 $0x180, v6  }
0x2fa: {  	s23 =	sand.u32 $0x60, s1  }
0x2fb: {  	s0 =	sadd.s32 s23, s0  }
0x2fc: {  	v7 =	vld [tilespmem:s0+$0x0];
	[tilespmem:s7+$0x80] =	vst v3  }
0x2fd: {  	v10 =	vadd.s32 $0x180, v5;
	v3 =	vld.idx.msk [tilespmem:v4+s13+$0x0], $0xffff  }
0x2fe: {  	v4 =	vld.idx.msk [tilespmem:v9+s13+$0x0], $0xffff;
	v9 =	vadd.s32 $0x300, v8  }
0x2ff: {  	v11 =	vadd.s32 $0x200, v6;
	_ =	sdelay $0x1  }
0x300: {  	s11 =	simm.s32 $0x50;
	s5 =	simm.s32 $0x40;
	v12 =	vadd.s32 $0x180, v7  }
0x301: {  	s8 =	simm.s32 $0x50;
	s16 =	sor.u32 s3, s4;
	s25 =	sand.u32 $0x180, s5;
	v10 =	vld.idx.msk [tilespmem:v10+s13+$0x0], $0xffff;
	[tilespmem:s7+$0x100] =	vst v3  }
0x302: {  	s11 =	sand.u32 $0x70, s11;
	s4 =	simm.s32 $0x100;
	s3 =	sadd.s32 s25, s30;
	v13 =	vadd.s32 $0x200, v5;
	[tilespmem:s16+$0x0] =	vst v4;
	v4 =	vld.idx.msk [tilespmem:v9+s13+$0x0], $0xffff  }
0x303: {  	s24 =	sand.u32 $0xC00, s4;
	s26 =	sadd.s32 s11, s3;
	v9 =	vld.idx.msk [tilespmem:v11+s13+$0x0], $0xffff;
	v11 =	vadd.s32 $0x380, v8;
	[dreg:$0x6] =	wrdreg s8  }
0x304: {  	s0 =	sadd.s32 $0x13C00, s24;
	s29 =	sand.u32 $0x60, s5;
	v14 =	vadd.s32 $0x280, v6;
	v3 =	vld [tilespmem:s26+$0x0]  }
0x305: {  	s19 =	sor.u32 s22, s0;
	s3 =	sadd.s32 s29, s3;
	v12 =	vld.idx.msk [tilespmem:v12+s13+$0x0], $0xffff  }
0x306: {  	[tilespmem:s19+$0x0] =	vst v10;
	v15 =	vld [tilespmem:s3+$0x0]  }
0x307: {  	v10 =	vld.idx.msk [tilespmem:v13+s13+$0x0], $0xffff;
	v13 =	vadd.s32 $0x200, v7;
	[tilespmem:s7+$0x180] =	vst v4  }
0x308: {  	v4 =	vadd.s32 $0x280, v5;
	[tilespmem:s16+$0x80] =	vst v9;
	v11 =	vld.idx.msk [tilespmem:v11+s13+$0x0], $0xffff  }
0x309: {  	v14 =	vld.idx.msk [tilespmem:v14+s13+$0x0], $0xffff;
	v16 =	vadd.s32 $0x180, v3  }
0x30a: {  	s24 =	sor.u32 s23, s0;
	v9 =	vadd.s32 $0x400, v8  }
0x30b: {  	v17 =	vadd.s32 $0x300, v6;
	[tilespmem:s24+$0x0] =	vst v12  }
0x30c: {  	v12 =	vld.idx.msk [tilespmem:v13+s13+$0x0], $0xffff;
	[tilespmem:s19+$0x80] =	vst v10;
	v10 =	vadd.s32 $0x180, v15  }
0x30d: {  	v13 =	vadd.s32 $0x280, v7;
	v4 =	vld.idx.msk [tilespmem:v4+s13+$0x0], $0xffff;
	[tilespmem:s7+$0x200] =	vst v11  }
0x30e: {  	[tilespmem:s16+$0x100] =	vst v14;
	v14 =	vld.idx.msk [tilespmem:v16+s13+$0x0], $0xffff  }
0x30f: {  	s18 =	simm.s32 $0x60;
	v11 =	vadd.s32 $0x300, v5;
	v9 =	vld.idx.msk [tilespmem:v9+s13+$0x0], $0xffff  }
0x310: {  	s2 =	simm.s32 $0x200;
	s15 =	sand.u32 $0x180, s18;
	s0 =	simm.s32 $0x70;
	v18 =	vadd.s32 $0x200, v3;
	v17 =	vld.idx.msk [tilespmem:v17+s13+$0x0], $0xffff  }
0x311: {  	s12 =	sand.u32 $0xC00, s2;
	s17 =	sadd.s32 s15, s30;
	s26 =	sand.u32 $0x70, s0;
	v16 =	vadd.s32 $0x480, v8;
	[tilespmem:s24+$0x80] =	vst v12;
	v10 =	vld.idx.msk [tilespmem:v10+s13+$0x0], $0xffff  }
0x312: {  	s12 =	sadd.s32 $0x13C00, s12;
	s20 =	sadd.s32 s26, s17;
	v12 =	vld.idx.msk [tilespmem:v13+s13+$0x0], $0xffff  }
0x313: {  	s3 =	sor.u32 s11, s12;
	v13 =	vadd.s32 $0x380, v6;
	[tilespmem:s19+$0x100] =	vst v4;
	v4 =	vld [tilespmem:s20+$0x0]  }
0x314: {  	v19 =	vadd.s32 $0x300, v7;
	v11 =	vld.idx.msk [tilespmem:v11+s13+$0x0], $0xffff;
	[tilespmem:s3+$0x0] =	vst v14  }
0x315: {  	s9 =	sand.u32 $0x60, s18;
	[tilespmem:s7+$0x280] =	vst v9;
	v18 =	vld.idx.msk [tilespmem:v18+s13+$0x0], $0xffff  }
0x316: {  	v9 =	vadd.s32 $0x380, v5;
	s7 =	sadd.s32 s9, s17;
	v14 =	vld.idx.msk [tilespmem:v16+s13+$0x0], $0xffff  }
0x317: {  	s15 =	sand.u32 $0x7, s6;
	[tilespmem:s16+$0x180] =	vst v17;
	v16 =	vadd.s32 $0x200, v15;
	v24 =	vld [tilespmem:s7+$0x0]  }
0x318: {  	s21 =	sshll.u32 s15, $0x4;
	s12 =	sor.u32 s29, s12;
	v17 =	vadd.s32 $0x280, v3;
	v13 =	vld.idx.msk [tilespmem:v13+s13+$0x0], $0xffff;
	[tilespmem:s24+$0x100] =	vst v12  }
0x319: {  	s23 =	sadd.s32 $0x0, s21;
	v8 =	vadd.s32 $0x500, v8;
	[tilespmem:s12+$0x0] =	vst v10;
	v19 =	vld.idx.msk [tilespmem:v19+s13+$0x0], $0xffff  }
0x31a: {  	s10 =	sor.u32 s10, s6;
	s25 =	simm.s32 $0x1;
	v29 =	vadd.s32 $0x380, v7;
	s8 =	sadd.s32 $0x10, s23;
	[tilespmem:s19+$0x180] =	vst v11  }
0x31b: {  	s1 =	sor.u32 s4, s1;
	s8 =	sor.u32 $0x300, s8;
	s11 =	sand.u32 $0x3, s25;
	v11 =	vadd.s32 $0x400, v6;
	v9 =	vld.idx.msk [tilespmem:v9+s13+$0x0], $0xffff;
	[tilespmem:s3+$0x80] =	vst v18  }
0x31c: {  	s10 =	sor.u32 $0x380, s10;
	s1 =	sor.u32 $0x380, s1;
	s11 =	sshll.u32 s11, $0x5;
	v12 =	vadd.s32 $0x400, v5;
	v10 =	vld.idx.msk [tilespmem:v16+s13+$0x0], $0xffff;
	[tilespmem:s8+$0x13C00] =	vst v14  }
0x31d: {  	s22 =	sand.u32 $0x3, s6;
	s5 =	sor.u32 s2, s5;
	s11 =	sadd.s32 $0x100, s11;
	v14 =	vadd.s32 $0x180, v4;
	[tilespmem:s16+$0x200] =	vst v13;
	v13 =	vld.idx.msk [tilespmem:v17+s13+$0x0], $0xffff  }
0x31e: {  	s29 =	sor.u32 s6, s6;
	s23 =	sor.u32 $0x300, s11;
	s11 =	simm.s32 $0x80;
	v18 =	vadd.s32 $0x180, v24;
	v8 =	vld.idx.msk [tilespmem:v8+s13+$0x0], $0xffff;
	[tilespmem:s24+$0x180] =	vst v19  }
0x31f: {  	v28 =	vadd.s32 $0x480, v6;
	s6 =	sor.u32 $0x380, s5;
	s5 =	sand.u32 $0x60, s11;
	v23 =	vadd.s32 $0x280, v15;
	s17 =	simm.s32 $0x2;
	v31 =	vld.idx.msk [tilespmem:v29+s13+$0x0], $0xffff  }
0x320: {  	v20 =	vadd.s32 $0x400, v7;
	v27 =	vadd.s32 $0x300, v3;
	s7 =	sshll.u32 s22, $0x5;
	s15 =	sand.u32 $0x3, s17;
	s22 =	simm.s32 $0x3;
	v17 =	vadd.s32 $0x500, v6;
	v25 =	vld.idx.msk [tilespmem:v11+s13+$0x0], $0xffff;
	[tilespmem:s19+$0x200] =	vst v9  }
0x321: {  	s7 =	sadd.s32 $0x0, s7;
	s20 =	sshll.u32 s15, $0x5;
	s21 =	sand.u32 $0x3, s22;
	v6 =	vadd.s32 $0x500, v7;
	v16 =	vadd.s32 $0x300, v15;
	v21 =	vadd.s32 $0x200, v24;
	v32 =	vld.idx.msk [tilespmem:v12+s13+$0x0], $0xffff  }
0x322: {  	s7 =	sor.u32 $0x300, s7;
	s15 =	sadd.s32 $0x200, s20;
	s20 =	simm.s32 $0x300;
	v19 =	vadd.s32 $0x300, v24;
	v11 =	vadd.s32 $0x480, v7;
	v7 =	vadd.s32 $0x500, v15;
	[tilespmem:s12+$0x80] =	vst v10;
	v26 =	vld.idx.msk [tilespmem:v14+s13+$0x0], $0xffff  }
0x323: {  	s25 =	sor.u32 $0x300, s15;
	s15 =	sshll.u32 s21, $0x5;
	s31 =	sor.u32 s20, s18;
	v9 =	vadd.s32 $0x480, v15;
	v14 =	vadd.s32 $0x380, v15;
	v12 =	vadd.s32 $0x400, v15;
	v22 =	vld.idx.msk [tilespmem:v18+s13+$0x0], $0xffff;
	[tilespmem:s3+$0x100] =	vst v13  }
0x324: {  	s21 =	sand.u32 $0x180, s11;
	s8 =	sor.u32 $0x380, s29;
	s29 =	sand.u32 $0xC00, s20;
	v18 =	vadd.s32 $0x280, v24;
	v15 =	vadd.s32 $0x380, v24;
	v13 =	vadd.s32 $0x400, v24;
	v23 =	vld.idx.msk [tilespmem:v23+s13+$0x0], $0xffff;
	[tilespmem:s10+$0x13C00] =	vst v8  }
0x325: {  	s18 =	simm.s32 $0x2;
	s15 =	sadd.s32 $0x300, s15;
	s28 =	sadd.s32 $0x13C00, s29;
	v10 =	vadd.s32 $0x480, v24;
	v27 =	vld.idx.msk [tilespmem:v27+s13+$0x0], $0xffff;
	v8 =	vadd.s32 $0x500, v24;
	v24 =	vadd.s32 $0x480, v5;
	[tilespmem:s16+$0x280] =	vst v25  }
0x326: {  	v30 =	vadd.s32 $0x200, v4;
	v29 =	vadd.s32 $0x380, v3;
	s10 =	simm.s32 $0x90;
	s16 =	sor.u32 s26, s28;
	v28 =	vld.idx.msk [tilespmem:v28+s13+$0x0], $0xffff;
	[tilespmem:s19+$0x280] =	vst v32;
	s19 =	simm.s32 $0xA0  }
.LBB2_35:
0x327: {  	_ =	sdelay $0x1  }
0x328: {  	[tilespmem:s16+$0x0] =	vst v26  }
0x329: {  	s17 =	sadd.s32 s21, s30;
	s26 =	sand.u32 $0x70, s10;
	v24 =	vld.idx.msk [tilespmem:v24+s13+$0x0], $0xffff  }
0x32a: {  	s21 =	sadd.s32 s5, s17;
	s17 =	sadd.s32 s26, s17;
	v25 =	vld.idx.msk [tilespmem:v30+s13+$0x0], $0xffff  }
0x32b: {  	s29 =	sand.u32 $0x7, s18;
	s9 =	sor.u32 s9, s28;
	[tilespmem:s12+$0x100] =	vst v23;
	v23 =	vadd.s32 $0x500, v5;
	v5 =	vmov v3;
	v3 =	vmov v4;
	v4 =	vld [tilespmem:s17+$0x0]  }
0x32c: {  	p0 =	slt.u32 s19, $0x1E0;
	s28 =	sshll.u32 s29, $0x4;
	v26 =	vld [tilespmem:s21+$0x0];
	[tilespmem:s9+$0x0] =	vst v22  }
0x32d: {  	s15 =	sor.u32 $0x300, s15;
	s29 =	sadd.s32 s4, s28;
	s28 =	smov.u32 s24;
	[tilespmem:s3+$0x180] =	vst v27;
	v27 =	vld.idx.msk [tilespmem:v21+s13+$0x0], $0xffff  }
0x32e: {  	s14 =	sor.u32 s14, s4;
	s22 =	sadd.s32 $0x1, s22;
	s17 =	sadd.s32 $0x10, s29;
	[tilespmem:s28+$0x200] =	vst v31;
	v22 =	vld.idx.msk [tilespmem:v29+s13+$0x0], $0xffff  }
0x32f: {  	s18 =	sadd.s32 $0x2, s18;
	s24 =	smov.u32 s12;
	v30 =	vadd.s32 $0x280, v3;
	s29 =	sor.u32 $0x300, s17;
	v29 =	vld.idx.msk [tilespmem:v16+s13+$0x0], $0xffff;
	[tilespmem:s7+$0x13C00] =	vst v28  }
0x330: {  	s12 =	smov.u32 s9;
	s4 =	smov.u32 s2;
	s2 =	smov.u32 s20;
	v31 =	vadd.s32 $0x400, v5;
	[tilespmem:s29+$0x13C00] =	vst v24  }
0x331: {  	s20 =	sadd.s32 $0x100, s20;
	s21 =	sor.u32 $0x380, s31;
	s9 =	smov.u32 s5;
	v34 =	vld.idx.msk [tilespmem:v20+s13+$0x0], $0xffff;
	v24 =	vadd.s32 $0x180, v4;
	[tilespmem:s16+$0x80] =	vst v25  }
0x332: {  	s5 =	smov.u32 s0;
	s0 =	smov.u32 s10;
	s10 =	smov.u32 s11;
	v25 =	vadd.s32 $0x180, v26;
	v23 =	vld.idx.msk [tilespmem:v23+s13+$0x0], $0xffff  }
0x333: {  	s11 =	smov.u32 s19;
	v36 =	vadd.s32 $0x300, v3;
	s17 =	smov.u32 s8;
	v37 =	vld.idx.msk [tilespmem:v17+s13+$0x0], $0xffff;
	v21 =	vadd.s32 $0x200, v26;
	s29 =	smov.u32 s3  }
0x334: {  	s8 =	smov.u32 s1;
	s1 =	smov.u32 s6;
	s6 =	smov.u32 s21;
	v16 =	vmovc v19;
	v32 =	vadd.s32 $0x280, v26;
	v19 =	vadd.s32 $0x300, v26;
	v28 =	vadd.s32 $0x380, v26;
	v33 =	vld.idx.msk [tilespmem:v30+s13+$0x0], $0xffff;
	[tilespmem:s29+$0x200] =	vst v22  }
0x335: {  	s21 =	rddreg [dreg:$0x6];
	s31 =	sor.u32 s20, s10;
	s7 =	smov.u32 s23;
	v20 =	vmovc v12;
	v12 =	vmovc v13;
	v13 =	vadd.s32 $0x400, v26;
	v35 =	vadd.s32 $0x480, v26;
	v26 =	vadd.s32 $0x500, v26;
	[tilespmem:s12+$0x80] =	vst v27;
	v38 =	vld.idx.msk [tilespmem:v31+s13+$0x0], $0xffff  }
0x336: {  	s23 =	smov.u32 s25;
	s25 =	smov.u32 s15;
	s15 =	sor.u32 $0x380, s14;
	v17 =	vmovc v6;
	v6 =	vmov v7;
	v7 =	vmov v8;
	v8 =	vmov v26;
	[tilespmem:s24+$0x180] =	vst v29;
	v26 =	vld.idx.msk [tilespmem:v24+s13+$0x0], $0xffff  }
.Ltmp18:
0x337: {  	s10 =	sadd.s32 $0x10, s11;
	s14 =	smov.u32 s21;
	v22 =	vld.idx.msk [tilespmem:v25+s13+$0x0], $0xffff;
	[tilespmem:s15+$0x13C00] =	vst v23;
	(pc) =	sbr.rel @p0 .LBB2_35-.Ltmp18, $4  }
0x338: {  	s21 =	smov.u32 s5;
	s3 =	smov.u32 s16;
	s16 =	sand.u32 $0x3, s22;
	v23 =	vld.idx.msk [tilespmem:v18+s13+$0x0], $0xffff;
	[tilespmem:s28+$0x280] =	vst v34  }
0x339: {  	[dreg:$0x6] =	wrdreg s21;
	s21 =	sshll.u32 s16, $0x5;
	s16 =	sand.u32 $0xC00, s20;
	[tilespmem:s3+$0x100] =	vst v33;
	v31 =	vld.idx.msk [tilespmem:v14+s13+$0x0], $0xffff  }
0x33a: {  	s5 =	sand.u32 $0x60, s19;
	v30 =	vadd.s32 $0x200, v4;
	v29 =	vadd.s32 $0x380, v3;
	v24 =	vadd.s32 $0x480, v5;
	v18 =	vmovc v32;
	s15 =	sadd.s32 s21, s20;
	s28 =	sadd.s32 $0x13C00, s16;
	[tilespmem:s17+$0x13C00] =	vst v37;
	v27 =	vld.idx.msk [tilespmem:v36+s13+$0x0], $0xffff  }
0x33b: {  	s21 =	sand.u32 $0x180, s19;
	s19 =	sadd.s32 $0x20, s19;
	v14 =	vmovc v15;
	v15 =	vmovc v28;
	s16 =	sor.u32 s26, s28;
	[tilespmem:s29+$0x280] =	vst v38;
	v28 =	vld.idx.msk [tilespmem:v11+s13+$0x0], $0xffff;
	v11 =	vmov v9;
	v9 =	vmov v10;
	v10 =	vmov v35  }
0x33c: {  	s17 =	sadd.s32 s21, s30;
	s19 =	sand.u32 $0x70, s10  }
0x33d: {  	s21 =	sadd.s32 s19, s17  }
0x33e: {  	v25 =	vld [tilespmem:s21+$0x0];
	_ =	sdelay $0x1  }
0x33f: {  	v32 =	vld.idx.msk [tilespmem:v24+s13+$0x0], $0xffff;
	s17 =	sadd.s32 s5, s17  }
0x340: {  	v24 =	vld [tilespmem:s17+$0x0];
	_ =	sdelay $0x1  }
0x341: {  	v33 =	vadd.s32 $0x180, v25;
	_ =	sdelay $0x1  }
0x342: {  	s26 =	sand.u32 $0x7, s18  }
0x343: {  	s29 =	sshll.u32 s26, $0x4;
	[tilespmem:s24+$0x200] =	vst v31;
	v58 =	vadd.s32 $0x180, v24  }
0x344: {  	v5 =	vadd.s32 $0x500, v5;
	s17 =	sadd.s32 s4, s29;
	v20 =	vld.idx.msk [tilespmem:v20+s13+$0x0], $0xffff  }
0x345: {  	[tilespmem:s16+$0x0] =	vst v26;
	s17 =	sadd.s32 $0x10, s17;
	v59 =	vld.idx.msk [tilespmem:v33+s13+$0x0], $0xffff  }
0x346: {  	s30 =	sor.u32 s14, s4;
	[tilespmem:s12+$0x100] =	vst v23;
	s4 =	sadd.s32 $0x100, s20;
	s17 =	sor.u32 $0x300, s17;
	v60 =	vadd.s32 $0x200, v25  }
0x347: {  	s26 =	sor.u32 s9, s28;
	[tilespmem:s17+$0x13C00] =	vst v32;
	s17 =	sand.u32 $0xC00, s4  }
0x348: {  	[tilespmem:s26+$0x0] =	vst v22;
	s21 =	sadd.s32 $0x13C00, s17;
	v32 =	vld.idx.msk [tilespmem:v58+s13+$0x0], $0xffff  }
0x349: {  	v5 =	vld.idx.msk [tilespmem:v5+s13+$0x0], $0xffff;
	v61 =	vadd.s32 $0x200, v24;
	[tilespmem:s24+$0x280] =	vst v20;
	s24 =	sor.u32 s19, s21  }
0x34a: {  	v62 =	vld.idx.msk [tilespmem:v30+s13+$0x0], $0xffff;
	[tilespmem:s24+$0x0] =	vst v59  }
0x34b: {  	v63 =	vadd.s32 $0x280, v4;
	[tilespmem:s3+$0x180] =	vst v27;
	v33 =	vld.idx.msk [tilespmem:v60+s13+$0x0], $0xffff  }
0x34c: {  	v16 =	vld.idx.msk [tilespmem:v16+s13+$0x0], $0xffff;
	[tilespmem:s7+$0x13C00] =	vst v28;
	s28 =	sor.u32 s5, s21;
	v34 =	vadd.s32 $0x280, v25  }
0x34d: {  	s14 =	sor.u32 $0x380, s30;
	v21 =	vld.idx.msk [tilespmem:v21+s13+$0x0], $0xffff;
	[tilespmem:s28+$0x0] =	vst v32  }
0x34e: {  	[tilespmem:s14+$0x13C00] =	vst v5;
	v5 =	vld.idx.msk [tilespmem:v61+s13+$0x0], $0xffff  }
0x34f: {  	v27 =	vld.idx.msk [tilespmem:v29+s13+$0x0], $0xffff;
	[tilespmem:s16+$0x80] =	vst v62;
	v35 =	vadd.s32 $0x280, v24  }
0x350: {  	v26 =	vld.idx.msk [tilespmem:v63+s13+$0x0], $0xffff;
	[tilespmem:s24+$0x80] =	vst v33  }
0x351: {  	v37 =	vadd.s32 $0x300, v4;
	[tilespmem:s12+$0x180] =	vst v16;
	v38 =	vld.idx.msk [tilespmem:v34+s13+$0x0], $0xffff  }
0x352: {  	v17 =	vld.idx.msk [tilespmem:v17+s13+$0x0], $0xffff;
	v39 =	vadd.s32 $0x300, v25;
	[tilespmem:s26+$0x80] =	vst v21  }
0x353: {  	v18 =	vld.idx.msk [tilespmem:v18+s13+$0x0], $0xffff;
	[tilespmem:s28+$0x80] =	vst v5  }
0x354: {  	[tilespmem:s3+$0x200] =	vst v27;
	v5 =	vld.idx.msk [tilespmem:v35+s13+$0x0], $0xffff  }
0x355: {  	v40 =	vadd.s32 $0x300, v24;
	v14 =	vld.idx.msk [tilespmem:v14+s13+$0x0], $0xffff;
	[tilespmem:s16+$0x100] =	vst v26  }
0x356: {  	v36 =	vadd.s32 $0x400, v3;
	v26 =	vld.idx.msk [tilespmem:v37+s13+$0x0], $0xffff;
	[tilespmem:s24+$0x100] =	vst v38  }
0x357: {  	v42 =	vadd.s32 $0x380, v4;
	[tilespmem:s8+$0x13C00] =	vst v17;
	v43 =	vld.idx.msk [tilespmem:v39+s13+$0x0], $0xffff  }
0x358: {  	v44 =	vadd.s32 $0x380, v25;
	v11 =	vld.idx.msk [tilespmem:v11+s13+$0x0], $0xffff;
	[tilespmem:s26+$0x100] =	vst v18  }
0x359: {  	v19 =	vld.idx.msk [tilespmem:v19+s13+$0x0], $0xffff;
	[tilespmem:s28+$0x100] =	vst v5  }
0x35a: {  	[tilespmem:s12+$0x200] =	vst v14;
	v5 =	vld.idx.msk [tilespmem:v40+s13+$0x0], $0xffff  }
0x35b: {  	v45 =	vadd.s32 $0x380, v24;
	v17 =	vld.idx.msk [tilespmem:v36+s13+$0x0], $0xffff;
	[tilespmem:s16+$0x180] =	vst v26  }
0x35c: {  	v41 =	vadd.s32 $0x480, v3;
	v47 =	vld.idx.msk [tilespmem:v42+s13+$0x0], $0xffff;
	[tilespmem:s24+$0x180] =	vst v43  }
0x35d: {  	v48 =	vadd.s32 $0x400, v4;
	[tilespmem:s23+$0x13C00] =	vst v11;
	v18 =	vld.idx.msk [tilespmem:v44+s13+$0x0], $0xffff  }
0x35e: {  	v49 =	vadd.s32 $0x400, v25;
	v12 =	vld.idx.msk [tilespmem:v12+s13+$0x0], $0xffff;
	[tilespmem:s26+$0x180] =	vst v19  }
0x35f: {  	v15 =	vld.idx.msk [tilespmem:v15+s13+$0x0], $0xffff;
	[tilespmem:s28+$0x180] =	vst v5  }
0x360: {  	s29 =	sadd.s32 $0x2, s18;
	[tilespmem:s3+$0x280] =	vst v17;
	v5 =	vld.idx.msk [tilespmem:v45+s13+$0x0], $0xffff  }
0x361: {  	s30 =	sand.u32 $0x7, s29;
	v50 =	vadd.s32 $0x400, v24;
	v46 =	vld.idx.msk [tilespmem:v41+s13+$0x0], $0xffff;
	[tilespmem:s16+$0x200] =	vst v47  }
0x362: {  	v3 =	vadd.s32 $0x500, v3;
	s3 =	sshll.u32 s30, $0x4;
	v51 =	vld.idx.msk [tilespmem:v48+s13+$0x0], $0xffff;
	[tilespmem:s24+$0x200] =	vst v18  }
0x363: {  	v52 =	vadd.s32 $0x480, v4;
	s3 =	sadd.s32 s2, s3;
	[tilespmem:s12+$0x280] =	vst v12;
	v53 =	vld.idx.msk [tilespmem:v49+s13+$0x0], $0xffff  }
0x364: {  	s3 =	sadd.s32 $0x10, s3;
	[tilespmem:s26+$0x200] =	vst v15  }
0x365: {  	v54 =	vadd.s32 $0x480, v25;
	s3 =	sor.u32 $0x300, s3;
	v13 =	vld.idx.msk [tilespmem:v13+s13+$0x0], $0xffff;
	[tilespmem:s28+$0x200] =	vst v5  }
0x366: {  	[tilespmem:s3+$0x13C00] =	vst v46;
	v5 =	vld.idx.msk [tilespmem:v50+s13+$0x0], $0xffff  }
0x367: {  	s9 =	sadd.s32 $0x2, s29;
	v55 =	vadd.s32 $0x480, v24;
	v3 =	vld.idx.msk [tilespmem:v3+s13+$0x0], $0xffff;
	[tilespmem:s16+$0x280] =	vst v51  }
0x368: {  	s8 =	sand.u32 $0x7, s9;
	v56 =	vld.idx.msk [tilespmem:v52+s13+$0x0], $0xffff;
	[tilespmem:s24+$0x280] =	vst v53  }
0x369: {  	v57 =	vadd.s32 $0x500, v4;
	s8 =	sshll.u32 s8, $0x4;
	v9 =	vld.idx.msk [tilespmem:v9+s13+$0x0], $0xffff;
	s3 =	sadd.s32 $0x2, s9;
	s16 =	rddreg [dreg:$0x6]  }
0x36a: {  	s18 =	sadd.s32 s20, s8;
	s3 =	sand.u32 $0x7, s3;
	[tilespmem:s26+$0x280] =	vst v13;
	v58 =	vld.idx.msk [tilespmem:v54+s13+$0x0], $0xffff;
	s17 =	sor.u32 s16, s2  }
0x36b: {  	s19 =	sadd.s32 $0x10, s18;
	v60 =	vadd.s32 $0x500, v25;
	s3 =	sshll.u32 s3, $0x4;
	[tilespmem:s28+$0x280] =	vst v5;
	v59 =	vld.idx.msk [tilespmem:v10+s13+$0x0], $0xffff;
	s2 =	sor.u32 $0x380, s17  }
0x36c: {  	s21 =	sadd.s32 $0x1, s22;
	s5 =	sor.u32 $0x300, s19;
	s3 =	sadd.s32 s4, s3;
	[tilespmem:s2+$0x13C00] =	vst v3;
	v3 =	vld.idx.msk [tilespmem:v55+s13+$0x0], $0xffff  }
0x36d: {  	v6 =	vld.idx.msk [tilespmem:v6+s13+$0x0], $0xffff;
	v61 =	vadd.s32 $0x500, v24;
	s3 =	sadd.s32 $0x10, s3;
	[tilespmem:s5+$0x13C00] =	vst v56;
	s2 =	sand.u32 $0x3, s21  }
0x36e: {  	s3 =	sor.u32 $0x300, s3;
	[tilespmem:s25+$0x13C00] =	vst v9;
	v4 =	vld.idx.msk [tilespmem:v57+s13+$0x0], $0xffff;
	s2 =	sshll.u32 s2, $0x5  }
0x36f: {  	s22 =	sor.u32 $0x300, s15;
	v7 =	vld.idx.msk [tilespmem:v7+s13+$0x0], $0xffff;
	[tilespmem:s3+$0x13C00] =	vst v58;
	s2 =	sadd.s32 s2, s4  }
0x370: {  	[tilespmem:s22+$0x13C00] =	vst v59;
	s2 =	sor.u32 $0x300, s2;
	v62 =	vld.idx.msk [tilespmem:v60+s13+$0x0], $0xffff  }
0x371: {  	s0 =	sor.u32 s0, s20;
	[tilespmem:s2+$0x13C00] =	vst v3;
	v3 =	vld.idx.msk [tilespmem:v8+s13+$0x0], $0xffff  }
0x372: {  	s0 =	sor.u32 $0x380, s0;
	[tilespmem:s1+$0x13C00] =	vst v6;
	v63 =	vld.idx.msk [tilespmem:v61+s13+$0x0], $0xffff  }
0x373: {  	s23 =	sor.u32 s10, s4;
	[tilespmem:s0+$0x13C00] =	vst v4  }
0x374: {  	[tilespmem:s6+$0x13C00] =	vst v7;
	s0 =	sor.u32 $0x380, s23  }
0x375: {  	s24 =	sor.u32 s4, s11;
	s25 =	sor.u32 $0x380, s31;
	[tilespmem:s0+$0x13C00] =	vst v62  }
0x376: {  	s26 =	sor.u32 $0x380, s24;
	[tilespmem:s25+$0x13C00] =	vst v3  }
0x377: {  	[tilespmem:s26+$0x13C00] =	vst v63  }
0x378: {  	s31 =	rddreg [dreg:$0xe]  }
0x379: {  	s11 =	sadd.s32 $0x1, s31  }
0x37a: {  	p0 =	sne.s32 s11, $0x8  }
.Ltmp19:
0x37b: {  	_ = 	snop;
	(pc) =	sbr.rel @p0 .LBB2_4-.Ltmp19, $4  }
.Ltmp20:
0x37c: {  	s0 =	rddreg [dreg:$0xb];
	(pc) =	sbr.rel @!p0 .LBB2_37-.Ltmp20, $4  }
0x37d: {  	s29 =	simm.s32 $0x0;
	s28 =	rddreg [dreg:$0x10]  }
0x37e: {  	s10 =	simm.s32 $0x2C00;
	s30 =	simm.s32 $0x13C00;
	s0 =	sadd.s32 s28, s0  }
0x37f: {  	[hbm4b:s0+s29] =	stream.linear.scatter [tilespmem:s30], [sflag:$0x4], $0x1000, $0x38;
	[tilespmem:$0x14C00] =	vst v63  }
0x380: {  	_ = 	snop  }
.LBB2_13:
.Ltmp21:
0x381: {  	(pc) =	sbr.rel .LBB2_18-.Ltmp21, $2  }
0x382: {  	_ =	sdelay $0x2  }
0x383: {  	_ = 	snop  }
.LBB2_29:
.Ltmp22:
0x384: {  	(pc) =	sbr.rel .LBB2_34-.Ltmp22, $2  }
0x385: {  	_ =	sdelay $0x2  }
0x386: {  	_ = 	snop  }
.LBB2_15:
.Ltmp23:
0x387: {  	(pc) =	sbr.rel .LBB2_18-.Ltmp23, $2  }
0x388: {  	_ =	sdelay $0x2  }
0x389: {  	s1 =	simm.s32 $0x70;
	v13 =	vmovc v4;
	v14 =	vmov v7;
	v12 =	vmov v6;
	v9 =	vmov v10  }
.LBB2_31:
.Ltmp24:
0x38a: {  	(pc) =	sbr.rel .LBB2_34-.Ltmp24, $2  }
0x38b: {  	_ =	sdelay $0x2  }
0x38c: {  	s1 =	simm.s32 $0x70;
	v13 =	vmovc v4;
	v14 =	vmov v7;
	v12 =	vmov v6;
	v9 =	vmov v10  }
.LBB2_6:
.Ltmp25:
0x38d: {  	(pc) =	sbr.rel .LBB2_11-.Ltmp25, $2  }
0x38e: {  	_ =	sdelay $0x2  }
0x38f: {  	_ = 	snop  }
.LBB2_22:
.Ltmp26:
0x390: {  	(pc) =	sbr.rel .LBB2_27-.Ltmp26, $2  }
0x391: {  	_ =	sdelay $0x2  }
0x392: {  	_ = 	snop  }
.LBB2_8:
.Ltmp27:
0x393: {  	(pc) =	sbr.rel .LBB2_11-.Ltmp27, $2  }
0x394: {  	_ =	sdelay $0x2  }
0x395: {  	s2 =	simm.s32 $0x70;
	v8 =	vmov v4;
	v7 =	vmov v3;
	v6 =	vmov v5  }
.LBB2_24:
.Ltmp28:
0x396: {  	(pc) =	sbr.rel .LBB2_27-.Ltmp28, $2  }
0x397: {  	_ =	sdelay $0x2  }
0x398: {  	s2 =	simm.s32 $0x70;
	v8 =	vmov v4;
	v7 =	vmov v3;
	v6 =	vmov v5  }
.LBB2_38:
0x399: {  	_ =	sfence.sel $0x180000  }
0x39a: {  	[bflag:$0x0] =	sbarrier.arrive $0xFFFF  }
0x39b: {  	_ =	strace $0x90000047  }
0x39c: {  	s0 =	stileid.u32;
	[bflag:$0x2] =	sbarrier.arrive $0xFFFF  }
0x39d: {  	p0 =	sne.s32 s0, $0x0;
	s0 =	rddreg [dreg:$0x4]  }
0x39e: {  	s0 =	sadd.s32 @!p0 $0x100000, s0  }
0x39f: {  	[sflag:s0] =	ssyncadd.tile.s32 @!p0 $0x1;
	_ =	shalt  }
.Lfunc_end2:
_tile_overlayer_lowered:
.L_overlay_start_2:
0x3a0: {  	(tag) =	ssettag $0x2  }
0x3a1: {  	s0 =	rddreg [dreg:$0x0];
	s2 =	stileid.u32  }
0x3a2: {  	s1 =	rddreg [dreg:$0x1];
	p0 =	sne.s32 s2, $0x0  }
0x3a3: {  	s3 =	rddreg [dreg:$0x2];
	[bflag:$0x3] =	sbarrier.arrive $0xFFFF;
	s2 =	simm.s32 @!p0 $0x1C05  }
0x3a4: {  	[timem:s3], [sflag:s2] =	dma.local @!p0 [hbm:s0], s1  }
0x3a5: {  	s0 =	simm.s32 @!p0 $0x5  }
0x3a6: {  	_ =	swait.ge @!p0 [sflag:s0], s1  }
0x3a7: {  	s1 =	ssub.s32 @!p0 $0x0, s1;
	[sflag:s0] =	ssyncset.done @!p0 $0x0  }
0x3a8: {  	[sflag:s0] =	ssyncadd.s32 @!p0 s1  }
0x3a9: {  	[bflag:$0x3] =	sbarrier.arrive $0xFFFF  }
0x3aa: {  	_ =	shalt  }

</sc_bundles>
